<compile_context>
chip_gen: v7x
topology: tpu7x:2x2x1
jax: 0.10.2.dev20260603
libtpu: 0.0.44.dev20260713+nightly
codegen_flags: <defaults>
</compile_context>

<pallas_src>
import functools

import jax
import jax.numpy as jnp
from jax import lax
from jax.experimental import pallas as pl
from jax.experimental.pallas import tpu as pltpu
from jax.experimental.pallas import tpu_sc as plsc

N = 10000
E = 320000
F_IN = 128
H = 64
LH = 32
NT = 10

N_TAB = 10112
NC = 2
NS = 16
NW = NC * NS
CH = 128
CPW = 80
E_PAD = NW * CPW * CH
NPT = N_TAB // NS
WD = 16

_f32 = jnp.float32

_mesh = plsc.VectorSubcoreMesh(core_axis_name="c", subcore_axis_name="s")
_sc_params = pltpu.CompilerParams(use_tc_tiling_on_sc=False)



@functools.partial(
    pl.kernel,
    out_type=jax.ShapeDtypeStruct((NC, N_TAB, WD), _f32),
    mesh=_mesh,
    scratch_types=[
        pltpu.VMEM((CPW, CH), jnp.int32),
        pltpu.VMEM((CH, WD), _f32),
        pltpu.VMEM_SHARED((N_TAB, WD), _f32),
        pltpu.SemaphoreType.DMA,
        [pltpu.SemaphoreType.DMA] * 3,
    ],
    compiler_params=_sc_params,
)
def _deg_kernel(dst_hbm, ones_hbm, zeros_hbm, out_hbm, dst_v, ones_v,
                acc_sh, sem, psems):
    cid = lax.axis_index("c")
    sid = lax.axis_index("s")
    wid = sid * NC + cid
    pltpu.async_copy(zeros_hbm, acc_sh.at[pl.ds(sid * NPT, NPT)], psems[0])
    pltpu.async_copy(ones_hbm, ones_v, psems[1])
    pltpu.async_copy(dst_hbm.at[wid], dst_v, psems[2])
    pltpu.make_async_copy(ones_hbm, ones_v, psems[1]).wait()
    pltpu.make_async_copy(dst_hbm.at[wid], dst_v, psems[2]).wait()
    pltpu.make_async_copy(zeros_hbm, acc_sh.at[pl.ds(sid * NPT, NPT)],
                          psems[0]).wait()
    plsc.subcore_barrier()

    def body(j, carry):
        pltpu.async_copy(ones_v, acc_sh.at[dst_v.at[j]], sem, add=True)

        @pl.when(j >= 8)
        def _():
            pltpu.make_async_copy(ones_v, acc_sh.at[dst_v.at[j - 8]],
                                  sem).wait()

        return carry

    lax.fori_loop(0, CPW, body, 0)
    for k in range(8):
        pltpu.make_async_copy(ones_v, acc_sh.at[dst_v.at[CPW - 8 + k]],
                              sem).wait()
    plsc.subcore_barrier()
    pltpu.sync_copy(acc_sh.at[pl.ds(sid * NPT, NPT)],
                    out_hbm.at[cid, pl.ds(sid * NPT, NPT)])


@functools.partial(
    pl.kernel,
    out_type=jax.ShapeDtypeStruct((NC, N_TAB, H), _f32),
    mesh=_mesh,
    scratch_types=[
        pltpu.VMEM((CPW, CH), jnp.int32),
        pltpu.VMEM((CPW, CH), jnp.int32),
        [pltpu.VMEM((CH, H), _f32)] * 4,
        pltpu.VMEM_SHARED((N_TAB, H), _f32),
        [pltpu.SemaphoreType.DMA] * 4,
        [pltpu.SemaphoreType.DMA] * 3,
    ],
    compiler_params=_sc_params,
)
def _scatter_kernel(g_hbm, src_hbm, dst_hbm, zeros_hbm, out_hbm, src_v, dst_v,
                    rows, acc_sh, sems, psems):
    cid = lax.axis_index("c")
    sid = lax.axis_index("s")
    wid = sid * NC + cid
    pltpu.async_copy(zeros_hbm, acc_sh.at[pl.ds(sid * NPT, NPT)], psems[0])
    pltpu.async_copy(src_hbm.at[wid], src_v, psems[1])
    pltpu.async_copy(dst_hbm.at[wid], dst_v, psems[2])
    pltpu.make_async_copy(src_hbm.at[wid], src_v, psems[1]).wait()

    NB = 4
    for b in range(NB):
        pltpu.async_copy(g_hbm.at[src_v.at[b]], rows[b], sems[b])

    pltpu.make_async_copy(dst_hbm.at[wid], dst_v, psems[2]).wait()
    pltpu.make_async_copy(zeros_hbm, acc_sh.at[pl.ds(sid * NPT, NPT)],
                          psems[0]).wait()
    plsc.subcore_barrier()

    def body(i, carry):
        j0 = NB * i
        for b in range(NB):
            j = j0 + b
            pltpu.make_async_copy(g_hbm.at[src_v.at[j]], rows[b],
                                  sems[b]).wait()
            pltpu.sync_copy(rows[b], acc_sh.at[dst_v.at[j]], add=True)

            @pl.when(j + NB < CPW)
            def _():
                pltpu.async_copy(g_hbm.at[src_v.at[j + NB]], rows[b], sems[b])

        return carry

    lax.fori_loop(0, CPW // NB, body, 0)
    plsc.subcore_barrier()
    pltpu.sync_copy(acc_sh.at[pl.ds(sid * NPT, NPT)],
                    out_hbm.at[cid, pl.ds(sid * NPT, NPT)])



def _prep_body(degacc, x, w1, dinv_o, g1_o):
    deg = degacc[0] + degacc[1]
    deg0 = deg[:, 0:1] + 1.0
    row = lax.broadcasted_iota(jnp.int32, (N_TAB, 1), 0)
    dinv = jnp.where(row < N, lax.rsqrt(deg0), 0.0)
    dinv_o[...] = dinv
    g1_o[...] = dinv * jnp.dot(x[...], w1[...], preferred_element_type=_f32)


_prep_call = pl.pallas_call(
    _prep_body,
    out_shape=(jax.ShapeDtypeStruct((N_TAB, 1), _f32),
               jax.ShapeDtypeStruct((N_TAB, H), _f32)),
)


def _mid_body(acc, g, dinv, b, w, gout):
    s = acc[0] + acc[1] + g[...]
    h = jnp.maximum(dinv[...] * s + b[...], 0.0)
    gout[...] = dinv[...] * jnp.dot(h, w[...], preferred_element_type=_f32)


_mid_call = pl.pallas_call(
    _mid_body,
    out_shape=jax.ShapeDtypeStruct((N_TAB, H), _f32),
)


def _epi_body(acc, g3, dinv, b3, wi0, wg0, wo0, bi0, bg0, bo0,
              wi1, wg1, wo1, bi1, bg1, bo1,
              vw1, vb1, vw2, vb2, tw1, tb1, tw2, tb2, vol_o, typ_o):
    s = acc[0] + acc[1] + g3[...]
    h = jnp.maximum(dinv[...] * s + b3[...], 0.0)

    def cell(hh, wi, wg, wo, bi, bg, bo):
        ig = jax.nn.sigmoid(jnp.dot(hh, wi[...], preferred_element_type=_f32)
                            + bi[...])
        gg = jnp.tanh(jnp.dot(hh, wg[...], preferred_element_type=_f32)
                      + bg[...])
        og = jax.nn.sigmoid(jnp.dot(hh, wo[...], preferred_element_type=_f32)
                            + bo[...])
        return og * jnp.tanh(ig * gg)

    hl = cell(h, wi0, wg0, wo0, bi0, bg0, bo0)
    hl = cell(hl, wi1, wg1, wo1, bi1, bg1, bo1)
    v = jnp.maximum(jnp.dot(hl, vw1[...], preferred_element_type=_f32)
                    + vb1[...], 0.0)
    vol_o[...] = jnp.dot(v, vw2[...], preferred_element_type=_f32) + vb2[...]
    t = jnp.maximum(jnp.dot(hl, tw1[...], preferred_element_type=_f32)
                    + tb1[...], 0.0)
    typ_o[...] = jnp.dot(t, tw2[...], preferred_element_type=_f32) + tb2[...]


_epi_call = pl.pallas_call(
    _epi_body,
    out_shape=(jax.ShapeDtypeStruct((N_TAB, 1), _f32),
               jax.ShapeDtypeStruct((N_TAB, NT), _f32)),
)



@jax.jit
def _run(x, edge_index, W1, b1, W2, b2, W3, b3, Wih0, bih0, bhh0,
         Wih1, bih1, bhh1, vW1, vb1, vW2, vb2, tW1, tb1, tW2, tb2):
    pad = E_PAD - E
    padrows = N + (jnp.arange(pad, dtype=jnp.int32) % (N_TAB - N))
    src_p = jnp.concatenate([edge_index[0], padrows]).reshape(NW, CPW, CH)
    dst_p = jnp.concatenate([edge_index[1], padrows]).reshape(NW, CPW, CH)
    x_pad = jnp.pad(x, ((0, N_TAB - N), (0, 0)))

    zeros16 = jnp.zeros((NPT, WD), _f32)
    ones16 = jnp.ones((CH, WD), _f32)
    zeros64 = jnp.zeros((NPT, H), _f32)

    degacc = _deg_kernel(dst_p, ones16, zeros16)
    dinv, g1 = _prep_call(degacc, x_pad, W1)
    acc1 = _scatter_kernel(g1, src_p, dst_p, zeros64)
    g2 = _mid_call(acc1, g1, dinv, b1.reshape(1, H), W2)
    acc2 = _scatter_kernel(g2, src_p, dst_p, zeros64)
    g3 = _mid_call(acc2, g2, dinv, b2.reshape(1, H), W3)
    acc3 = _scatter_kernel(g3, src_p, dst_p, zeros64)

    bc0 = bih0 + bhh0
    bc1 = bih1 + bhh1
    wi0, wg0, wo0 = Wih0[:LH].T, Wih0[2 * LH:3 * LH].T, Wih0[3 * LH:].T
    wi1, wg1, wo1 = Wih1[:LH].T, Wih1[2 * LH:3 * LH].T, Wih1[3 * LH:].T
    vol, typ = _epi_call(
        acc3, g3, dinv, b3.reshape(1, H),
        wi0, wg0, wo0,
        bc0[:LH].reshape(1, LH), bc0[2 * LH:3 * LH].reshape(1, LH),
        bc0[3 * LH:].reshape(1, LH),
        wi1, wg1, wo1,
        bc1[:LH].reshape(1, LH), bc1[2 * LH:3 * LH].reshape(1, LH),
        bc1[3 * LH:].reshape(1, LH),
        vW1, vb1.reshape(1, H // 2), vW2, vb2.reshape(1, 1),
        tW1, tb1.reshape(1, H // 2), tW2, tb2.reshape(1, NT))
    return vol[:N], typ[:N]


def kernel(x, edge_index, temporal_seq, W1, b1, W2, b2, W3, b3, Wih0, Whh0,
           bih0, bhh0, Wih1, Whh1, bih1, bhh1, vW1, vb1, vW2, vb2, tW1, tb1,
           tW2, tb2):
    del temporal_seq, Whh0, Whh1
    return _run(x, edge_index, W1, b1, W2, b2, W3, b3, Wih0, bih0, bhh0,
                Wih1, bih1, bhh1, vW1, vb1, vW2, vb2, tW1, tb1, tW2, tb2)

# --- scband reference (transcript-rebuilt; emitter-appended) ---
"""Pipeline reference for scband-temporal-waste-gnn-84791244358296 (READ-ONLY COPY).

The authoritative reference and input builder live on the scoring server;
editing this copy changes nothing except your own understanding.
"""

import jax, jax.numpy as jnp
import numpy as np

N = 10000
E = 320000
F_IN = 128
H = 64
LH = 32
NT = 10

def setup_inputs(seed: int = 0):
    key = jax.random.key(seed)
    ks = jax.random.split(key, 16)
    s = 0.05
    inp = {}
    inp['x'] = jax.random.normal(ks[0], (N, F_IN), jnp.float32)
    inp['edge_index'] = jax.random.randint(ks[1], (2, E), 0, N, dtype=jnp.int32)
    inp['temporal_seq'] = jnp.ones((1,), jnp.float32)
    inp['W1'] = jax.random.normal(ks[2], (F_IN, H), jnp.float32) * s
    inp['b1'] = jnp.zeros((H,), jnp.float32)
    inp['W2'] = jax.random.normal(ks[3], (H, H), jnp.float32) * s
    inp['b2'] = jnp.zeros((H,), jnp.float32)
    inp['W3'] = jax.random.normal(ks[4], (H, H), jnp.float32) * s
    inp['b3'] = jnp.zeros((H,), jnp.float32)
    inp['Wih0'] = jax.random.normal(ks[5], (4 * LH, H), jnp.float32) * s
    inp['Whh0'] = jax.random.normal(ks[6], (4 * LH, LH), jnp.float32) * s
    inp['bih0'] = jnp.zeros((4 * LH,), jnp.float32)
    inp['bhh0'] = jnp.zeros((4 * LH,), jnp.float32)
    inp['Wih1'] = jax.random.normal(ks[7], (4 * LH, LH), jnp.float32) * s
    inp['Whh1'] = jax.random.normal(ks[8], (4 * LH, LH), jnp.float32) * s
    inp['bih1'] = jnp.zeros((4 * LH,), jnp.float32)
    inp['bhh1'] = jnp.zeros((4 * LH,), jnp.float32)
    inp['vW1'] = jax.random.normal(ks[9], (LH, H // 2), jnp.float32) * s
    inp['vb1'] = jnp.zeros((H // 2,), jnp.float32)
    inp['vW2'] = jax.random.normal(ks[10], (H // 2, 1), jnp.float32) * s
    inp['vb2'] = jnp.zeros((1,), jnp.float32)
    inp['tW1'] = jax.random.normal(ks[11], (LH, H // 2), jnp.float32) * s
    inp['tb1'] = jnp.zeros((H // 2,), jnp.float32)
    inp['tW2'] = jax.random.normal(ks[12], (H // 2, NT), jnp.float32) * s
    inp['tb2'] = jnp.zeros((NT,), jnp.float32)
    return inp

def _forward(x, edge_index, W1, b1, W2, b2, W3, b3, Wih0, Whh0, bih0, bhh0, Wih1, Whh1, bih1, bhh1, vW1, vb1, vW2, vb2, tW1, tb1, tW2, tb2):
    n = x.shape[0]
    loop = jnp.arange(n, dtype=edge_index.dtype)
    src = jnp.concatenate([edge_index[0], loop])
    dst = jnp.concatenate([edge_index[1], loop])
    deg = jnp.zeros((n,), x.dtype).at[dst].add(1.0)
    dinv = jnp.where(deg > 0, deg ** -0.5, 0.0)
    norm = (dinv[src] * dinv[dst])[:, None]
    def gcn(h, W, b):
        m = (h @ W)[src] * norm
        return jnp.zeros((n, W.shape[1]), h.dtype).at[dst].add(m) + b
    h = jax.nn.relu(gcn(x, W1, b1))
    h = jax.nn.relu(gcn(h, W2, b2))
    h = jax.nn.relu(gcn(h, W3, b3))
    # LSTM with seq_len=1 (x.unsqueeze(1)), 2 layers, zero initial state
    h0 = jnp.zeros((n, LH), x.dtype)
    c0 = jnp.zeros((n, LH), x.dtype)
    def cell(inp, hp, cp, Wih, Whh, bih, bhh):
        g = inp @ Wih.T + hp @ Whh.T + bih + bhh
        i, f, gg, o = jnp.split(g, 4, axis=-1)
        c = jax.nn.sigmoid(f) * cp + jax.nn.sigmoid(i) * jnp.tanh(gg)
        return jax.nn.sigmoid(o) * jnp.tanh(c)
    h = cell(h, h0, c0, Wih0, Whh0, bih0, bhh0)
    h = cell(h, h0, c0, Wih1, Whh1, bih1, bhh1)
    vol = jax.nn.relu(h @ vW1 + vb1) @ vW2 + vb2
    typ = jax.nn.relu(h @ tW1 + tb1) @ tW2 + tb2
    return (vol, typ)

def reference(x, edge_index, temporal_seq, W1, b1, W2, b2, W3, b3, Wih0, Whh0, bih0, bhh0, Wih1, Whh1, bih1, bhh1, vW1, vb1, vW2, vb2, tW1, tb1, tW2, tb2):
    # temporal_seq is only a non-None flag in the torch module; LSTM path is taken.
    return _forward(x, edge_index, W1, b1, W2, b2, W3, b3, Wih0, Whh0, bih0, bhh0, Wih1, Whh1, bih1, bhh1, vW1, vb1, vW2, vb2, tW1, tb1, tW2, tb2)

if __name__ == "__main__":
    import jax
    _d = setup_inputs()
    print(jax.jit(kernel)(*tuple(_d.values())))

</pallas_src>

<mosaic_0001>
#map = affine_map<(d0, d1) -> (0, 0)>
#map1 = affine_map<(d0, d1) -> (0, 0, 0)>
module attributes {stable_mosaic.version = 14 : i64} {
  func.func @_scatter_kernel(%arg0: i32, %arg1: i32, %arg2: memref<10112x64xf32, #tpu.memory_space<hbm>>, %arg3: memref<32x80x128xi32, #tpu.memory_space<hbm>>, %arg4: memref<32x80x128xi32, #tpu.memory_space<hbm>>, %arg5: memref<632x64xf32, #tpu.memory_space<hbm>>, %arg6: memref<2x10112x64xf32, #tpu.memory_space<hbm>>, %arg7: memref<80x128xi32, #tpu.memory_space<vmem>>, %arg8: memref<80x128xi32, #tpu.memory_space<vmem>>, %arg9: memref<128x64xf32, #tpu.memory_space<vmem>>, %arg10: memref<128x64xf32, #tpu.memory_space<vmem>>, %arg11: memref<128x64xf32, #tpu.memory_space<vmem>>, %arg12: memref<128x64xf32, #tpu.memory_space<vmem>>, %arg13: memref<10112x64xf32, #tpu.memory_space<vmem_shared>>, %arg14: memref<!tpu.dma_semaphore, #tpu.memory_space<semaphore_mem>>, %arg15: memref<!tpu.dma_semaphore, #tpu.memory_space<semaphore_mem>>, %arg16: memref<!tpu.dma_semaphore, #tpu.memory_space<semaphore_mem>>, %arg17: memref<!tpu.dma_semaphore, #tpu.memory_space<semaphore_mem>>, %arg18: memref<!tpu.dma_semaphore, #tpu.memory_space<semaphore_mem>>, %arg19: memref<!tpu.dma_semaphore, #tpu.memory_space<semaphore_mem>>, %arg20: memref<!tpu.dma_semaphore, #tpu.memory_space<semaphore_mem>>) attributes {dimension_semantics = [#tpu.dimension_semantics<core_parallel>, #tpu.dimension_semantics<subcore_parallel>], iteration_bounds = array<i64: 2, 16>, scalar_prefetch = 0 : i64, scratch_operands = 14 : i64, tpu.core_type = #tpu.core_type<sc_vector_subcore>, window_params = [{transform_indices = #map}, {transform_indices = #map1}, {transform_indices = #map1}, {transform_indices = #map}, {transform_indices = #map1}]} {
    %mul3A = arith.constant 2 : i32
    %mul3A_0 = arith.muli %arg1, %mul3A : i32
    %add3A = arith.addi %mul3A_0, %arg0 : i32
    %mul3A_1 = arith.constant 632 : i32
    %mul3A_2 = arith.muli %arg1, %mul3A_1 : i32
    %dma_start3A = arith.constant 0 : i32
    %dma_start3A_3 = tpu.memref_slice %arg13[%mul3A_2, %dma_start3A] : memref<10112x64xf32, #tpu.memory_space<vmem_shared>> -> memref<632x64xf32, #tpu.memory_space<vmem_shared>>
    tpu.enqueue_dma source(%arg5 : memref<632x64xf32, #tpu.memory_space<hbm>>) target(%dma_start3A_3 : memref<632x64xf32, #tpu.memory_space<vmem_shared>>) target_semaphore(%arg18 : memref<!tpu.dma_semaphore, #tpu.memory_space<semaphore_mem>>)
    %dma_start3A_4 = arith.constant 0 : i32
    %dma_start3A_5 = arith.constant 0 : i32
    %dma_start3A_6 = tpu.memref_slice %arg3[%add3A, %dma_start3A_4, %dma_start3A_5] : memref<32x80x128xi32, #tpu.memory_space<hbm>> -> memref<1x80x128xi32, #tpu.memory_space<hbm>>
    %dma_start3A_7 = tpu.memref_squeeze %dma_start3A_6 : memref<1x80x128xi32, #tpu.memory_space<hbm>> -> memref<80x128xi32, #tpu.memory_space<hbm>>
    %dma_start3A_8 = arith.constant 0 : i32
    %dma_start3A_9 = arith.constant 0 : i32
    %dma_start3A_10 = tpu.memref_slice %arg3[%add3A, %dma_start3A_8, %dma_start3A_9] : memref<32x80x128xi32, #tpu.memory_space<hbm>> -> memref<1x80x128xi32, #tpu.memory_space<hbm>>
    %dma_start3A_11 = tpu.memref_squeeze %dma_start3A_10 : memref<1x80x128xi32, #tpu.memory_space<hbm>> -> memref<80x128xi32, #tpu.memory_space<hbm>>
    tpu.enqueue_dma source(%dma_start3A_11 : memref<80x128xi32, #tpu.memory_space<hbm>>) target(%arg7 : memref<80x128xi32, #tpu.memory_space<vmem>>) target_semaphore(%arg19 : memref<!tpu.dma_semaphore, #tpu.memory_space<semaphore_mem>>)
    %dma_start3A_12 = arith.constant 0 : i32
    %dma_start3A_13 = arith.constant 0 : i32
    %dma_start3A_14 = tpu.memref_slice %arg4[%add3A, %dma_start3A_12, %dma_start3A_13] : memref<32x80x128xi32, #tpu.memory_space<hbm>> -> memref<1x80x128xi32, #tpu.memory_space<hbm>>
    %dma_start3A_15 = tpu.memref_squeeze %dma_start3A_14 : memref<1x80x128xi32, #tpu.memory_space<hbm>> -> memref<80x128xi32, #tpu.memory_space<hbm>>
    %dma_start3A_16 = arith.constant 0 : i32
    %dma_start3A_17 = arith.constant 0 : i32
    %dma_start3A_18 = tpu.memref_slice %arg4[%add3A, %dma_start3A_16, %dma_start3A_17] : memref<32x80x128xi32, #tpu.memory_space<hbm>> -> memref<1x80x128xi32, #tpu.memory_space<hbm>>
    %dma_start3A_19 = tpu.memref_squeeze %dma_start3A_18 : memref<1x80x128xi32, #tpu.memory_space<hbm>> -> memref<80x128xi32, #tpu.memory_space<hbm>>
    tpu.enqueue_dma source(%dma_start3A_19 : memref<80x128xi32, #tpu.memory_space<hbm>>) target(%arg8 : memref<80x128xi32, #tpu.memory_space<vmem>>) target_semaphore(%arg20 : memref<!tpu.dma_semaphore, #tpu.memory_space<semaphore_mem>>)
    %dma_wait3A = arith.constant 0 : i32
    %dma_wait3A_20 = arith.constant 0 : i32
    %dma_wait3A_21 = tpu.memref_slice %arg3[%add3A, %dma_wait3A, %dma_wait3A_20] : memref<32x80x128xi32, #tpu.memory_space<hbm>> -> memref<1x80x128xi32, #tpu.memory_space<hbm>>
    %dma_wait3A_22 = tpu.memref_squeeze %dma_wait3A_21 : memref<1x80x128xi32, #tpu.memory_space<hbm>> -> memref<80x128xi32, #tpu.memory_space<hbm>>
    %dma_wait3A_23 = arith.constant 0 : i32
    %dma_wait3A_24 = arith.constant 0 : i32
    %dma_wait3A_25 = tpu.memref_slice %arg3[%add3A, %dma_wait3A_23, %dma_wait3A_24] : memref<32x80x128xi32, #tpu.memory_space<hbm>> -> memref<1x80x128xi32, #tpu.memory_space<hbm>>
    %dma_wait3A_26 = tpu.memref_squeeze %dma_wait3A_25 : memref<1x80x128xi32, #tpu.memory_space<hbm>> -> memref<80x128xi32, #tpu.memory_space<hbm>>
    tpu.wait_dma2 semaphore(%arg19 : memref<!tpu.dma_semaphore, #tpu.memory_space<semaphore_mem>>) src(%dma_wait3A_26 : memref<80x128xi32, #tpu.memory_space<hbm>>) dst(%arg7 : memref<80x128xi32, #tpu.memory_space<vmem>>)
    %dma_start3A_27 = arith.constant 0 : i32
    %dma_start3A_28 = arith.constant 0 : i32
    %dma_start3A_29 = tpu.memref_slice %arg7[%dma_start3A_27, %dma_start3A_28] : memref<80x128xi32, #tpu.memory_space<vmem>> -> memref<1x128xi32, #tpu.memory_space<vmem>>
    %dma_start3A_30 = tpu.memref_squeeze %dma_start3A_29 : memref<1x128xi32, #tpu.memory_space<vmem>> -> memref<128xi32, #tpu.memory_space<vmem>>
    %dma_start3A_31 = arith.constant 0 : i32
    %dma_start3A_32 = arith.constant 0 : i32
    %dma_start3A_33 = tpu.memref_slice %arg2[%dma_start3A_31, %dma_start3A_32] : memref<10112x64xf32, #tpu.memory_space<hbm>> -> memref<10112x64xf32, #tpu.memory_space<hbm>>
    tpu.enqueue_indirect_dma source(%dma_start3A_33 : memref<10112x64xf32, #tpu.memory_space<hbm>>) target(%arg9 : memref<128x64xf32, #tpu.memory_space<vmem>>) offsets(%dma_start3A_30 : memref<128xi32, #tpu.memory_space<vmem>>) semaphore(%arg14 : memref<!tpu.dma_semaphore, #tpu.memory_space<semaphore_mem>>)
    %dma_start3A_34 = arith.constant 1 : i32
    %dma_start3A_35 = arith.constant 0 : i32
    %dma_start3A_36 = tpu.memref_slice %arg7[%dma_start3A_34, %dma_start3A_35] : memref<80x128xi32, #tpu.memory_space<vmem>> -> memref<1x128xi32, #tpu.memory_space<vmem>>
    %dma_start3A_37 = tpu.memref_squeeze %dma_start3A_36 : memref<1x128xi32, #tpu.memory_space<vmem>> -> memref<128xi32, #tpu.memory_space<vmem>>
    %dma_start3A_38 = arith.constant 0 : i32
    %dma_start3A_39 = arith.constant 0 : i32
    %dma_start3A_40 = tpu.memref_slice %arg2[%dma_start3A_38, %dma_start3A_39] : memref<10112x64xf32, #tpu.memory_space<hbm>> -> memref<10112x64xf32, #tpu.memory_space<hbm>>
    tpu.enqueue_indirect_dma source(%dma_start3A_40 : memref<10112x64xf32, #tpu.memory_space<hbm>>) target(%arg10 : memref<128x64xf32, #tpu.memory_space<vmem>>) offsets(%dma_start3A_37 : memref<128xi32, #tpu.memory_space<vmem>>) semaphore(%arg15 : memref<!tpu.dma_semaphore, #tpu.memory_space<semaphore_mem>>)
    %dma_start3A_41 = arith.constant 2 : i32
    %dma_start3A_42 = arith.constant 0 : i32
    %dma_start3A_43 = tpu.memref_slice %arg7[%dma_start3A_41, %dma_start3A_42] : memref<80x128xi32, #tpu.memory_space<vmem>> -> memref<1x128xi32, #tpu.memory_space<vmem>>
    %dma_start3A_44 = tpu.memref_squeeze %dma_start3A_43 : memref<1x128xi32, #tpu.memory_space<vmem>> -> memref<128xi32, #tpu.memory_space<vmem>>
    %dma_start3A_45 = arith.constant 0 : i32
    %dma_start3A_46 = arith.constant 0 : i32
    %dma_start3A_47 = tpu.memref_slice %arg2[%dma_start3A_45, %dma_start3A_46] : memref<10112x64xf32, #tpu.memory_space<hbm>> -> memref<10112x64xf32, #tpu.memory_space<hbm>>
    tpu.enqueue_indirect_dma source(%dma_start3A_47 : memref<10112x64xf32, #tpu.memory_space<hbm>>) target(%arg11 : memref<128x64xf32, #tpu.memory_space<vmem>>) offsets(%dma_start3A_44 : memref<128xi32, #tpu.memory_space<vmem>>) semaphore(%arg16 : memref<!tpu.dma_semaphore, #tpu.memory_space<semaphore_mem>>)
    %dma_start3A_48 = arith.constant 3 : i32
    %dma_start3A_49 = arith.constant 0 : i32
    %dma_start3A_50 = tpu.memref_slice %arg7[%dma_start3A_48, %dma_start3A_49] : memref<80x128xi32, #tpu.memory_space<vmem>> -> memref<1x128xi32, #tpu.memory_space<vmem>>
    %dma_start3A_51 = tpu.memref_squeeze %dma_start3A_50 : memref<1x128xi32, #tpu.memory_space<vmem>> -> memref<128xi32, #tpu.memory_space<vmem>>
    %dma_start3A_52 = arith.constant 0 : i32
    %dma_start3A_53 = arith.constant 0 : i32
    %dma_start3A_54 = tpu.memref_slice %arg2[%dma_start3A_52, %dma_start3A_53] : memref<10112x64xf32, #tpu.memory_space<hbm>> -> memref<10112x64xf32, #tpu.memory_space<hbm>>
    tpu.enqueue_indirect_dma source(%dma_start3A_54 : memref<10112x64xf32, #tpu.memory_space<hbm>>) target(%arg12 : memref<128x64xf32, #tpu.memory_space<vmem>>) offsets(%dma_start3A_51 : memref<128xi32, #tpu.memory_space<vmem>>) semaphore(%arg17 : memref<!tpu.dma_semaphore, #tpu.memory_space<semaphore_mem>>)
    %dma_wait3A_55 = arith.constant 0 : i32
    %dma_wait3A_56 = arith.constant 0 : i32
    %dma_wait3A_57 = tpu.memref_slice %arg4[%add3A, %dma_wait3A_55, %dma_wait3A_56] : memref<32x80x128xi32, #tpu.memory_space<hbm>> -> memref<1x80x128xi32, #tpu.memory_space<hbm>>
    %dma_wait3A_58 = tpu.memref_squeeze %dma_wait3A_57 : memref<1x80x128xi32, #tpu.memory_space<hbm>> -> memref<80x128xi32, #tpu.memory_space<hbm>>
    %dma_wait3A_59 = arith.constant 0 : i32
    %dma_wait3A_60 = arith.constant 0 : i32
    %dma_wait3A_61 = tpu.memref_slice %arg4[%add3A, %dma_wait3A_59, %dma_wait3A_60] : memref<32x80x128xi32, #tpu.memory_space<hbm>> -> memref<1x80x128xi32, #tpu.memory_space<hbm>>
    %dma_wait3A_62 = tpu.memref_squeeze %dma_wait3A_61 : memref<1x80x128xi32, #tpu.memory_space<hbm>> -> memref<80x128xi32, #tpu.memory_space<hbm>>
    tpu.wait_dma2 semaphore(%arg20 : memref<!tpu.dma_semaphore, #tpu.memory_space<semaphore_mem>>) src(%dma_wait3A_62 : memref<80x128xi32, #tpu.memory_space<hbm>>) dst(%arg8 : memref<80x128xi32, #tpu.memory_space<vmem>>)
    %mul3A_63 = arith.constant 632 : i32
    %mul3A_64 = arith.muli %arg1, %mul3A_63 : i32
    %dma_wait3A_65 = arith.constant 0 : i32
    %dma_wait3A_66 = tpu.memref_slice %arg13[%mul3A_64, %dma_wait3A_65] : memref<10112x64xf32, #tpu.memory_space<vmem_shared>> -> memref<632x64xf32, #tpu.memory_space<vmem_shared>>
    tpu.wait_dma2 semaphore(%arg18 : memref<!tpu.dma_semaphore, #tpu.memory_space<semaphore_mem>>) src(%arg5 : memref<632x64xf32, #tpu.memory_space<hbm>>) dst(%dma_wait3A_66 : memref<632x64xf32, #tpu.memory_space<vmem_shared>>)
    %barrier3A = arith.constant 0 : index
    tpu.barrier barrier_id(%barrier3A)
    %scan3A = arith.constant 0 : i32
    %scan3A_67 = arith.constant 0 : i32
    %scan3A_68 = arith.constant 20 : i32
    %scan3A_69 = arith.addi %scan3A_67, %scan3A_68 : i32
    %scan3A_70 = arith.constant 1 : i32
    scf.for %scan3A_77 = %scan3A_67 to %scan3A_69 step %scan3A_70  : i32 {
      %mul3A_78 = arith.constant 4 : i32
      %mul3A_79 = arith.muli %mul3A_78, %scan3A_77 : i32
      %add3A_80 = arith.constant 0 : i32
      %add3A_81 = arith.addi %mul3A_79, %add3A_80 : i32
      %dma_wait3A_82 = arith.constant 0 : i32
      %dma_wait3A_83 = tpu.memref_slice %arg7[%add3A_81, %dma_wait3A_82] : memref<80x128xi32, #tpu.memory_space<vmem>> -> memref<1x128xi32, #tpu.memory_space<vmem>>
      %dma_wait3A_84 = tpu.memref_squeeze %dma_wait3A_83 : memref<1x128xi32, #tpu.memory_space<vmem>> -> memref<128xi32, #tpu.memory_space<vmem>>
      %dma_wait3A_85 = arith.constant 0 : i32
      %dma_wait3A_86 = arith.constant 0 : i32
      %dma_wait3A_87 = tpu.memref_slice %arg2[%dma_wait3A_85, %dma_wait3A_86] : memref<10112x64xf32, #tpu.memory_space<hbm>> -> memref<10112x64xf32, #tpu.memory_space<hbm>>
      tpu.wait_indirect_dma semaphore(%arg14 : memref<!tpu.dma_semaphore, #tpu.memory_space<semaphore_mem>>) src(%dma_wait3A_87 : memref<10112x64xf32, #tpu.memory_space<hbm>>) dst(%arg9 : memref<128x64xf32, #tpu.memory_space<vmem>>)
      "tpu.region"() ({
        %run_scoped3A = tpu.sem_alloc : memref<!tpu.dma_semaphore, #tpu.memory_space<semaphore_mem>>
        %dma_start3A_137 = arith.constant 0 : i32
        %dma_start3A_138 = tpu.memref_slice %arg8[%add3A_81, %dma_start3A_137] : memref<80x128xi32, #tpu.memory_space<vmem>> -> memref<1x128xi32, #tpu.memory_space<vmem>>
        %dma_start3A_139 = tpu.memref_squeeze %dma_start3A_138 : memref<1x128xi32, #tpu.memory_space<vmem>> -> memref<128xi32, #tpu.memory_space<vmem>>
        %dma_start3A_140 = arith.constant 0 : i32
        %dma_start3A_141 = arith.constant 0 : i32
        %dma_start3A_142 = tpu.memref_slice %arg13[%dma_start3A_140, %dma_start3A_141] : memref<10112x64xf32, #tpu.memory_space<vmem_shared>> -> memref<10112x64xf32, #tpu.memory_space<vmem_shared>>
        tpu.enqueue_indirect_dma source(%arg9 : memref<128x64xf32, #tpu.memory_space<vmem>>) target(%dma_start3A_142 : memref<10112x64xf32, #tpu.memory_space<vmem_shared>>) offsets(%dma_start3A_139 : memref<128xi32, #tpu.memory_space<vmem>>) semaphore(%run_scoped3A : memref<!tpu.dma_semaphore, #tpu.memory_space<semaphore_mem>>) {add = true}
        %dma_wait3A_143 = arith.constant 0 : i32
        %dma_wait3A_144 = tpu.memref_slice %arg8[%add3A_81, %dma_wait3A_143] : memref<80x128xi32, #tpu.memory_space<vmem>> -> memref<1x128xi32, #tpu.memory_space<vmem>>
        %dma_wait3A_145 = tpu.memref_squeeze %dma_wait3A_144 : memref<1x128xi32, #tpu.memory_space<vmem>> -> memref<128xi32, #tpu.memory_space<vmem>>
        %dma_wait3A_146 = arith.constant 0 : i32
        %dma_wait3A_147 = arith.constant 0 : i32
        %dma_wait3A_148 = tpu.memref_slice %arg13[%dma_wait3A_146, %dma_wait3A_147] : memref<10112x64xf32, #tpu.memory_space<vmem_shared>> -> memref<10112x64xf32, #tpu.memory_space<vmem_shared>>
        tpu.wait_indirect_dma semaphore(%run_scoped3A : memref<!tpu.dma_semaphore, #tpu.memory_space<semaphore_mem>>) src(%arg9 : memref<128x64xf32, #tpu.memory_space<vmem>>) dst(%dma_wait3A_148 : memref<10112x64xf32, #tpu.memory_space<vmem_shared>>)
        tpu.yield
      }) : () -> ()
      %add3A_88 = arith.constant 4 : i32
      %add3A_89 = arith.addi %add3A_81, %add3A_88 : i32
      %lt3A = arith.constant 80 : i32
      %lt3A_90 = arith.cmpi slt, %add3A_89, %lt3A : i32
      %convert_element_type3A = arith.extui %lt3A_90 : i1 to i32
      %cond3A = arith.constant 0 : i32
      %cond3A_91 = arith.cmpi ne, %convert_element_type3A, %cond3A : i32
      scf.if %cond3A_91 {
        %add3A_137 = arith.constant 4 : i32
        %add3A_138 = arith.addi %add3A_81, %add3A_137 : i32
        %dma_start3A_139 = arith.constant 0 : i32
        %dma_start3A_140 = tpu.memref_slice %arg7[%add3A_138, %dma_start3A_139] : memref<80x128xi32, #tpu.memory_space<vmem>> -> memref<1x128xi32, #tpu.memory_space<vmem>>
        %dma_start3A_141 = tpu.memref_squeeze %dma_start3A_140 : memref<1x128xi32, #tpu.memory_space<vmem>> -> memref<128xi32, #tpu.memory_space<vmem>>
        %dma_start3A_142 = arith.constant 0 : i32
        %dma_start3A_143 = arith.constant 0 : i32
        %dma_start3A_144 = tpu.memref_slice %arg2[%dma_start3A_142, %dma_start3A_143] : memref<10112x64xf32, #tpu.memory_space<hbm>> -> memref<10112x64xf32, #tpu.memory_space<hbm>>
        tpu.enqueue_indirect_dma source(%dma_start3A_144 : memref<10112x64xf32, #tpu.memory_space<hbm>>) target(%arg9 : memref<128x64xf32, #tpu.memory_space<vmem>>) offsets(%dma_start3A_141 : memref<128xi32, #tpu.memory_space<vmem>>) semaphore(%arg14 : memref<!tpu.dma_semaphore, #tpu.memory_space<semaphore_mem>>)
      } else {
      }
      %add3A_92 = arith.constant 1 : i32
      %add3A_93 = arith.addi %mul3A_79, %add3A_92 : i32
      %dma_wait3A_94 = arith.constant 0 : i32
      %dma_wait3A_95 = tpu.memref_slice %arg7[%add3A_93, %dma_wait3A_94] : memref<80x128xi32, #tpu.memory_space<vmem>> -> memref<1x128xi32, #tpu.memory_space<vmem>>
      %dma_wait3A_96 = tpu.memref_squeeze %dma_wait3A_95 : memref<1x128xi32, #tpu.memory_space<vmem>> -> memref<128xi32, #tpu.memory_space<vmem>>
      %dma_wait3A_97 = arith.constant 0 : i32
      %dma_wait3A_98 = arith.constant 0 : i32
      %dma_wait3A_99 = tpu.memref_slice %arg2[%dma_wait3A_97, %dma_wait3A_98] : memref<10112x64xf32, #tpu.memory_space<hbm>> -> memref<10112x64xf32, #tpu.memory_space<hbm>>
      tpu.wait_indirect_dma semaphore(%arg15 : memref<!tpu.dma_semaphore, #tpu.memory_space<semaphore_mem>>) src(%dma_wait3A_99 : memref<10112x64xf32, #tpu.memory_space<hbm>>) dst(%arg10 : memref<128x64xf32, #tpu.memory_space<vmem>>)
      "tpu.region"() ({
        %run_scoped3A = tpu.sem_alloc : memref<!tpu.dma_semaphore, #tpu.memory_space<semaphore_mem>>
        %dma_start3A_137 = arith.constant 0 : i32
        %dma_start3A_138 = tpu.memref_slice %arg8[%add3A_93, %dma_start3A_137] : memref<80x128xi32, #tpu.memory_space<vmem>> -> memref<1x128xi32, #tpu.memory_space<vmem>>
        %dma_start3A_139 = tpu.memref_squeeze %dma_start3A_138 : memref<1x128xi32, #tpu.memory_space<vmem>> -> memref<128xi32, #tpu.memory_space<vmem>>
        %dma_start3A_140 = arith.constant 0 : i32
        %dma_start3A_141 = arith.constant 0 : i32
        %dma_start3A_142 = tpu.memref_slice %arg13[%dma_start3A_140, %dma_start3A_141] : memref<10112x64xf32, #tpu.memory_space<vmem_shared>> -> memref<10112x64xf32, #tpu.memory_space<vmem_shared>>
        tpu.enqueue_indirect_dma source(%arg10 : memref<128x64xf32, #tpu.memory_space<vmem>>) target(%dma_start3A_142 : memref<10112x64xf32, #tpu.memory_space<vmem_shared>>) offsets(%dma_start3A_139 : memref<128xi32, #tpu.memory_space<vmem>>) semaphore(%run_scoped3A : memref<!tpu.dma_semaphore, #tpu.memory_space<semaphore_mem>>) {add = true}
        %dma_wait3A_143 = arith.constant 0 : i32
        %dma_wait3A_144 = tpu.memref_slice %arg8[%add3A_93, %dma_wait3A_143] : memref<80x128xi32, #tpu.memory_space<vmem>> -> memref<1x128xi32, #tpu.memory_space<vmem>>
        %dma_wait3A_145 = tpu.memref_squeeze %dma_wait3A_144 : memref<1x128xi32, #tpu.memory_space<vmem>> -> memref<128xi32, #tpu.memory_space<vmem>>
        %dma_wait3A_146 = arith.constant 0 : i32
        %dma_wait3A_147 = arith.constant 0 : i32
        %dma_wait3A_148 = tpu.memref_slice %arg13[%dma_wait3A_146, %dma_wait3A_147] : memref<10112x64xf32, #tpu.memory_space<vmem_shared>> -> memref<10112x64xf32, #tpu.memory_space<vmem_shared>>
        tpu.wait_indirect_dma semaphore(%run_scoped3A : memref<!tpu.dma_semaphore, #tpu.memory_space<semaphore_mem>>) src(%arg10 : memref<128x64xf32, #tpu.memory_space<vmem>>) dst(%dma_wait3A_148 : memref<10112x64xf32, #tpu.memory_space<vmem_shared>>)
        tpu.yield
      }) : () -> ()
      %add3A_100 = arith.constant 4 : i32
      %add3A_101 = arith.addi %add3A_93, %add3A_100 : i32
      %lt3A_102 = arith.constant 80 : i32
      %lt3A_103 = arith.cmpi slt, %add3A_101, %lt3A_102 : i32
      %convert_element_type3A_104 = arith.extui %lt3A_103 : i1 to i32
      %cond3A_105 = arith.constant 0 : i32
      %cond3A_106 = arith.cmpi ne, %convert_element_type3A_104, %cond3A_105 : i32
      scf.if %cond3A_106 {
        %add3A_137 = arith.constant 4 : i32
        %add3A_138 = arith.addi %add3A_93, %add3A_137 : i32
        %dma_start3A_139 = arith.constant 0 : i32
        %dma_start3A_140 = tpu.memref_slice %arg7[%add3A_138, %dma_start3A_139] : memref<80x128xi32, #tpu.memory_space<vmem>> -> memref<1x128xi32, #tpu.memory_space<vmem>>
        %dma_start3A_141 = tpu.memref_squeeze %dma_start3A_140 : memref<1x128xi32, #tpu.memory_space<vmem>> -> memref<128xi32, #tpu.memory_space<vmem>>
        %dma_start3A_142 = arith.constant 0 : i32
        %dma_start3A_143 = arith.constant 0 : i32
        %dma_start3A_144 = tpu.memref_slice %arg2[%dma_start3A_142, %dma_start3A_143] : memref<10112x64xf32, #tpu.memory_space<hbm>> -> memref<10112x64xf32, #tpu.memory_space<hbm>>
        tpu.enqueue_indirect_dma source(%dma_start3A_144 : memref<10112x64xf32, #tpu.memory_space<hbm>>) target(%arg10 : memref<128x64xf32, #tpu.memory_space<vmem>>) offsets(%dma_start3A_141 : memref<128xi32, #tpu.memory_space<vmem>>) semaphore(%arg15 : memref<!tpu.dma_semaphore, #tpu.memory_space<semaphore_mem>>)
      } else {
      }
      %add3A_107 = arith.constant 2 : i32
      %add3A_108 = arith.addi %mul3A_79, %add3A_107 : i32
      %dma_wait3A_109 = arith.constant 0 : i32
      %dma_wait3A_110 = tpu.memref_slice %arg7[%add3A_108, %dma_wait3A_109] : memref<80x128xi32, #tpu.memory_space<vmem>> -> memref<1x128xi32, #tpu.memory_space<vmem>>
      %dma_wait3A_111 = tpu.memref_squeeze %dma_wait3A_110 : memref<1x128xi32, #tpu.memory_space<vmem>> -> memref<128xi32, #tpu.memory_space<vmem>>
      %dma_wait3A_112 = arith.constant 0 : i32
      %dma_wait3A_113 = arith.constant 0 : i32
      %dma_wait3A_114 = tpu.memref_slice %arg2[%dma_wait3A_112, %dma_wait3A_113] : memref<10112x64xf32, #tpu.memory_space<hbm>> -> memref<10112x64xf32, #tpu.memory_space<hbm>>
      tpu.wait_indirect_dma semaphore(%arg16 : memref<!tpu.dma_semaphore, #tpu.memory_space<semaphore_mem>>) src(%dma_wait3A_114 : memref<10112x64xf32, #tpu.memory_space<hbm>>) dst(%arg11 : memref<128x64xf32, #tpu.memory_space<vmem>>)
      "tpu.region"() ({
        %run_scoped3A = tpu.sem_alloc : memref<!tpu.dma_semaphore, #tpu.memory_space<semaphore_mem>>
        %dma_start3A_137 = arith.constant 0 : i32
        %dma_start3A_138 = tpu.memref_slice %arg8[%add3A_108, %dma_start3A_137] : memref<80x128xi32, #tpu.memory_space<vmem>> -> memref<1x128xi32, #tpu.memory_space<vmem>>
        %dma_start3A_139 = tpu.memref_squeeze %dma_start3A_138 : memref<1x128xi32, #tpu.memory_space<vmem>> -> memref<128xi32, #tpu.memory_space<vmem>>
        %dma_start3A_140 = arith.constant 0 : i32
        %dma_start3A_141 = arith.constant 0 : i32
        %dma_start3A_142 = tpu.memref_slice %arg13[%dma_start3A_140, %dma_start3A_141] : memref<10112x64xf32, #tpu.memory_space<vmem_shared>> -> memref<10112x64xf32, #tpu.memory_space<vmem_shared>>
        tpu.enqueue_indirect_dma source(%arg11 : memref<128x64xf32, #tpu.memory_space<vmem>>) target(%dma_start3A_142 : memref<10112x64xf32, #tpu.memory_space<vmem_shared>>) offsets(%dma_start3A_139 : memref<128xi32, #tpu.memory_space<vmem>>) semaphore(%run_scoped3A : memref<!tpu.dma_semaphore, #tpu.memory_space<semaphore_mem>>) {add = true}
        %dma_wait3A_143 = arith.constant 0 : i32
        %dma_wait3A_144 = tpu.memref_slice %arg8[%add3A_108, %dma_wait3A_143] : memref<80x128xi32, #tpu.memory_space<vmem>> -> memref<1x128xi32, #tpu.memory_space<vmem>>
        %dma_wait3A_145 = tpu.memref_squeeze %dma_wait3A_144 : memref<1x128xi32, #tpu.memory_space<vmem>> -> memref<128xi32, #tpu.memory_space<vmem>>
        %dma_wait3A_146 = arith.constant 0 : i32
        %dma_wait3A_147 = arith.constant 0 : i32
        %dma_wait3A_148 = tpu.memref_slice %arg13[%dma_wait3A_146, %dma_wait3A_147] : memref<10112x64xf32, #tpu.memory_space<vmem_shared>> -> memref<10112x64xf32, #tpu.memory_space<vmem_shared>>
        tpu.wait_indirect_dma semaphore(%run_scoped3A : memref<!tpu.dma_semaphore, #tpu.memory_space<semaphore_mem>>) src(%arg11 : memref<128x64xf32, #tpu.memory_space<vmem>>) dst(%dma_wait3A_148 : memref<10112x64xf32, #tpu.memory_space<vmem_shared>>)
        tpu.yield
      }) : () -> ()
      %add3A_115 = arith.constant 4 : i32
      %add3A_116 = arith.addi %add3A_108, %add3A_115 : i32
      %lt3A_117 = arith.constant 80 : i32
      %lt3A_118 = arith.cmpi slt, %add3A_116, %lt3A_117 : i32
      %convert_element_type3A_119 = arith.extui %lt3A_118 : i1 to i32
      %cond3A_120 = arith.constant 0 : i32
      %cond3A_121 = arith.cmpi ne, %convert_element_type3A_119, %cond3A_120 : i32
      scf.if %cond3A_121 {
        %add3A_137 = arith.constant 4 : i32
        %add3A_138 = arith.addi %add3A_108, %add3A_137 : i32
        %dma_start3A_139 = arith.constant 0 : i32
        %dma_start3A_140 = tpu.memref_slice %arg7[%add3A_138, %dma_start3A_139] : memref<80x128xi32, #tpu.memory_space<vmem>> -> memref<1x128xi32, #tpu.memory_space<vmem>>
        %dma_start3A_141 = tpu.memref_squeeze %dma_start3A_140 : memref<1x128xi32, #tpu.memory_space<vmem>> -> memref<128xi32, #tpu.memory_space<vmem>>
        %dma_start3A_142 = arith.constant 0 : i32
        %dma_start3A_143 = arith.constant 0 : i32
        %dma_start3A_144 = tpu.memref_slice %arg2[%dma_start3A_142, %dma_start3A_143] : memref<10112x64xf32, #tpu.memory_space<hbm>> -> memref<10112x64xf32, #tpu.memory_space<hbm>>
        tpu.enqueue_indirect_dma source(%dma_start3A_144 : memref<10112x64xf32, #tpu.memory_space<hbm>>) target(%arg11 : memref<128x64xf32, #tpu.memory_space<vmem>>) offsets(%dma_start3A_141 : memref<128xi32, #tpu.memory_space<vmem>>) semaphore(%arg16 : memref<!tpu.dma_semaphore, #tpu.memory_space<semaphore_mem>>)
      } else {
      }
      %add3A_122 = arith.constant 3 : i32
      %add3A_123 = arith.addi %mul3A_79, %add3A_122 : i32
      %dma_wait3A_124 = arith.constant 0 : i32
      %dma_wait3A_125 = tpu.memref_slice %arg7[%add3A_123, %dma_wait3A_124] : memref<80x128xi32, #tpu.memory_space<vmem>> -> memref<1x128xi32, #tpu.memory_space<vmem>>
      %dma_wait3A_126 = tpu.memref_squeeze %dma_wait3A_125 : memref<1x128xi32, #tpu.memory_space<vmem>> -> memref<128xi32, #tpu.memory_space<vmem>>
      %dma_wait3A_127 = arith.constant 0 : i32
      %dma_wait3A_128 = arith.constant 0 : i32
      %dma_wait3A_129 = tpu.memref_slice %arg2[%dma_wait3A_127, %dma_wait3A_128] : memref<10112x64xf32, #tpu.memory_space<hbm>> -> memref<10112x64xf32, #tpu.memory_space<hbm>>
      tpu.wait_indirect_dma semaphore(%arg17 : memref<!tpu.dma_semaphore, #tpu.memory_space<semaphore_mem>>) src(%dma_wait3A_129 : memref<10112x64xf32, #tpu.memory_space<hbm>>) dst(%arg12 : memref<128x64xf32, #tpu.memory_space<vmem>>)
      "tpu.region"() ({
        %run_scoped3A = tpu.sem_alloc : memref<!tpu.dma_semaphore, #tpu.memory_space<semaphore_mem>>
        %dma_start3A_137 = arith.constant 0 : i32
        %dma_start3A_138 = tpu.memref_slice %arg8[%add3A_123, %dma_start3A_137] : memref<80x128xi32, #tpu.memory_space<vmem>> -> memref<1x128xi32, #tpu.memory_space<vmem>>
        %dma_start3A_139 = tpu.memref_squeeze %dma_start3A_138 : memref<1x128xi32, #tpu.memory_space<vmem>> -> memref<128xi32, #tpu.memory_space<vmem>>
        %dma_start3A_140 = arith.constant 0 : i32
        %dma_start3A_141 = arith.constant 0 : i32
        %dma_start3A_142 = tpu.memref_slice %arg13[%dma_start3A_140, %dma_start3A_141] : memref<10112x64xf32, #tpu.memory_space<vmem_shared>> -> memref<10112x64xf32, #tpu.memory_space<vmem_shared>>
        tpu.enqueue_indirect_dma source(%arg12 : memref<128x64xf32, #tpu.memory_space<vmem>>) target(%dma_start3A_142 : memref<10112x64xf32, #tpu.memory_space<vmem_shared>>) offsets(%dma_start3A_139 : memref<128xi32, #tpu.memory_space<vmem>>) semaphore(%run_scoped3A : memref<!tpu.dma_semaphore, #tpu.memory_space<semaphore_mem>>) {add = true}
        %dma_wait3A_143 = arith.constant 0 : i32
        %dma_wait3A_144 = tpu.memref_slice %arg8[%add3A_123, %dma_wait3A_143] : memref<80x128xi32, #tpu.memory_space<vmem>> -> memref<1x128xi32, #tpu.memory_space<vmem>>
        %dma_wait3A_145 = tpu.memref_squeeze %dma_wait3A_144 : memref<1x128xi32, #tpu.memory_space<vmem>> -> memref<128xi32, #tpu.memory_space<vmem>>
        %dma_wait3A_146 = arith.constant 0 : i32
        %dma_wait3A_147 = arith.constant 0 : i32
        %dma_wait3A_148 = tpu.memref_slice %arg13[%dma_wait3A_146, %dma_wait3A_147] : memref<10112x64xf32, #tpu.memory_space<vmem_shared>> -> memref<10112x64xf32, #tpu.memory_space<vmem_shared>>
        tpu.wait_indirect_dma semaphore(%run_scoped3A : memref<!tpu.dma_semaphore, #tpu.memory_space<semaphore_mem>>) src(%arg12 : memref<128x64xf32, #tpu.memory_space<vmem>>) dst(%dma_wait3A_148 : memref<10112x64xf32, #tpu.memory_space<vmem_shared>>)
        tpu.yield
      }) : () -> ()
      %add3A_130 = arith.constant 4 : i32
      %add3A_131 = arith.addi %add3A_123, %add3A_130 : i32
      %lt3A_132 = arith.constant 80 : i32
      %lt3A_133 = arith.cmpi slt, %add3A_131, %lt3A_132 : i32
      %convert_element_type3A_134 = arith.extui %lt3A_133 : i1 to i32
      %cond3A_135 = arith.constant 0 : i32
      %cond3A_136 = arith.cmpi ne, %convert_element_type3A_134, %cond3A_135 : i32
      scf.if %cond3A_136 {
        %add3A_137 = arith.constant 4 : i32
        %add3A_138 = arith.addi %add3A_123, %add3A_137 : i32
        %dma_start3A_139 = arith.constant 0 : i32
        %dma_start3A_140 = tpu.memref_slice %arg7[%add3A_138, %dma_start3A_139] : memref<80x128xi32, #tpu.memory_space<vmem>> -> memref<1x128xi32, #tpu.memory_space<vmem>>
        %dma_start3A_141 = tpu.memref_squeeze %dma_start3A_140 : memref<1x128xi32, #tpu.memory_space<vmem>> -> memref<128xi32, #tpu.memory_space<vmem>>
        %dma_start3A_142 = arith.constant 0 : i32
        %dma_start3A_143 = arith.constant 0 : i32
        %dma_start3A_144 = tpu.memref_slice %arg2[%dma_start3A_142, %dma_start3A_143] : memref<10112x64xf32, #tpu.memory_space<hbm>> -> memref<10112x64xf32, #tpu.memory_space<hbm>>
        tpu.enqueue_indirect_dma source(%dma_start3A_144 : memref<10112x64xf32, #tpu.memory_space<hbm>>) target(%arg12 : memref<128x64xf32, #tpu.memory_space<vmem>>) offsets(%dma_start3A_141 : memref<128xi32, #tpu.memory_space<vmem>>) semaphore(%arg17 : memref<!tpu.dma_semaphore, #tpu.memory_space<semaphore_mem>>)
      } else {
      }
    }
    %scan3A_71 = arith.constant 20 : i32
    %barrier3A_72 = arith.constant 0 : index
    tpu.barrier barrier_id(%barrier3A_72)
    %mul3A_73 = arith.constant 632 : i32
    %mul3A_74 = arith.muli %arg1, %mul3A_73 : i32
    %mul3A_75 = arith.constant 632 : i32
    %mul3A_76 = arith.muli %arg1, %mul3A_75 : i32
    "tpu.region"() ({
      %run_scoped3A = tpu.sem_alloc : memref<!tpu.dma_semaphore, #tpu.memory_space<semaphore_mem>>
      %dma_start3A_77 = arith.constant 0 : i32
      %dma_start3A_78 = tpu.memref_slice %arg6[%arg0, %mul3A_76, %dma_start3A_77] : memref<2x10112x64xf32, #tpu.memory_space<hbm>> -> memref<1x632x64xf32, #tpu.memory_space<hbm>>
      %dma_start3A_79 = tpu.memref_squeeze %dma_start3A_78 : memref<1x632x64xf32, #tpu.memory_space<hbm>> -> memref<632x64xf32, #tpu.memory_space<hbm>>
      %dma_start3A_80 = arith.constant 0 : i32
      %dma_start3A_81 = tpu.memref_slice %arg13[%mul3A_74, %dma_start3A_80] : memref<10112x64xf32, #tpu.memory_space<vmem_shared>> -> memref<632x64xf32, #tpu.memory_space<vmem_shared>>
      tpu.enqueue_dma source(%dma_start3A_81 : memref<632x64xf32, #tpu.memory_space<vmem_shared>>) target(%dma_start3A_79 : memref<632x64xf32, #tpu.memory_space<hbm>>) target_semaphore(%run_scoped3A : memref<!tpu.dma_semaphore, #tpu.memory_space<semaphore_mem>>)
      %dma_wait3A_82 = arith.constant 0 : i32
      %dma_wait3A_83 = tpu.memref_slice %arg6[%arg0, %mul3A_76, %dma_wait3A_82] : memref<2x10112x64xf32, #tpu.memory_space<hbm>> -> memref<1x632x64xf32, #tpu.memory_space<hbm>>
      %dma_wait3A_84 = tpu.memref_squeeze %dma_wait3A_83 : memref<1x632x64xf32, #tpu.memory_space<hbm>> -> memref<632x64xf32, #tpu.memory_space<hbm>>
      %dma_wait3A_85 = arith.constant 0 : i32
      %dma_wait3A_86 = tpu.memref_slice %arg13[%mul3A_74, %dma_wait3A_85] : memref<10112x64xf32, #tpu.memory_space<vmem_shared>> -> memref<632x64xf32, #tpu.memory_space<vmem_shared>>
      tpu.wait_dma2 semaphore(%run_scoped3A : memref<!tpu.dma_semaphore, #tpu.memory_space<semaphore_mem>>) src(%dma_wait3A_86 : memref<632x64xf32, #tpu.memory_space<vmem_shared>>) dst(%dma_wait3A_84 : memref<632x64xf32, #tpu.memory_space<hbm>>)
      tpu.yield
    }) : () -> ()
    return
  }
}

#map = affine_map<(d0, d1) -> (0, 0)>
#map1 = affine_map<(d0, d1) -> (0, 0, 0)>
module attributes {stable_mosaic.version = 14 : i64} {
  func.func @_scatter_kernel(%arg0: i32, %arg1: i32, %arg2: memref<10112x64xf32, #tpu.memory_space<hbm>>, %arg3: memref<32x80x128xi32, #tpu.memory_space<hbm>>, %arg4: memref<32x80x128xi32, #tpu.memory_space<hbm>>, %arg5: memref<632x64xf32, #tpu.memory_space<hbm>>, %arg6: memref<2x10112x64xf32, #tpu.memory_space<hbm>>, %arg7: memref<80x128xi32, #tpu.memory_space<vmem>>, %arg8: memref<80x128xi32, #tpu.memory_space<vmem>>, %arg9: memref<128x64xf32, #tpu.memory_space<vmem>>, %arg10: memref<128x64xf32, #tpu.memory_space<vmem>>, %arg11: memref<128x64xf32, #tpu.memory_space<vmem>>, %arg12: memref<128x64xf32, #tpu.memory_space<vmem>>, %arg13: memref<10112x64xf32, #tpu.memory_space<vmem_shared>>, %arg14: memref<!tpu.dma_semaphore, #tpu.memory_space<semaphore_mem>>, %arg15: memref<!tpu.dma_semaphore, #tpu.memory_space<semaphore_mem>>, %arg16: memref<!tpu.dma_semaphore, #tpu.memory_space<semaphore_mem>>, %arg17: memref<!tpu.dma_semaphore, #tpu.memory_space<semaphore_mem>>, %arg18: memref<!tpu.dma_semaphore, #tpu.memory_space<semaphore_mem>>, %arg19: memref<!tpu.dma_semaphore, #tpu.memory_space<semaphore_mem>>, %arg20: memref<!tpu.dma_semaphore, #tpu.memory_space<semaphore_mem>>) attributes {dimension_semantics = [#tpu.dimension_semantics<core_parallel>, #tpu.dimension_semantics<subcore_parallel>], iteration_bounds = array<i64: 2, 16>, scalar_prefetch = 0 : i64, scratch_operands = 14 : i64, tpu.core_type = #tpu.core_type<sc_vector_subcore>, window_params = [{transform_indices = #map}, {transform_indices = #map1}, {transform_indices = #map1}, {transform_indices = #map}, {transform_indices = #map1}]} {
    %mul3A = arith.constant 2 : i32
    %mul3A_0 = arith.muli %arg1, %mul3A : i32
    %add3A = arith.addi %mul3A_0, %arg0 : i32
    %mul3A_1 = arith.constant 632 : i32
    %mul3A_2 = arith.muli %arg1, %mul3A_1 : i32
    %dma_start3A = arith.constant 0 : i32
    %dma_start3A_3 = tpu.memref_slice %arg13[%mul3A_2, %dma_start3A] : memref<10112x64xf32, #tpu.memory_space<vmem_shared>> -> memref<632x64xf32, #tpu.memory_space<vmem_shared>>
    tpu.enqueue_dma source(%arg5 : memref<632x64xf32, #tpu.memory_space<hbm>>) target(%dma_start3A_3 : memref<632x64xf32, #tpu.memory_space<vmem_shared>>) target_semaphore(%arg18 : memref<!tpu.dma_semaphore, #tpu.memory_space<semaphore_mem>>)
    %dma_start3A_4 = arith.constant 0 : i32
    %dma_start3A_5 = arith.constant 0 : i32
    %dma_start3A_6 = tpu.memref_slice %arg3[%add3A, %dma_start3A_4, %dma_start3A_5] : memref<32x80x128xi32, #tpu.memory_space<hbm>> -> memref<1x80x128xi32, #tpu.memory_space<hbm>>
    %dma_start3A_7 = tpu.memref_squeeze %dma_start3A_6 : memref<1x80x128xi32, #tpu.memory_space<hbm>> -> memref<80x128xi32, #tpu.memory_space<hbm>>
    %dma_start3A_8 = arith.constant 0 : i32
    %dma_start3A_9 = arith.constant 0 : i32
    %dma_start3A_10 = tpu.memref_slice %arg3[%add3A, %dma_start3A_8, %dma_start3A_9] : memref<32x80x128xi32, #tpu.memory_space<hbm>> -> memref<1x80x128xi32, #tpu.memory_space<hbm>>
    %dma_start3A_11 = tpu.memref_squeeze %dma_start3A_10 : memref<1x80x128xi32, #tpu.memory_space<hbm>> -> memref<80x128xi32, #tpu.memory_space<hbm>>
    tpu.enqueue_dma source(%dma_start3A_11 : memref<80x128xi32, #tpu.memory_space<hbm>>) target(%arg7 : memref<80x128xi32, #tpu.memory_space<vmem>>) target_semaphore(%arg19 : memref<!tpu.dma_semaphore, #tpu.memory_space<semaphore_mem>>)
    %dma_start3A_12 = arith.constant 0 : i32
    %dma_start3A_13 = arith.constant 0 : i32
    %dma_start3A_14 = tpu.memref_slice %arg4[%add3A, %dma_start3A_12, %dma_start3A_13] : memref<32x80x128xi32, #tpu.memory_space<hbm>> -> memref<1x80x128xi32, #tpu.memory_space<hbm>>
    %dma_start3A_15 = tpu.memref_squeeze %dma_start3A_14 : memref<1x80x128xi32, #tpu.memory_space<hbm>> -> memref<80x128xi32, #tpu.memory_space<hbm>>
    %dma_start3A_16 = arith.constant 0 : i32
    %dma_start3A_17 = arith.constant 0 : i32
    %dma_start3A_18 = tpu.memref_slice %arg4[%add3A, %dma_start3A_16, %dma_start3A_17] : memref<32x80x128xi32, #tpu.memory_space<hbm>> -> memref<1x80x128xi32, #tpu.memory_space<hbm>>
    %dma_start3A_19 = tpu.memref_squeeze %dma_start3A_18 : memref<1x80x128xi32, #tpu.memory_space<hbm>> -> memref<80x128xi32, #tpu.memory_space<hbm>>
    tpu.enqueue_dma source(%dma_start3A_19 : memref<80x128xi32, #tpu.memory_space<hbm>>) target(%arg8 : memref<80x128xi32, #tpu.memory_space<vmem>>) target_semaphore(%arg20 : memref<!tpu.dma_semaphore, #tpu.memory_space<semaphore_mem>>)
    %dma_wait3A = arith.constant 0 : i32
    %dma_wait3A_20 = arith.constant 0 : i32
    %dma_wait3A_21 = tpu.memref_slice %arg3[%add3A, %dma_wait3A, %dma_wait3A_20] : memref<32x80x128xi32, #tpu.memory_space<hbm>> -> memref<1x80x128xi32, #tpu.memory_space<hbm>>
    %dma_wait3A_22 = tpu.memref_squeeze %dma_wait3A_21 : memref<1x80x128xi32, #tpu.memory_space<hbm>> -> memref<80x128xi32, #tpu.memory_space<hbm>>
    %dma_wait3A_23 = arith.constant 0 : i32
    %dma_wait3A_24 = arith.constant 0 : i32
    %dma_wait3A_25 = tpu.memref_slice %arg3[%add3A, %dma_wait3A_23, %dma_wait3A_24] : memref<32x80x128xi32, #tpu.memory_space<hbm>> -> memref<1x80x128xi32, #tpu.memory_space<hbm>>
    %dma_wait3A_26 = tpu.memref_squeeze %dma_wait3A_25 : memref<1x80x128xi32, #tpu.memory_space<hbm>> -> memref<80x128xi32, #tpu.memory_space<hbm>>
    tpu.wait_dma2 semaphore(%arg19 : memref<!tpu.dma_semaphore, #tpu.memory_space<semaphore_mem>>) src(%dma_wait3A_26 : memref<80x128xi32, #tpu.memory_space<hbm>>) dst(%arg7 : memref<80x128xi32, #tpu.memory_space<vmem>>)
    %dma_start3A_27 = arith.constant 0 : i32
    %dma_start3A_28 = arith.constant 0 : i32
    %dma_start3A_29 = tpu.memref_slice %arg7[%dma_start3A_27, %dma_start3A_28] : memref<80x128xi32, #tpu.memory_space<vmem>> -> memref<1x128xi32, #tpu.memory_space<vmem>>
    %dma_start3A_30 = tpu.memref_squeeze %dma_start3A_29 : memref<1x128xi32, #tpu.memory_space<vmem>> -> memref<128xi32, #tpu.memory_space<vmem>>
    %dma_start3A_31 = arith.constant 0 : i32
    %dma_start3A_32 = arith.constant 0 : i32
    %dma_start3A_33 = tpu.memref_slice %arg2[%dma_start3A_31, %dma_start3A_32] : memref<10112x64xf32, #tpu.memory_space<hbm>> -> memref<10112x64xf32, #tpu.memory_space<hbm>>
    tpu.enqueue_indirect_dma source(%dma_start3A_33 : memref<10112x64xf32, #tpu.memory_space<hbm>>) target(%arg9 : memref<128x64xf32, #tpu.memory_space<vmem>>) offsets(%dma_start3A_30 : memref<128xi32, #tpu.memory_space<vmem>>) semaphore(%arg14 : memref<!tpu.dma_semaphore, #tpu.memory_space<semaphore_mem>>)
    %dma_start3A_34 = arith.constant 1 : i32
    %dma_start3A_35 = arith.constant 0 : i32
    %dma_start3A_36 = tpu.memref_slice %arg7[%dma_start3A_34, %dma_start3A_35] : memref<80x128xi32, #tpu.memory_space<vmem>> -> memref<1x128xi32, #tpu.memory_space<vmem>>
    %dma_start3A_37 = tpu.memref_squeeze %dma_start3A_36 : memref<1x128xi32, #tpu.memory_space<vmem>> -> memref<128xi32, #tpu.memory_space<vmem>>
    %dma_start3A_38 = arith.constant 0 : i32
    %dma_start3A_39 = arith.constant 0 : i32
    %dma_start3A_40 = tpu.memref_slice %arg2[%dma_start3A_38, %dma_start3A_39] : memref<10112x64xf32, #tpu.memory_space<hbm>> -> memref<10112x64xf32, #tpu.memory_space<hbm>>
    tpu.enqueue_indirect_dma source(%dma_start3A_40 : memref<10112x64xf32, #tpu.memory_space<hbm>>) target(%arg10 : memref<128x64xf32, #tpu.memory_space<vmem>>) offsets(%dma_start3A_37 : memref<128xi32, #tpu.memory_space<vmem>>) semaphore(%arg15 : memref<!tpu.dma_semaphore, #tpu.memory_space<semaphore_mem>>)
    %dma_start3A_41 = arith.constant 2 : i32
    %dma_start3A_42 = arith.constant 0 : i32
    %dma_start3A_43 = tpu.memref_slice %arg7[%dma_start3A_41, %dma_start3A_42] : memref<80x128xi32, #tpu.memory_space<vmem>> -> memref<1x128xi32, #tpu.memory_space<vmem>>
    %dma_start3A_44 = tpu.memref_squeeze %dma_start3A_43 : memref<1x128xi32, #tpu.memory_space<vmem>> -> memref<128xi32, #tpu.memory_space<vmem>>
    %dma_start3A_45 = arith.constant 0 : i32
    %dma_start3A_46 = arith.constant 0 : i32
    %dma_start3A_47 = tpu.memref_slice %arg2[%dma_start3A_45, %dma_start3A_46] : memref<10112x64xf32, #tpu.memory_space<hbm>> -> memref<10112x64xf32, #tpu.memory_space<hbm>>
    tpu.enqueue_indirect_dma source(%dma_start3A_47 : memref<10112x64xf32, #tpu.memory_space<hbm>>) target(%arg11 : memref<128x64xf32, #tpu.memory_space<vmem>>) offsets(%dma_start3A_44 : memref<128xi32, #tpu.memory_space<vmem>>) semaphore(%arg16 : memref<!tpu.dma_semaphore, #tpu.memory_space<semaphore_mem>>)
    %dma_start3A_48 = arith.constant 3 : i32
    %dma_start3A_49 = arith.constant 0 : i32
    %dma_start3A_50 = tpu.memref_slice %arg7[%dma_start3A_48, %dma_start3A_49] : memref<80x128xi32, #tpu.memory_space<vmem>> -> memref<1x128xi32, #tpu.memory_space<vmem>>
    %dma_start3A_51 = tpu.memref_squeeze %dma_start3A_50 : memref<1x128xi32, #tpu.memory_space<vmem>> -> memref<128xi32, #tpu.memory_space<vmem>>
    %dma_start3A_52 = arith.constant 0 : i32
    %dma_start3A_53 = arith.constant 0 : i32
    %dma_start3A_54 = tpu.memref_slice %arg2[%dma_start3A_52, %dma_start3A_53] : memref<10112x64xf32, #tpu.memory_space<hbm>> -> memref<10112x64xf32, #tpu.memory_space<hbm>>
    tpu.enqueue_indirect_dma source(%dma_start3A_54 : memref<10112x64xf32, #tpu.memory_space<hbm>>) target(%arg12 : memref<128x64xf32, #tpu.memory_space<vmem>>) offsets(%dma_start3A_51 : memref<128xi32, #tpu.memory_space<vmem>>) semaphore(%arg17 : memref<!tpu.dma_semaphore, #tpu.memory_space<semaphore_mem>>)
    %dma_wait3A_55 = arith.constant 0 : i32
    %dma_wait3A_56 = arith.constant 0 : i32
    %dma_wait3A_57 = tpu.memref_slice %arg4[%add3A, %dma_wait3A_55, %dma_wait3A_56] : memref<32x80x128xi32, #tpu.memory_space<hbm>> -> memref<1x80x128xi32, #tpu.memory_space<hbm>>
    %dma_wait3A_58 = tpu.memref_squeeze %dma_wait3A_57 : memref<1x80x128xi32, #tpu.memory_space<hbm>> -> memref<80x128xi32, #tpu.memory_space<hbm>>
    %dma_wait3A_59 = arith.constant 0 : i32
    %dma_wait3A_60 = arith.constant 0 : i32
    %dma_wait3A_61 = tpu.memref_slice %arg4[%add3A, %dma_wait3A_59, %dma_wait3A_60] : memref<32x80x128xi32, #tpu.memory_space<hbm>> -> memref<1x80x128xi32, #tpu.memory_space<hbm>>
    %dma_wait3A_62 = tpu.memref_squeeze %dma_wait3A_61 : memref<1x80x128xi32, #tpu.memory_space<hbm>> -> memref<80x128xi32, #tpu.memory_space<hbm>>
    tpu.wait_dma2 semaphore(%arg20 : memref<!tpu.dma_semaphore, #tpu.memory_space<semaphore_mem>>) src(%dma_wait3A_62 : memref<80x128xi32, #tpu.memory_space<hbm>>) dst(%arg8 : memref<80x128xi32, #tpu.memory_space<vmem>>)
    %mul3A_63 = arith.constant 632 : i32
    %mul3A_64 = arith.muli %arg1, %mul3A_63 : i32
    %dma_wait3A_65 = arith.constant 0 : i32
    %dma_wait3A_66 = tpu.memref_slice %arg13[%mul3A_64, %dma_wait3A_65] : memref<10112x64xf32, #tpu.memory_space<vmem_shared>> -> memref<632x64xf32, #tpu.memory_space<vmem_shared>>
    tpu.wait_dma2 semaphore(%arg18 : memref<!tpu.dma_semaphore, #tpu.memory_space<semaphore_mem>>) src(%arg5 : memref<632x64xf32, #tpu.memory_space<hbm>>) dst(%dma_wait3A_66 : memref<632x64xf32, #tpu.memory_space<vmem_shared>>)
    %barrier3A = arith.constant 0 : index
    tpu.barrier barrier_id(%barrier3A)
    %scan3A = arith.constant 0 : i32
    %scan3A_67 = arith.constant 0 : i32
    %scan3A_68 = arith.constant 20 : i32
    %scan3A_69 = arith.addi %scan3A_67, %scan3A_68 : i32
    %scan3A_70 = arith.constant 1 : i32
    scf.for %scan3A_77 = %scan3A_67 to %scan3A_69 step %scan3A_70  : i32 {
      %mul3A_78 = arith.constant 4 : i32
      %mul3A_79 = arith.muli %mul3A_78, %scan3A_77 : i32
      %add3A_80 = arith.constant 0 : i32
      %add3A_81 = arith.addi %mul3A_79, %add3A_80 : i32
      %dma_wait3A_82 = arith.constant 0 : i32
      %dma_wait3A_83 = tpu.memref_slice %arg7[%add3A_81, %dma_wait3A_82] : memref<80x128xi32, #tpu.memory_space<vmem>> -> memref<1x128xi32, #tpu.memory_space<vmem>>
      %dma_wait3A_84 = tpu.memref_squeeze %dma_wait3A_83 : memref<1x128xi32, #tpu.memory_space<vmem>> -> memref<128xi32, #tpu.memory_space<vmem>>
      %dma_wait3A_85 = arith.constant 0 : i32
      %dma_wait3A_86 = arith.constant 0 : i32
      %dma_wait3A_87 = tpu.memref_slice %arg2[%dma_wait3A_85, %dma_wait3A_86] : memref<10112x64xf32, #tpu.memory_space<hbm>> -> memref<10112x64xf32, #tpu.memory_space<hbm>>
      tpu.wait_indirect_dma semaphore(%arg14 : memref<!tpu.dma_semaphore, #tpu.memory_space<semaphore_mem>>) src(%dma_wait3A_87 : memref<10112x64xf32, #tpu.memory_space<hbm>>) dst(%arg9 : memref<128x64xf32, #tpu.memory_space<vmem>>)
      "tpu.region"() ({
        %run_scoped3A = tpu.sem_alloc : memref<!tpu.dma_semaphore, #tpu.memory_space<semaphore_mem>>
        %dma_start3A_137 = arith.constant 0 : i32
        %dma_start3A_138 = tpu.memref_slice %arg8[%add3A_81, %dma_start3A_137] : memref<80x128xi32, #tpu.memory_space<vmem>> -> memref<1x128xi32, #tpu.memory_space<vmem>>
        %dma_start3A_139 = tpu.memref_squeeze %dma_start3A_138 : memref<1x128xi32, #tpu.memory_space<vmem>> -> memref<128xi32, #tpu.memory_space<vmem>>
        %dma_start3A_140 = arith.constant 0 : i32
        %dma_start3A_141 = arith.constant 0 : i32
        %dma_start3A_142 = tpu.memref_slice %arg13[%dma_start3A_140, %dma_start3A_141] : memref<10112x64xf32, #tpu.memory_space<vmem_shared>> -> memref<10112x64xf32, #tpu.memory_space<vmem_shared>>
        tpu.enqueue_indirect_dma source(%arg9 : memref<128x64xf32, #tpu.memory_space<vmem>>) target(%dma_start3A_142 : memref<10112x64xf32, #tpu.memory_space<vmem_shared>>) offsets(%dma_start3A_139 : memref<128xi32, #tpu.memory_space<vmem>>) semaphore(%run_scoped3A : memref<!tpu.dma_semaphore, #tpu.memory_space<semaphore_mem>>) {add = true}
        %dma_wait3A_143 = arith.constant 0 : i32
        %dma_wait3A_144 = tpu.memref_slice %arg8[%add3A_81, %dma_wait3A_143] : memref<80x128xi32, #tpu.memory_space<vmem>> -> memref<1x128xi32, #tpu.memory_space<vmem>>
        %dma_wait3A_145 = tpu.memref_squeeze %dma_wait3A_144 : memref<1x128xi32, #tpu.memory_space<vmem>> -> memref<128xi32, #tpu.memory_space<vmem>>
        %dma_wait3A_146 = arith.constant 0 : i32
        %dma_wait3A_147 = arith.constant 0 : i32
        %dma_wait3A_148 = tpu.memref_slice %arg13[%dma_wait3A_146, %dma_wait3A_147] : memref<10112x64xf32, #tpu.memory_space<vmem_shared>> -> memref<10112x64xf32, #tpu.memory_space<vmem_shared>>
        tpu.wait_indirect_dma semaphore(%run_scoped3A : memref<!tpu.dma_semaphore, #tpu.memory_space<semaphore_mem>>) src(%arg9 : memref<128x64xf32, #tpu.memory_space<vmem>>) dst(%dma_wait3A_148 : memref<10112x64xf32, #tpu.memory_space<vmem_shared>>)
        tpu.yield
      }) : () -> ()
      %add3A_88 = arith.constant 4 : i32
      %add3A_89 = arith.addi %add3A_81, %add3A_88 : i32
      %lt3A = arith.constant 80 : i32
      %lt3A_90 = arith.cmpi slt, %add3A_89, %lt3A : i32
      %convert_element_type3A = arith.extui %lt3A_90 : i1 to i32
      %cond3A = arith.constant 0 : i32
      %cond3A_91 = arith.cmpi ne, %convert_element_type3A, %cond3A : i32
      scf.if %cond3A_91 {
        %add3A_137 = arith.constant 4 : i32
        %add3A_138 = arith.addi %add3A_81, %add3A_137 : i32
        %dma_start3A_139 = arith.constant 0 : i32
        %dma_start3A_140 = tpu.memref_slice %arg7[%add3A_138, %dma_start3A_139] : memref<80x128xi32, #tpu.memory_space<vmem>> -> memref<1x128xi32, #tpu.memory_space<vmem>>
        %dma_start3A_141 = tpu.memref_squeeze %dma_start3A_140 : memref<1x128xi32, #tpu.memory_space<vmem>> -> memref<128xi32, #tpu.memory_space<vmem>>
        %dma_start3A_142 = arith.constant 0 : i32
        %dma_start3A_143 = arith.constant 0 : i32
        %dma_start3A_144 = tpu.memref_slice %arg2[%dma_start3A_142, %dma_start3A_143] : memref<10112x64xf32, #tpu.memory_space<hbm>> -> memref<10112x64xf32, #tpu.memory_space<hbm>>
        tpu.enqueue_indirect_dma source(%dma_start3A_144 : memref<10112x64xf32, #tpu.memory_space<hbm>>) target(%arg9 : memref<128x64xf32, #tpu.memory_space<vmem>>) offsets(%dma_start3A_141 : memref<128xi32, #tpu.memory_space<vmem>>) semaphore(%arg14 : memref<!tpu.dma_semaphore, #tpu.memory_space<semaphore_mem>>)
      } else {
      }
      %add3A_92 = arith.constant 1 : i32
      %add3A_93 = arith.addi %mul3A_79, %add3A_92 : i32
      %dma_wait3A_94 = arith.constant 0 : i32
      %dma_wait3A_95 = tpu.memref_slice %arg7[%add3A_93, %dma_wait3A_94] : memref<80x128xi32, #tpu.memory_space<vmem>> -> memref<1x128xi32, #tpu.memory_space<vmem>>
      %dma_wait3A_96 = tpu.memref_squeeze %dma_wait3A_95 : memref<1x128xi32, #tpu.memory_space<vmem>> -> memref<128xi32, #tpu.memory_space<vmem>>
      %dma_wait3A_97 = arith.constant 0 : i32
      %dma_wait3A_98 = arith.constant 0 : i32
      %dma_wait3A_99 = tpu.memref_slice %arg2[%dma_wait3A_97, %dma_wait3A_98] : memref<10112x64xf32, #tpu.memory_space<hbm>> -> memref<10112x64xf32, #tpu.memory_space<hbm>>
      tpu.wait_indirect_dma semaphore(%arg15 : memref<!tpu.dma_semaphore, #tpu.memory_space<semaphore_mem>>) src(%dma_wait3A_99 : memref<10112x64xf32, #tpu.memory_space<hbm>>) dst(%arg10 : memref<128x64xf32, #tpu.memory_space<vmem>>)
      "tpu.region"() ({
        %run_scoped3A = tpu.sem_alloc : memref<!tpu.dma_semaphore, #tpu.memory_space<semaphore_mem>>
        %dma_start3A_137 = arith.constant 0 : i32
        %dma_start3A_138 = tpu.memref_slice %arg8[%add3A_93, %dma_start3A_137] : memref<80x128xi32, #tpu.memory_space<vmem>> -> memref<1x128xi32, #tpu.memory_space<vmem>>
        %dma_start3A_139 = tpu.memref_squeeze %dma_start3A_138 : memref<1x128xi32, #tpu.memory_space<vmem>> -> memref<128xi32, #tpu.memory_space<vmem>>
        %dma_start3A_140 = arith.constant 0 : i32
        %dma_start3A_141 = arith.constant 0 : i32
        %dma_start3A_142 = tpu.memref_slice %arg13[%dma_start3A_140, %dma_start3A_141] : memref<10112x64xf32, #tpu.memory_space<vmem_shared>> -> memref<10112x64xf32, #tpu.memory_space<vmem_shared>>
        tpu.enqueue_indirect_dma source(%arg10 : memref<128x64xf32, #tpu.memory_space<vmem>>) target(%dma_start3A_142 : memref<10112x64xf32, #tpu.memory_space<vmem_shared>>) offsets(%dma_start3A_139 : memref<128xi32, #tpu.memory_space<vmem>>) semaphore(%run_scoped3A : memref<!tpu.dma_semaphore, #tpu.memory_space<semaphore_mem>>) {add = true}
        %dma_wait3A_143 = arith.constant 0 : i32
        %dma_wait3A_144 = tpu.memref_slice %arg8[%add3A_93, %dma_wait3A_143] : memref<80x128xi32, #tpu.memory_space<vmem>> -> memref<1x128xi32, #tpu.memory_space<vmem>>
        %dma_wait3A_145 = tpu.memref_squeeze %dma_wait3A_144 : memref<1x128xi32, #tpu.memory_space<vmem>> -> memref<128xi32, #tpu.memory_space<vmem>>
        %dma_wait3A_146 = arith.constant 0 : i32
        %dma_wait3A_147 = arith.constant 0 : i32
        %dma_wait3A_148 = tpu.memref_slice %arg13[%dma_wait3A_146, %dma_wait3A_147] : memref<10112x64xf32, #tpu.memory_space<vmem_shared>> -> memref<10112x64xf32, #tpu.memory_space<vmem_shared>>
        tpu.wait_indirect_dma semaphore(%run_scoped3A : memref<!tpu.dma_semaphore, #tpu.memory_space<semaphore_mem>>) src(%arg10 : memref<128x64xf32, #tpu.memory_space<vmem>>) dst(%dma_wait3A_148 : memref<10112x64xf32, #tpu.memory_space<vmem_shared>>)
        tpu.yield
      }) : () -> ()
      %add3A_100 = arith.constant 4 : i32
      %add3A_101 = arith.addi %add3A_93, %add3A_100 : i32
      %lt3A_102 = arith.constant 80 : i32
      %lt3A_103 = arith.cmpi slt, %add3A_101, %lt3A_102 : i32
      %convert_element_type3A_104 = arith.extui %lt3A_103 : i1 to i32
      %cond3A_105 = arith.constant 0 : i32
      %cond3A_106 = arith.cmpi ne, %convert_element_type3A_104, %cond3A_105 : i32
      scf.if %cond3A_106 {
        %add3A_137 = arith.constant 4 : i32
        %add3A_138 = arith.addi %add3A_93, %add3A_137 : i32
        %dma_start3A_139 = arith.constant 0 : i32
        %dma_start3A_140 = tpu.memref_slice %arg7[%add3A_138, %dma_start3A_139] : memref<80x128xi32, #tpu.memory_space<vmem>> -> memref<1x128xi32, #tpu.memory_space<vmem>>
        %dma_start3A_141 = tpu.memref_squeeze %dma_start3A_140 : memref<1x128xi32, #tpu.memory_space<vmem>> -> memref<128xi32, #tpu.memory_space<vmem>>
        %dma_start3A_142 = arith.constant 0 : i32
        %dma_start3A_143 = arith.constant 0 : i32
        %dma_start3A_144 = tpu.memref_slice %arg2[%dma_start3A_142, %dma_start3A_143] : memref<10112x64xf32, #tpu.memory_space<hbm>> -> memref<10112x64xf32, #tpu.memory_space<hbm>>
        tpu.enqueue_indirect_dma source(%dma_start3A_144 : memref<10112x64xf32, #tpu.memory_space<hbm>>) target(%arg10 : memref<128x64xf32, #tpu.memory_space<vmem>>) offsets(%dma_start3A_141 : memref<128xi32, #tpu.memory_space<vmem>>) semaphore(%arg15 : memref<!tpu.dma_semaphore, #tpu.memory_space<semaphore_mem>>)
      } else {
      }
      %add3A_107 = arith.constant 2 : i32
      %add3A_108 = arith.addi %mul3A_79, %add3A_107 : i32
      %dma_wait3A_109 = arith.constant 0 : i32
      %dma_wait3A_110 = tpu.memref_slice %arg7[%add3A_108, %dma_wait3A_109] : memref<80x128xi32, #tpu.memory_space<vmem>> -> memref<1x128xi32, #tpu.memory_space<vmem>>
      %dma_wait3A_111 = tpu.memref_squeeze %dma_wait3A_110 : memref<1x128xi32, #tpu.memory_space<vmem>> -> memref<128xi32, #tpu.memory_space<vmem>>
      %dma_wait3A_112 = arith.constant 0 : i32
      %dma_wait3A_113 = arith.constant 0 : i32
      %dma_wait3A_114 = tpu.memref_slice %arg2[%dma_wait3A_112, %dma_wait3A_113] : memref<10112x64xf32, #tpu.memory_space<hbm>> -> memref<10112x64xf32, #tpu.memory_space<hbm>>
      tpu.wait_indirect_dma semaphore(%arg16 : memref<!tpu.dma_semaphore, #tpu.memory_space<semaphore_mem>>) src(%dma_wait3A_114 : memref<10112x64xf32, #tpu.memory_space<hbm>>) dst(%arg11 : memref<128x64xf32, #tpu.memory_space<vmem>>)
      "tpu.region"() ({
        %run_scoped3A = tpu.sem_alloc : memref<!tpu.dma_semaphore, #tpu.memory_space<semaphore_mem>>
        %dma_start3A_137 = arith.constant 0 : i32
        %dma_start3A_138 = tpu.memref_slice %arg8[%add3A_108, %dma_start3A_137] : memref<80x128xi32, #tpu.memory_space<vmem>> -> memref<1x128xi32, #tpu.memory_space<vmem>>
        %dma_start3A_139 = tpu.memref_squeeze %dma_start3A_138 : memref<1x128xi32, #tpu.memory_space<vmem>> -> memref<128xi32, #tpu.memory_space<vmem>>
        %dma_start3A_140 = arith.constant 0 : i32
        %dma_start3A_141 = arith.constant 0 : i32
        %dma_start3A_142 = tpu.memref_slice %arg13[%dma_start3A_140, %dma_start3A_141] : memref<10112x64xf32, #tpu.memory_space<vmem_shared>> -> memref<10112x64xf32, #tpu.memory_space<vmem_shared>>
        tpu.enqueue_indirect_dma source(%arg11 : memref<128x64xf32, #tpu.memory_space<vmem>>) target(%dma_start3A_142 : memref<10112x64xf32, #tpu.memory_space<vmem_shared>>) offsets(%dma_start3A_139 : memref<128xi32, #tpu.memory_space<vmem>>) semaphore(%run_scoped3A : memref<!tpu.dma_semaphore, #tpu.memory_space<semaphore_mem>>) {add = true}
        %dma_wait3A_143 = arith.constant 0 : i32
        %dma_wait3A_144 = tpu.memref_slice %arg8[%add3A_108, %dma_wait3A_143] : memref<80x128xi32, #tpu.memory_space<vmem>> -> memref<1x128xi32, #tpu.memory_space<vmem>>
        %dma_wait3A_145 = tpu.memref_squeeze %dma_wait3A_144 : memref<1x128xi32, #tpu.memory_space<vmem>> -> memref<128xi32, #tpu.memory_space<vmem>>
        %dma_wait3A_146 = arith.constant 0 : i32
        %dma_wait3A_147 = arith.constant 0 : i32
        %dma_wait3A_148 = tpu.memref_slice %arg13[%dma_wait3A_146, %dma_wait3A_147] : memref<10112x64xf32, #tpu.memory_space<vmem_shared>> -> memref<10112x64xf32, #tpu.memory_space<vmem_shared>>
        tpu.wait_indirect_dma semaphore(%run_scoped3A : memref<!tpu.dma_semaphore, #tpu.memory_space<semaphore_mem>>) src(%arg11 : memref<128x64xf32, #tpu.memory_space<vmem>>) dst(%dma_wait3A_148 : memref<10112x64xf32, #tpu.memory_space<vmem_shared>>)
        tpu.yield
      }) : () -> ()
      %add3A_115 = arith.constant 4 : i32
      %add3A_116 = arith.addi %add3A_108, %add3A_115 : i32
      %lt3A_117 = arith.constant 80 : i32
      %lt3A_118 = arith.cmpi slt, %add3A_116, %lt3A_117 : i32
      %convert_element_type3A_119 = arith.extui %lt3A_118 : i1 to i32
      %cond3A_120 = arith.constant 0 : i32
      %cond3A_121 = arith.cmpi ne, %convert_element_type3A_119, %cond3A_120 : i32
      scf.if %cond3A_121 {
        %add3A_137 = arith.constant 4 : i32
        %add3A_138 = arith.addi %add3A_108, %add3A_137 : i32
        %dma_start3A_139 = arith.constant 0 : i32
        %dma_start3A_140 = tpu.memref_slice %arg7[%add3A_138, %dma_start3A_139] : memref<80x128xi32, #tpu.memory_space<vmem>> -> memref<1x128xi32, #tpu.memory_space<vmem>>
        %dma_start3A_141 = tpu.memref_squeeze %dma_start3A_140 : memref<1x128xi32, #tpu.memory_space<vmem>> -> memref<128xi32, #tpu.memory_space<vmem>>
        %dma_start3A_142 = arith.constant 0 : i32
        %dma_start3A_143 = arith.constant 0 : i32
        %dma_start3A_144 = tpu.memref_slice %arg2[%dma_start3A_142, %dma_start3A_143] : memref<10112x64xf32, #tpu.memory_space<hbm>> -> memref<10112x64xf32, #tpu.memory_space<hbm>>
        tpu.enqueue_indirect_dma source(%dma_start3A_144 : memref<10112x64xf32, #tpu.memory_space<hbm>>) target(%arg11 : memref<128x64xf32, #tpu.memory_space<vmem>>) offsets(%dma_start3A_141 : memref<128xi32, #tpu.memory_space<vmem>>) semaphore(%arg16 : memref<!tpu.dma_semaphore, #tpu.memory_space<semaphore_mem>>)
      } else {
      }
      %add3A_122 = arith.constant 3 : i32
      %add3A_123 = arith.addi %mul3A_79, %add3A_122 : i32
      %dma_wait3A_124 = arith.constant 0 : i32
      %dma_wait3A_125 = tpu.memref_slice %arg7[%add3A_123, %dma_wait3A_124] : memref<80x128xi32, #tpu.memory_space<vmem>> -> memref<1x128xi32, #tpu.memory_space<vmem>>
      %dma_wait3A_126 = tpu.memref_squeeze %dma_wait3A_125 : memref<1x128xi32, #tpu.memory_space<vmem>> -> memref<128xi32, #tpu.memory_space<vmem>>
      %dma_wait3A_127 = arith.constant 0 : i32
      %dma_wait3A_128 = arith.constant 0 : i32
      %dma_wait3A_129 = tpu.memref_slice %arg2[%dma_wait3A_127, %dma_wait3A_128] : memref<10112x64xf32, #tpu.memory_space<hbm>> -> memref<10112x64xf32, #tpu.memory_space<hbm>>
      tpu.wait_indirect_dma semaphore(%arg17 : memref<!tpu.dma_semaphore, #tpu.memory_space<semaphore_mem>>) src(%dma_wait3A_129 : memref<10112x64xf32, #tpu.memory_space<hbm>>) dst(%arg12 : memref<128x64xf32, #tpu.memory_space<vmem>>)
      "tpu.region"() ({
        %run_scoped3A = tpu.sem_alloc : memref<!tpu.dma_semaphore, #tpu.memory_space<semaphore_mem>>
        %dma_start3A_137 = arith.constant 0 : i32
        %dma_start3A_138 = tpu.memref_slice %arg8[%add3A_123, %dma_start3A_137] : memref<80x128xi32, #tpu.memory_space<vmem>> -> memref<1x128xi32, #tpu.memory_space<vmem>>
        %dma_start3A_139 = tpu.memref_squeeze %dma_start3A_138 : memref<1x128xi32, #tpu.memory_space<vmem>> -> memref<128xi32, #tpu.memory_space<vmem>>
        %dma_start3A_140 = arith.constant 0 : i32
        %dma_start3A_141 = arith.constant 0 : i32
        %dma_start3A_142 = tpu.memref_slice %arg13[%dma_start3A_140, %dma_start3A_141] : memref<10112x64xf32, #tpu.memory_space<vmem_shared>> -> memref<10112x64xf32, #tpu.memory_space<vmem_shared>>
        tpu.enqueue_indirect_dma source(%arg12 : memref<128x64xf32, #tpu.memory_space<vmem>>) target(%dma_start3A_142 : memref<10112x64xf32, #tpu.memory_space<vmem_shared>>) offsets(%dma_start3A_139 : memref<128xi32, #tpu.memory_space<vmem>>) semaphore(%run_scoped3A : memref<!tpu.dma_semaphore, #tpu.memory_space<semaphore_mem>>) {add = true}
        %dma_wait3A_143 = arith.constant 0 : i32
        %dma_wait3A_144 = tpu.memref_slice %arg8[%add3A_123, %dma_wait3A_143] : memref<80x128xi32, #tpu.memory_space<vmem>> -> memref<1x128xi32, #tpu.memory_space<vmem>>
        %dma_wait3A_145 = tpu.memref_squeeze %dma_wait3A_144 : memref<1x128xi32, #tpu.memory_space<vmem>> -> memref<128xi32, #tpu.memory_space<vmem>>
        %dma_wait3A_146 = arith.constant 0 : i32
        %dma_wait3A_147 = arith.constant 0 : i32
        %dma_wait3A_148 = tpu.memref_slice %arg13[%dma_wait3A_146, %dma_wait3A_147] : memref<10112x64xf32, #tpu.memory_space<vmem_shared>> -> memref<10112x64xf32, #tpu.memory_space<vmem_shared>>
        tpu.wait_indirect_dma semaphore(%run_scoped3A : memref<!tpu.dma_semaphore, #tpu.memory_space<semaphore_mem>>) src(%arg12 : memref<128x64xf32, #tpu.memory_space<vmem>>) dst(%dma_wait3A_148 : memref<10112x64xf32, #tpu.memory_space<vmem_shared>>)
        tpu.yield
      }) : () -> ()
      %add3A_130 = arith.constant 4 : i32
      %add3A_131 = arith.addi %add3A_123, %add3A_130 : i32
      %lt3A_132 = arith.constant 80 : i32
      %lt3A_133 = arith.cmpi slt, %add3A_131, %lt3A_132 : i32
      %convert_element_type3A_134 = arith.extui %lt3A_133 : i1 to i32
      %cond3A_135 = arith.constant 0 : i32
      %cond3A_136 = arith.cmpi ne, %convert_element_type3A_134, %cond3A_135 : i32
      scf.if %cond3A_136 {
        %add3A_137 = arith.constant 4 : i32
        %add3A_138 = arith.addi %add3A_123, %add3A_137 : i32
        %dma_start3A_139 = arith.constant 0 : i32
        %dma_start3A_140 = tpu.memref_slice %arg7[%add3A_138, %dma_start3A_139] : memref<80x128xi32, #tpu.memory_space<vmem>> -> memref<1x128xi32, #tpu.memory_space<vmem>>
        %dma_start3A_141 = tpu.memref_squeeze %dma_start3A_140 : memref<1x128xi32, #tpu.memory_space<vmem>> -> memref<128xi32, #tpu.memory_space<vmem>>
        %dma_start3A_142 = arith.constant 0 : i32
        %dma_start3A_143 = arith.constant 0 : i32
        %dma_start3A_144 = tpu.memref_slice %arg2[%dma_start3A_142, %dma_start3A_143] : memref<10112x64xf32, #tpu.memory_space<hbm>> -> memref<10112x64xf32, #tpu.memory_space<hbm>>
        tpu.enqueue_indirect_dma source(%dma_start3A_144 : memref<10112x64xf32, #tpu.memory_space<hbm>>) target(%arg12 : memref<128x64xf32, #tpu.memory_space<vmem>>) offsets(%dma_start3A_141 : memref<128xi32, #tpu.memory_space<vmem>>) semaphore(%arg17 : memref<!tpu.dma_semaphore, #tpu.memory_space<semaphore_mem>>)
      } else {
      }
    }
    %scan3A_71 = arith.constant 20 : i32
    %barrier3A_72 = arith.constant 0 : index
    tpu.barrier barrier_id(%barrier3A_72)
    %mul3A_73 = arith.constant 632 : i32
    %mul3A_74 = arith.muli %arg1, %mul3A_73 : i32
    %mul3A_75 = arith.constant 632 : i32
    %mul3A_76 = arith.muli %arg1, %mul3A_75 : i32
    "tpu.region"() ({
      %run_scoped3A = tpu.sem_alloc : memref<!tpu.dma_semaphore, #tpu.memory_space<semaphore_mem>>
      %dma_start3A_77 = arith.constant 0 : i32
      %dma_start3A_78 = tpu.memref_slice %arg6[%arg0, %mul3A_76, %dma_start3A_77] : memref<2x10112x64xf32, #tpu.memory_space<hbm>> -> memref<1x632x64xf32, #tpu.memory_space<hbm>>
      %dma_start3A_79 = tpu.memref_squeeze %dma_start3A_78 : memref<1x632x64xf32, #tpu.memory_space<hbm>> -> memref<632x64xf32, #tpu.memory_space<hbm>>
      %dma_start3A_80 = arith.constant 0 : i32
      %dma_start3A_81 = tpu.memref_slice %arg13[%mul3A_74, %dma_start3A_80] : memref<10112x64xf32, #tpu.memory_space<vmem_shared>> -> memref<632x64xf32, #tpu.memory_space<vmem_shared>>
      tpu.enqueue_dma source(%dma_start3A_81 : memref<632x64xf32, #tpu.memory_space<vmem_shared>>) target(%dma_start3A_79 : memref<632x64xf32, #tpu.memory_space<hbm>>) target_semaphore(%run_scoped3A : memref<!tpu.dma_semaphore, #tpu.memory_space<semaphore_mem>>)
      %dma_wait3A_82 = arith.constant 0 : i32
      %dma_wait3A_83 = tpu.memref_slice %arg6[%arg0, %mul3A_76, %dma_wait3A_82] : memref<2x10112x64xf32, #tpu.memory_space<hbm>> -> memref<1x632x64xf32, #tpu.memory_space<hbm>>
      %dma_wait3A_84 = tpu.memref_squeeze %dma_wait3A_83 : memref<1x632x64xf32, #tpu.memory_space<hbm>> -> memref<632x64xf32, #tpu.memory_space<hbm>>
      %dma_wait3A_85 = arith.constant 0 : i32
      %dma_wait3A_86 = tpu.memref_slice %arg13[%mul3A_74, %dma_wait3A_85] : memref<10112x64xf32, #tpu.memory_space<vmem_shared>> -> memref<632x64xf32, #tpu.memory_space<vmem_shared>>
      tpu.wait_dma2 semaphore(%run_scoped3A : memref<!tpu.dma_semaphore, #tpu.memory_space<semaphore_mem>>) src(%dma_wait3A_86 : memref<632x64xf32, #tpu.memory_space<vmem_shared>>) dst(%dma_wait3A_84 : memref<632x64xf32, #tpu.memory_space<hbm>>)
      tpu.yield
    }) : () -> ()
    return
  }
}

#map = affine_map<(d0, d1) -> (0, 0, 0)>
#map1 = affine_map<(d0, d1) -> (0, 0)>
module attributes {stable_mosaic.version = 14 : i64} {
  func.func @_deg_kernel(%arg0: i32, %arg1: i32, %arg2: memref<32x80x128xi32, #tpu.memory_space<hbm>>, %arg3: memref<128x16xf32, #tpu.memory_space<hbm>>, %arg4: memref<632x16xf32, #tpu.memory_space<hbm>>, %arg5: memref<2x10112x16xf32, #tpu.memory_space<hbm>>, %arg6: memref<80x128xi32, #tpu.memory_space<vmem>>, %arg7: memref<128x16xf32, #tpu.memory_space<vmem>>, %arg8: memref<10112x16xf32, #tpu.memory_space<vmem_shared>>, %arg9: memref<!tpu.dma_semaphore, #tpu.memory_space<semaphore_mem>>, %arg10: memref<!tpu.dma_semaphore, #tpu.memory_space<semaphore_mem>>, %arg11: memref<!tpu.dma_semaphore, #tpu.memory_space<semaphore_mem>>, %arg12: memref<!tpu.dma_semaphore, #tpu.memory_space<semaphore_mem>>) attributes {dimension_semantics = [#tpu.dimension_semantics<core_parallel>, #tpu.dimension_semantics<subcore_parallel>], iteration_bounds = array<i64: 2, 16>, scalar_prefetch = 0 : i64, scratch_operands = 7 : i64, tpu.core_type = #tpu.core_type<sc_vector_subcore>, window_params = [{transform_indices = #map}, {transform_indices = #map1}, {transform_indices = #map1}, {transform_indices = #map}]} {
    %mul3A = arith.constant 2 : i32
    %mul3A_0 = arith.muli %arg1, %mul3A : i32
    %add3A = arith.addi %mul3A_0, %arg0 : i32
    %mul3A_1 = arith.constant 632 : i32
    %mul3A_2 = arith.muli %arg1, %mul3A_1 : i32
    %dma_start3A = arith.constant 0 : i32
    %dma_start3A_3 = tpu.memref_slice %arg8[%mul3A_2, %dma_start3A] : memref<10112x16xf32, #tpu.memory_space<vmem_shared>> -> memref<632x16xf32, #tpu.memory_space<vmem_shared>>
    tpu.enqueue_dma source(%arg4 : memref<632x16xf32, #tpu.memory_space<hbm>>) target(%dma_start3A_3 : memref<632x16xf32, #tpu.memory_space<vmem_shared>>) target_semaphore(%arg10 : memref<!tpu.dma_semaphore, #tpu.memory_space<semaphore_mem>>)
    tpu.enqueue_dma source(%arg3 : memref<128x16xf32, #tpu.memory_space<hbm>>) target(%arg7 : memref<128x16xf32, #tpu.memory_space<vmem>>) target_semaphore(%arg11 : memref<!tpu.dma_semaphore, #tpu.memory_space<semaphore_mem>>)
    %dma_start3A_4 = arith.constant 0 : i32
    %dma_start3A_5 = arith.constant 0 : i32
    %dma_start3A_6 = tpu.memref_slice %arg2[%add3A, %dma_start3A_4, %dma_start3A_5] : memref<32x80x128xi32, #tpu.memory_space<hbm>> -> memref<1x80x128xi32, #tpu.memory_space<hbm>>
    %dma_start3A_7 = tpu.memref_squeeze %dma_start3A_6 : memref<1x80x128xi32, #tpu.memory_space<hbm>> -> memref<80x128xi32, #tpu.memory_space<hbm>>
    %dma_start3A_8 = arith.constant 0 : i32
    %dma_start3A_9 = arith.constant 0 : i32
    %dma_start3A_10 = tpu.memref_slice %arg2[%add3A, %dma_start3A_8, %dma_start3A_9] : memref<32x80x128xi32, #tpu.memory_space<hbm>> -> memref<1x80x128xi32, #tpu.memory_space<hbm>>
    %dma_start3A_11 = tpu.memref_squeeze %dma_start3A_10 : memref<1x80x128xi32, #tpu.memory_space<hbm>> -> memref<80x128xi32, #tpu.memory_space<hbm>>
    tpu.enqueue_dma source(%dma_start3A_11 : memref<80x128xi32, #tpu.memory_space<hbm>>) target(%arg6 : memref<80x128xi32, #tpu.memory_space<vmem>>) target_semaphore(%arg12 : memref<!tpu.dma_semaphore, #tpu.memory_space<semaphore_mem>>)
    tpu.wait_dma2 semaphore(%arg11 : memref<!tpu.dma_semaphore, #tpu.memory_space<semaphore_mem>>) src(%arg3 : memref<128x16xf32, #tpu.memory_space<hbm>>) dst(%arg7 : memref<128x16xf32, #tpu.memory_space<vmem>>)
    %dma_wait3A = arith.constant 0 : i32
    %dma_wait3A_12 = arith.constant 0 : i32
    %dma_wait3A_13 = tpu.memref_slice %arg2[%add3A, %dma_wait3A, %dma_wait3A_12] : memref<32x80x128xi32, #tpu.memory_space<hbm>> -> memref<1x80x128xi32, #tpu.memory_space<hbm>>
    %dma_wait3A_14 = tpu.memref_squeeze %dma_wait3A_13 : memref<1x80x128xi32, #tpu.memory_space<hbm>> -> memref<80x128xi32, #tpu.memory_space<hbm>>
    %dma_wait3A_15 = arith.constant 0 : i32
    %dma_wait3A_16 = arith.constant 0 : i32
    %dma_wait3A_17 = tpu.memref_slice %arg2[%add3A, %dma_wait3A_15, %dma_wait3A_16] : memref<32x80x128xi32, #tpu.memory_space<hbm>> -> memref<1x80x128xi32, #tpu.memory_space<hbm>>
    %dma_wait3A_18 = tpu.memref_squeeze %dma_wait3A_17 : memref<1x80x128xi32, #tpu.memory_space<hbm>> -> memref<80x128xi32, #tpu.memory_space<hbm>>
    tpu.wait_dma2 semaphore(%arg12 : memref<!tpu.dma_semaphore, #tpu.memory_space<semaphore_mem>>) src(%dma_wait3A_18 : memref<80x128xi32, #tpu.memory_space<hbm>>) dst(%arg6 : memref<80x128xi32, #tpu.memory_space<vmem>>)
    %mul3A_19 = arith.constant 632 : i32
    %mul3A_20 = arith.muli %arg1, %mul3A_19 : i32
    %dma_wait3A_21 = arith.constant 0 : i32
    %dma_wait3A_22 = tpu.memref_slice %arg8[%mul3A_20, %dma_wait3A_21] : memref<10112x16xf32, #tpu.memory_space<vmem_shared>> -> memref<632x16xf32, #tpu.memory_space<vmem_shared>>
    tpu.wait_dma2 semaphore(%arg10 : memref<!tpu.dma_semaphore, #tpu.memory_space<semaphore_mem>>) src(%arg4 : memref<632x16xf32, #tpu.memory_space<hbm>>) dst(%dma_wait3A_22 : memref<632x16xf32, #tpu.memory_space<vmem_shared>>)
    %barrier3A = arith.constant 0 : index
    tpu.barrier barrier_id(%barrier3A)
    %scan3A = arith.constant 0 : i32
    %scan3A_23 = arith.constant 0 : i32
    %scan3A_24 = arith.constant 80 : i32
    %scan3A_25 = arith.addi %scan3A_23, %scan3A_24 : i32
    %scan3A_26 = arith.constant 1 : i32
    scf.for %scan3A_89 = %scan3A_23 to %scan3A_25 step %scan3A_26  : i32 {
      %dma_start3A_90 = arith.constant 0 : i32
      %dma_start3A_91 = tpu.memref_slice %arg6[%scan3A_89, %dma_start3A_90] : memref<80x128xi32, #tpu.memory_space<vmem>> -> memref<1x128xi32, #tpu.memory_space<vmem>>
      %dma_start3A_92 = tpu.memref_squeeze %dma_start3A_91 : memref<1x128xi32, #tpu.memory_space<vmem>> -> memref<128xi32, #tpu.memory_space<vmem>>
      %dma_start3A_93 = arith.constant 0 : i32
      %dma_start3A_94 = arith.constant 0 : i32
      %dma_start3A_95 = tpu.memref_slice %arg8[%dma_start3A_93, %dma_start3A_94] : memref<10112x16xf32, #tpu.memory_space<vmem_shared>> -> memref<10112x16xf32, #tpu.memory_space<vmem_shared>>
      tpu.enqueue_indirect_dma source(%arg7 : memref<128x16xf32, #tpu.memory_space<vmem>>) target(%dma_start3A_95 : memref<10112x16xf32, #tpu.memory_space<vmem_shared>>) offsets(%dma_start3A_92 : memref<128xi32, #tpu.memory_space<vmem>>) semaphore(%arg9 : memref<!tpu.dma_semaphore, #tpu.memory_space<semaphore_mem>>) {add = true}
      %ge3A = arith.constant 8 : i32
      %ge3A_96 = arith.cmpi sge, %scan3A_89, %ge3A : i32
      %convert_element_type3A = arith.extui %ge3A_96 : i1 to i32
      %cond3A = arith.constant 0 : i32
      %cond3A_97 = arith.cmpi ne, %convert_element_type3A, %cond3A : i32
      scf.if %cond3A_97 {
        %sub3A = arith.constant 8 : i32
        %sub3A_98 = arith.subi %scan3A_89, %sub3A : i32
        %dma_wait3A_99 = arith.constant 0 : i32
        %dma_wait3A_100 = tpu.memref_slice %arg6[%sub3A_98, %dma_wait3A_99] : memref<80x128xi32, #tpu.memory_space<vmem>> -> memref<1x128xi32, #tpu.memory_space<vmem>>
        %dma_wait3A_101 = tpu.memref_squeeze %dma_wait3A_100 : memref<1x128xi32, #tpu.memory_space<vmem>> -> memref<128xi32, #tpu.memory_space<vmem>>
        %dma_wait3A_102 = arith.constant 0 : i32
        %dma_wait3A_103 = arith.constant 0 : i32
        %dma_wait3A_104 = tpu.memref_slice %arg8[%dma_wait3A_102, %dma_wait3A_103] : memref<10112x16xf32, #tpu.memory_space<vmem_shared>> -> memref<10112x16xf32, #tpu.memory_space<vmem_shared>>
        tpu.wait_indirect_dma semaphore(%arg9 : memref<!tpu.dma_semaphore, #tpu.memory_space<semaphore_mem>>) src(%arg7 : memref<128x16xf32, #tpu.memory_space<vmem>>) dst(%dma_wait3A_104 : memref<10112x16xf32, #tpu.memory_space<vmem_shared>>)
      } else {
      }
    }
    %scan3A_27 = arith.constant 80 : i32
    %dma_wait3A_28 = arith.constant 72 : i32
    %dma_wait3A_29 = arith.constant 0 : i32
    %dma_wait3A_30 = tpu.memref_slice %arg6[%dma_wait3A_28, %dma_wait3A_29] : memref<80x128xi32, #tpu.memory_space<vmem>> -> memref<1x128xi32, #tpu.memory_space<vmem>>
    %dma_wait3A_31 = tpu.memref_squeeze %dma_wait3A_30 : memref<1x128xi32, #tpu.memory_space<vmem>> -> memref<128xi32, #tpu.memory_space<vmem>>
    %dma_wait3A_32 = arith.constant 0 : i32
    %dma_wait3A_33 = arith.constant 0 : i32
    %dma_wait3A_34 = tpu.memref_slice %arg8[%dma_wait3A_32, %dma_wait3A_33] : memref<10112x16xf32, #tpu.memory_space<vmem_shared>> -> memref<10112x16xf32, #tpu.memory_space<vmem_shared>>
    tpu.wait_indirect_dma semaphore(%arg9 : memref<!tpu.dma_semaphore, #tpu.memory_space<semaphore_mem>>) src(%arg7 : memref<128x16xf32, #tpu.memory_space<vmem>>) dst(%dma_wait3A_34 : memref<10112x16xf32, #tpu.memory_space<vmem_shared>>)
    %dma_wait3A_35 = arith.constant 73 : i32
    %dma_wait3A_36 = arith.constant 0 : i32
    %dma_wait3A_37 = tpu.memref_slice %arg6[%dma_wait3A_35, %dma_wait3A_36] : memref<80x128xi32, #tpu.memory_space<vmem>> -> memref<1x128xi32, #tpu.memory_space<vmem>>
    %dma_wait3A_38 = tpu.memref_squeeze %dma_wait3A_37 : memref<1x128xi32, #tpu.memory_space<vmem>> -> memref<128xi32, #tpu.memory_space<vmem>>
    %dma_wait3A_39 = arith.constant 0 : i32
    %dma_wait3A_40 = arith.constant 0 : i32
    %dma_wait3A_41 = tpu.memref_slice %arg8[%dma_wait3A_39, %dma_wait3A_40] : memref<10112x16xf32, #tpu.memory_space<vmem_shared>> -> memref<10112x16xf32, #tpu.memory_space<vmem_shared>>
    tpu.wait_indirect_dma semaphore(%arg9 : memref<!tpu.dma_semaphore, #tpu.memory_space<semaphore_mem>>) src(%arg7 : memref<128x16xf32, #tpu.memory_space<vmem>>) dst(%dma_wait3A_41 : memref<10112x16xf32, #tpu.memory_space<vmem_shared>>)
    %dma_wait3A_42 = arith.constant 74 : i32
    %dma_wait3A_43 = arith.constant 0 : i32
    %dma_wait3A_44 = tpu.memref_slice %arg6[%dma_wait3A_42, %dma_wait3A_43] : memref<80x128xi32, #tpu.memory_space<vmem>> -> memref<1x128xi32, #tpu.memory_space<vmem>>
    %dma_wait3A_45 = tpu.memref_squeeze %dma_wait3A_44 : memref<1x128xi32, #tpu.memory_space<vmem>> -> memref<128xi32, #tpu.memory_space<vmem>>
    %dma_wait3A_46 = arith.constant 0 : i32
    %dma_wait3A_47 = arith.constant 0 : i32
    %dma_wait3A_48 = tpu.memref_slice %arg8[%dma_wait3A_46, %dma_wait3A_47] : memref<10112x16xf32, #tpu.memory_space<vmem_shared>> -> memref<10112x16xf32, #tpu.memory_space<vmem_shared>>
    tpu.wait_indirect_dma semaphore(%arg9 : memref<!tpu.dma_semaphore, #tpu.memory_space<semaphore_mem>>) src(%arg7 : memref<128x16xf32, #tpu.memory_space<vmem>>) dst(%dma_wait3A_48 : memref<10112x16xf32, #tpu.memory_space<vmem_shared>>)
    %dma_wait3A_49 = arith.constant 75 : i32
    %dma_wait3A_50 = arith.constant 0 : i32
    %dma_wait3A_51 = tpu.memref_slice %arg6[%dma_wait3A_49, %dma_wait3A_50] : memref<80x128xi32, #tpu.memory_space<vmem>> -> memref<1x128xi32, #tpu.memory_space<vmem>>
    %dma_wait3A_52 = tpu.memref_squeeze %dma_wait3A_51 : memref<1x128xi32, #tpu.memory_space<vmem>> -> memref<128xi32, #tpu.memory_space<vmem>>
    %dma_wait3A_53 = arith.constant 0 : i32
    %dma_wait3A_54 = arith.constant 0 : i32
    %dma_wait3A_55 = tpu.memref_slice %arg8[%dma_wait3A_53, %dma_wait3A_54] : memref<10112x16xf32, #tpu.memory_space<vmem_shared>> -> memref<10112x16xf32, #tpu.memory_space<vmem_shared>>
    tpu.wait_indirect_dma semaphore(%arg9 : memref<!tpu.dma_semaphore, #tpu.memory_space<semaphore_mem>>) src(%arg7 : memref<128x16xf32, #tpu.memory_space<vmem>>) dst(%dma_wait3A_55 : memref<10112x16xf32, #tpu.memory_space<vmem_shared>>)
    %dma_wait3A_56 = arith.constant 76 : i32
    %dma_wait3A_57 = arith.constant 0 : i32
    %dma_wait3A_58 = tpu.memref_slice %arg6[%dma_wait3A_56, %dma_wait3A_57] : memref<80x128xi32, #tpu.memory_space<vmem>> -> memref<1x128xi32, #tpu.memory_space<vmem>>
    %dma_wait3A_59 = tpu.memref_squeeze %dma_wait3A_58 : memref<1x128xi32, #tpu.memory_space<vmem>> -> memref<128xi32, #tpu.memory_space<vmem>>
    %dma_wait3A_60 = arith.constant 0 : i32
    %dma_wait3A_61 = arith.constant 0 : i32
    %dma_wait3A_62 = tpu.memref_slice %arg8[%dma_wait3A_60, %dma_wait3A_61] : memref<10112x16xf32, #tpu.memory_space<vmem_shared>> -> memref<10112x16xf32, #tpu.memory_space<vmem_shared>>
    tpu.wait_indirect_dma semaphore(%arg9 : memref<!tpu.dma_semaphore, #tpu.memory_space<semaphore_mem>>) src(%arg7 : memref<128x16xf32, #tpu.memory_space<vmem>>) dst(%dma_wait3A_62 : memref<10112x16xf32, #tpu.memory_space<vmem_shared>>)
    %dma_wait3A_63 = arith.constant 77 : i32
    %dma_wait3A_64 = arith.constant 0 : i32
    %dma_wait3A_65 = tpu.memref_slice %arg6[%dma_wait3A_63, %dma_wait3A_64] : memref<80x128xi32, #tpu.memory_space<vmem>> -> memref<1x128xi32, #tpu.memory_space<vmem>>
    %dma_wait3A_66 = tpu.memref_squeeze %dma_wait3A_65 : memref<1x128xi32, #tpu.memory_space<vmem>> -> memref<128xi32, #tpu.memory_space<vmem>>
    %dma_wait3A_67 = arith.constant 0 : i32
    %dma_wait3A_68 = arith.constant 0 : i32
    %dma_wait3A_69 = tpu.memref_slice %arg8[%dma_wait3A_67, %dma_wait3A_68] : memref<10112x16xf32, #tpu.memory_space<vmem_shared>> -> memref<10112x16xf32, #tpu.memory_space<vmem_shared>>
    tpu.wait_indirect_dma semaphore(%arg9 : memref<!tpu.dma_semaphore, #tpu.memory_space<semaphore_mem>>) src(%arg7 : memref<128x16xf32, #tpu.memory_space<vmem>>) dst(%dma_wait3A_69 : memref<10112x16xf32, #tpu.memory_space<vmem_shared>>)
    %dma_wait3A_70 = arith.constant 78 : i32
    %dma_wait3A_71 = arith.constant 0 : i32
    %dma_wait3A_72 = tpu.memref_slice %arg6[%dma_wait3A_70, %dma_wait3A_71] : memref<80x128xi32, #tpu.memory_space<vmem>> -> memref<1x128xi32, #tpu.memory_space<vmem>>
    %dma_wait3A_73 = tpu.memref_squeeze %dma_wait3A_72 : memref<1x128xi32, #tpu.memory_space<vmem>> -> memref<128xi32, #tpu.memory_space<vmem>>
    %dma_wait3A_74 = arith.constant 0 : i32
    %dma_wait3A_75 = arith.constant 0 : i32
    %dma_wait3A_76 = tpu.memref_slice %arg8[%dma_wait3A_74, %dma_wait3A_75] : memref<10112x16xf32, #tpu.memory_space<vmem_shared>> -> memref<10112x16xf32, #tpu.memory_space<vmem_shared>>
    tpu.wait_indirect_dma semaphore(%arg9 : memref<!tpu.dma_semaphore, #tpu.memory_space<semaphore_mem>>) src(%arg7 : memref<128x16xf32, #tpu.memory_space<vmem>>) dst(%dma_wait3A_76 : memref<10112x16xf32, #tpu.memory_space<vmem_shared>>)
    %dma_wait3A_77 = arith.constant 79 : i32
    %dma_wait3A_78 = arith.constant 0 : i32
    %dma_wait3A_79 = tpu.memref_slice %arg6[%dma_wait3A_77, %dma_wait3A_78] : memref<80x128xi32, #tpu.memory_space<vmem>> -> memref<1x128xi32, #tpu.memory_space<vmem>>
    %dma_wait3A_80 = tpu.memref_squeeze %dma_wait3A_79 : memref<1x128xi32, #tpu.memory_space<vmem>> -> memref<128xi32, #tpu.memory_space<vmem>>
    %dma_wait3A_81 = arith.constant 0 : i32
    %dma_wait3A_82 = arith.constant 0 : i32
    %dma_wait3A_83 = tpu.memref_slice %arg8[%dma_wait3A_81, %dma_wait3A_82] : memref<10112x16xf32, #tpu.memory_space<vmem_shared>> -> memref<10112x16xf32, #tpu.memory_space<vmem_shared>>
    tpu.wait_indirect_dma semaphore(%arg9 : memref<!tpu.dma_semaphore, #tpu.memory_space<semaphore_mem>>) src(%arg7 : memref<128x16xf32, #tpu.memory_space<vmem>>) dst(%dma_wait3A_83 : memref<10112x16xf32, #tpu.memory_space<vmem_shared>>)
    %barrier3A_84 = arith.constant 0 : index
    tpu.barrier barrier_id(%barrier3A_84)
    %mul3A_85 = arith.constant 632 : i32
    %mul3A_86 = arith.muli %arg1, %mul3A_85 : i32
    %mul3A_87 = arith.constant 632 : i32
    %mul3A_88 = arith.muli %arg1, %mul3A_87 : i32
    "tpu.region"() ({
      %run_scoped3A = tpu.sem_alloc : memref<!tpu.dma_semaphore, #tpu.memory_space<semaphore_mem>>
      %dma_start3A_89 = arith.constant 0 : i32
      %dma_start3A_90 = tpu.memref_slice %arg5[%arg0, %mul3A_88, %dma_start3A_89] : memref<2x10112x16xf32, #tpu.memory_space<hbm>> -> memref<1x632x16xf32, #tpu.memory_space<hbm>>
      %dma_start3A_91 = tpu.memref_squeeze %dma_start3A_90 : memref<1x632x16xf32, #tpu.memory_space<hbm>> -> memref<632x16xf32, #tpu.memory_space<hbm>>
      %dma_start3A_92 = arith.constant 0 : i32
      %dma_start3A_93 = tpu.memref_slice %arg8[%mul3A_86, %dma_start3A_92] : memref<10112x16xf32, #tpu.memory_space<vmem_shared>> -> memref<632x16xf32, #tpu.memory_space<vmem_shared>>
      tpu.enqueue_dma source(%dma_start3A_93 : memref<632x16xf32, #tpu.memory_space<vmem_shared>>) target(%dma_start3A_91 : memref<632x16xf32, #tpu.memory_space<hbm>>) target_semaphore(%run_scoped3A : memref<!tpu.dma_semaphore, #tpu.memory_space<semaphore_mem>>)
      %dma_wait3A_94 = arith.constant 0 : i32
      %dma_wait3A_95 = tpu.memref_slice %arg5[%arg0, %mul3A_88, %dma_wait3A_94] : memref<2x10112x16xf32, #tpu.memory_space<hbm>> -> memref<1x632x16xf32, #tpu.memory_space<hbm>>
      %dma_wait3A_96 = tpu.memref_squeeze %dma_wait3A_95 : memref<1x632x16xf32, #tpu.memory_space<hbm>> -> memref<632x16xf32, #tpu.memory_space<hbm>>
      %dma_wait3A_97 = arith.constant 0 : i32
      %dma_wait3A_98 = tpu.memref_slice %arg8[%mul3A_86, %dma_wait3A_97] : memref<10112x16xf32, #tpu.memory_space<vmem_shared>> -> memref<632x16xf32, #tpu.memory_space<vmem_shared>>
      tpu.wait_dma2 semaphore(%run_scoped3A : memref<!tpu.dma_semaphore, #tpu.memory_space<semaphore_mem>>) src(%dma_wait3A_98 : memref<632x16xf32, #tpu.memory_space<vmem_shared>>) dst(%dma_wait3A_96 : memref<632x16xf32, #tpu.memory_space<hbm>>)
      tpu.yield
    }) : () -> ()
    return
  }
}

#map = affine_map<(d0, d1) -> (0, 0)>
#map1 = affine_map<(d0, d1) -> (0, 0, 0)>
module attributes {stable_mosaic.version = 14 : i64} {
  func.func @_scatter_kernel(%arg0: i32, %arg1: i32, %arg2: memref<10112x64xf32, #tpu.memory_space<hbm>>, %arg3: memref<32x80x128xi32, #tpu.memory_space<hbm>>, %arg4: memref<32x80x128xi32, #tpu.memory_space<hbm>>, %arg5: memref<632x64xf32, #tpu.memory_space<hbm>>, %arg6: memref<2x10112x64xf32, #tpu.memory_space<hbm>>, %arg7: memref<80x128xi32, #tpu.memory_space<vmem>>, %arg8: memref<80x128xi32, #tpu.memory_space<vmem>>, %arg9: memref<128x64xf32, #tpu.memory_space<vmem>>, %arg10: memref<128x64xf32, #tpu.memory_space<vmem>>, %arg11: memref<128x64xf32, #tpu.memory_space<vmem>>, %arg12: memref<128x64xf32, #tpu.memory_space<vmem>>, %arg13: memref<10112x64xf32, #tpu.memory_space<vmem_shared>>, %arg14: memref<!tpu.dma_semaphore, #tpu.memory_space<semaphore_mem>>, %arg15: memref<!tpu.dma_semaphore, #tpu.memory_space<semaphore_mem>>, %arg16: memref<!tpu.dma_semaphore, #tpu.memory_space<semaphore_mem>>, %arg17: memref<!tpu.dma_semaphore, #tpu.memory_space<semaphore_mem>>, %arg18: memref<!tpu.dma_semaphore, #tpu.memory_space<semaphore_mem>>, %arg19: memref<!tpu.dma_semaphore, #tpu.memory_space<semaphore_mem>>, %arg20: memref<!tpu.dma_semaphore, #tpu.memory_space<semaphore_mem>>) attributes {dimension_semantics = [#tpu.dimension_semantics<core_parallel>, #tpu.dimension_semantics<subcore_parallel>], iteration_bounds = array<i64: 2, 16>, scalar_prefetch = 0 : i64, scratch_operands = 14 : i64, tpu.core_type = #tpu.core_type<sc_vector_subcore>, window_params = [{transform_indices = #map}, {transform_indices = #map1}, {transform_indices = #map1}, {transform_indices = #map}, {transform_indices = #map1}]} {
    %mul3A = arith.constant 2 : i32
    %mul3A_0 = arith.muli %arg1, %mul3A : i32
    %add3A = arith.addi %mul3A_0, %arg0 : i32
    %mul3A_1 = arith.constant 632 : i32
    %mul3A_2 = arith.muli %arg1, %mul3A_1 : i32
    %dma_start3A = arith.constant 0 : i32
    %dma_start3A_3 = tpu.memref_slice %arg13[%mul3A_2, %dma_start3A] : memref<10112x64xf32, #tpu.memory_space<vmem_shared>> -> memref<632x64xf32, #tpu.memory_space<vmem_shared>>
    tpu.enqueue_dma source(%arg5 : memref<632x64xf32, #tpu.memory_space<hbm>>) target(%dma_start3A_3 : memref<632x64xf32, #tpu.memory_space<vmem_shared>>) target_semaphore(%arg18 : memref<!tpu.dma_semaphore, #tpu.memory_space<semaphore_mem>>)
    %dma_start3A_4 = arith.constant 0 : i32
    %dma_start3A_5 = arith.constant 0 : i32
    %dma_start3A_6 = tpu.memref_slice %arg3[%add3A, %dma_start3A_4, %dma_start3A_5] : memref<32x80x128xi32, #tpu.memory_space<hbm>> -> memref<1x80x128xi32, #tpu.memory_space<hbm>>
    %dma_start3A_7 = tpu.memref_squeeze %dma_start3A_6 : memref<1x80x128xi32, #tpu.memory_space<hbm>> -> memref<80x128xi32, #tpu.memory_space<hbm>>
    %dma_start3A_8 = arith.constant 0 : i32
    %dma_start3A_9 = arith.constant 0 : i32
    %dma_start3A_10 = tpu.memref_slice %arg3[%add3A, %dma_start3A_8, %dma_start3A_9] : memref<32x80x128xi32, #tpu.memory_space<hbm>> -> memref<1x80x128xi32, #tpu.memory_space<hbm>>
    %dma_start3A_11 = tpu.memref_squeeze %dma_start3A_10 : memref<1x80x128xi32, #tpu.memory_space<hbm>> -> memref<80x128xi32, #tpu.memory_space<hbm>>
    tpu.enqueue_dma source(%dma_start3A_11 : memref<80x128xi32, #tpu.memory_space<hbm>>) target(%arg7 : memref<80x128xi32, #tpu.memory_space<vmem>>) target_semaphore(%arg19 : memref<!tpu.dma_semaphore, #tpu.memory_space<semaphore_mem>>)
    %dma_start3A_12 = arith.constant 0 : i32
    %dma_start3A_13 = arith.constant 0 : i32
    %dma_start3A_14 = tpu.memref_slice %arg4[%add3A, %dma_start3A_12, %dma_start3A_13] : memref<32x80x128xi32, #tpu.memory_space<hbm>> -> memref<1x80x128xi32, #tpu.memory_space<hbm>>
    %dma_start3A_15 = tpu.memref_squeeze %dma_start3A_14 : memref<1x80x128xi32, #tpu.memory_space<hbm>> -> memref<80x128xi32, #tpu.memory_space<hbm>>
    %dma_start3A_16 = arith.constant 0 : i32
    %dma_start3A_17 = arith.constant 0 : i32
    %dma_start3A_18 = tpu.memref_slice %arg4[%add3A, %dma_start3A_16, %dma_start3A_17] : memref<32x80x128xi32, #tpu.memory_space<hbm>> -> memref<1x80x128xi32, #tpu.memory_space<hbm>>
    %dma_start3A_19 = tpu.memref_squeeze %dma_start3A_18 : memref<1x80x128xi32, #tpu.memory_space<hbm>> -> memref<80x128xi32, #tpu.memory_space<hbm>>
    tpu.enqueue_dma source(%dma_start3A_19 : memref<80x128xi32, #tpu.memory_space<hbm>>) target(%arg8 : memref<80x128xi32, #tpu.memory_space<vmem>>) target_semaphore(%arg20 : memref<!tpu.dma_semaphore, #tpu.memory_space<semaphore_mem>>)
    %dma_wait3A = arith.constant 0 : i32
    %dma_wait3A_20 = arith.constant 0 : i32
    %dma_wait3A_21 = tpu.memref_slice %arg3[%add3A, %dma_wait3A, %dma_wait3A_20] : memref<32x80x128xi32, #tpu.memory_space<hbm>> -> memref<1x80x128xi32, #tpu.memory_space<hbm>>
    %dma_wait3A_22 = tpu.memref_squeeze %dma_wait3A_21 : memref<1x80x128xi32, #tpu.memory_space<hbm>> -> memref<80x128xi32, #tpu.memory_space<hbm>>
    %dma_wait3A_23 = arith.constant 0 : i32
    %dma_wait3A_24 = arith.constant 0 : i32
    %dma_wait3A_25 = tpu.memref_slice %arg3[%add3A, %dma_wait3A_23, %dma_wait3A_24] : memref<32x80x128xi32, #tpu.memory_space<hbm>> -> memref<1x80x128xi32, #tpu.memory_space<hbm>>
    %dma_wait3A_26 = tpu.memref_squeeze %dma_wait3A_25 : memref<1x80x128xi32, #tpu.memory_space<hbm>> -> memref<80x128xi32, #tpu.memory_space<hbm>>
    tpu.wait_dma2 semaphore(%arg19 : memref<!tpu.dma_semaphore, #tpu.memory_space<semaphore_mem>>) src(%dma_wait3A_26 : memref<80x128xi32, #tpu.memory_space<hbm>>) dst(%arg7 : memref<80x128xi32, #tpu.memory_space<vmem>>)
    %dma_start3A_27 = arith.constant 0 : i32
    %dma_start3A_28 = arith.constant 0 : i32
    %dma_start3A_29 = tpu.memref_slice %arg7[%dma_start3A_27, %dma_start3A_28] : memref<80x128xi32, #tpu.memory_space<vmem>> -> memref<1x128xi32, #tpu.memory_space<vmem>>
    %dma_start3A_30 = tpu.memref_squeeze %dma_start3A_29 : memref<1x128xi32, #tpu.memory_space<vmem>> -> memref<128xi32, #tpu.memory_space<vmem>>
    %dma_start3A_31 = arith.constant 0 : i32
    %dma_start3A_32 = arith.constant 0 : i32
    %dma_start3A_33 = tpu.memref_slice %arg2[%dma_start3A_31, %dma_start3A_32] : memref<10112x64xf32, #tpu.memory_space<hbm>> -> memref<10112x64xf32, #tpu.memory_space<hbm>>
    tpu.enqueue_indirect_dma source(%dma_start3A_33 : memref<10112x64xf32, #tpu.memory_space<hbm>>) target(%arg9 : memref<128x64xf32, #tpu.memory_space<vmem>>) offsets(%dma_start3A_30 : memref<128xi32, #tpu.memory_space<vmem>>) semaphore(%arg14 : memref<!tpu.dma_semaphore, #tpu.memory_space<semaphore_mem>>)
    %dma_start3A_34 = arith.constant 1 : i32
    %dma_start3A_35 = arith.constant 0 : i32
    %dma_start3A_36 = tpu.memref_slice %arg7[%dma_start3A_34, %dma_start3A_35] : memref<80x128xi32, #tpu.memory_space<vmem>> -> memref<1x128xi32, #tpu.memory_space<vmem>>
    %dma_start3A_37 = tpu.memref_squeeze %dma_start3A_36 : memref<1x128xi32, #tpu.memory_space<vmem>> -> memref<128xi32, #tpu.memory_space<vmem>>
    %dma_start3A_38 = arith.constant 0 : i32
    %dma_start3A_39 = arith.constant 0 : i32
    %dma_start3A_40 = tpu.memref_slice %arg2[%dma_start3A_38, %dma_start3A_39] : memref<10112x64xf32, #tpu.memory_space<hbm>> -> memref<10112x64xf32, #tpu.memory_space<hbm>>
    tpu.enqueue_indirect_dma source(%dma_start3A_40 : memref<10112x64xf32, #tpu.memory_space<hbm>>) target(%arg10 : memref<128x64xf32, #tpu.memory_space<vmem>>) offsets(%dma_start3A_37 : memref<128xi32, #tpu.memory_space<vmem>>) semaphore(%arg15 : memref<!tpu.dma_semaphore, #tpu.memory_space<semaphore_mem>>)
    %dma_start3A_41 = arith.constant 2 : i32
    %dma_start3A_42 = arith.constant 0 : i32
    %dma_start3A_43 = tpu.memref_slice %arg7[%dma_start3A_41, %dma_start3A_42] : memref<80x128xi32, #tpu.memory_space<vmem>> -> memref<1x128xi32, #tpu.memory_space<vmem>>
    %dma_start3A_44 = tpu.memref_squeeze %dma_start3A_43 : memref<1x128xi32, #tpu.memory_space<vmem>> -> memref<128xi32, #tpu.memory_space<vmem>>
    %dma_start3A_45 = arith.constant 0 : i32
    %dma_start3A_46 = arith.constant 0 : i32
    %dma_start3A_47 = tpu.memref_slice %arg2[%dma_start3A_45, %dma_start3A_46] : memref<10112x64xf32, #tpu.memory_space<hbm>> -> memref<10112x64xf32, #tpu.memory_space<hbm>>
    tpu.enqueue_indirect_dma source(%dma_start3A_47 : memref<10112x64xf32, #tpu.memory_space<hbm>>) target(%arg11 : memref<128x64xf32, #tpu.memory_space<vmem>>) offsets(%dma_start3A_44 : memref<128xi32, #tpu.memory_space<vmem>>) semaphore(%arg16 : memref<!tpu.dma_semaphore, #tpu.memory_space<semaphore_mem>>)
    %dma_start3A_48 = arith.constant 3 : i32
    %dma_start3A_49 = arith.constant 0 : i32
    %dma_start3A_50 = tpu.memref_slice %arg7[%dma_start3A_48, %dma_start3A_49] : memref<80x128xi32, #tpu.memory_space<vmem>> -> memref<1x128xi32, #tpu.memory_space<vmem>>
    %dma_start3A_51 = tpu.memref_squeeze %dma_start3A_50 : memref<1x128xi32, #tpu.memory_space<vmem>> -> memref<128xi32, #tpu.memory_space<vmem>>
    %dma_start3A_52 = arith.constant 0 : i32
    %dma_start3A_53 = arith.constant 0 : i32
    %dma_start3A_54 = tpu.memref_slice %arg2[%dma_start3A_52, %dma_start3A_53] : memref<10112x64xf32, #tpu.memory_space<hbm>> -> memref<10112x64xf32, #tpu.memory_space<hbm>>
    tpu.enqueue_indirect_dma source(%dma_start3A_54 : memref<10112x64xf32, #tpu.memory_space<hbm>>) target(%arg12 : memref<128x64xf32, #tpu.memory_space<vmem>>) offsets(%dma_start3A_51 : memref<128xi32, #tpu.memory_space<vmem>>) semaphore(%arg17 : memref<!tpu.dma_semaphore, #tpu.memory_space<semaphore_mem>>)
    %dma_wait3A_55 = arith.constant 0 : i32
    %dma_wait3A_56 = arith.constant 0 : i32
    %dma_wait3A_57 = tpu.memref_slice %arg4[%add3A, %dma_wait3A_55, %dma_wait3A_56] : memref<32x80x128xi32, #tpu.memory_space<hbm>> -> memref<1x80x128xi32, #tpu.memory_space<hbm>>
    %dma_wait3A_58 = tpu.memref_squeeze %dma_wait3A_57 : memref<1x80x128xi32, #tpu.memory_space<hbm>> -> memref<80x128xi32, #tpu.memory_space<hbm>>
    %dma_wait3A_59 = arith.constant 0 : i32
    %dma_wait3A_60 = arith.constant 0 : i32
    %dma_wait3A_61 = tpu.memref_slice %arg4[%add3A, %dma_wait3A_59, %dma_wait3A_60] : memref<32x80x128xi32, #tpu.memory_space<hbm>> -> memref<1x80x128xi32, #tpu.memory_space<hbm>>
    %dma_wait3A_62 = tpu.memref_squeeze %dma_wait3A_61 : memref<1x80x128xi32, #tpu.memory_space<hbm>> -> memref<80x128xi32, #tpu.memory_space<hbm>>
    tpu.wait_dma2 semaphore(%arg20 : memref<!tpu.dma_semaphore, #tpu.memory_space<semaphore_mem>>) src(%dma_wait3A_62 : memref<80x128xi32, #tpu.memory_space<hbm>>) dst(%arg8 : memref<80x128xi32, #tpu.memory_space<vmem>>)
    %mul3A_63 = arith.constant 632 : i32
    %mul3A_64 = arith.muli %arg1, %mul3A_63 : i32
    %dma_wait3A_65 = arith.constant 0 : i32
    %dma_wait3A_66 = tpu.memref_slice %arg13[%mul3A_64, %dma_wait3A_65] : memref<10112x64xf32, #tpu.memory_space<vmem_shared>> -> memref<632x64xf32, #tpu.memory_space<vmem_shared>>
    tpu.wait_dma2 semaphore(%arg18 : memref<!tpu.dma_semaphore, #tpu.memory_space<semaphore_mem>>) src(%arg5 : memref<632x64xf32, #tpu.memory_space<hbm>>) dst(%dma_wait3A_66 : memref<632x64xf32, #tpu.memory_space<vmem_shared>>)
    %barrier3A = arith.constant 0 : index
    tpu.barrier barrier_id(%barrier3A)
    %scan3A = arith.constant 0 : i32
    %scan3A_67 = arith.constant 0 : i32
    %scan3A_68 = arith.constant 20 : i32
    %scan3A_69 = arith.addi %scan3A_67, %scan3A_68 : i32
    %scan3A_70 = arith.constant 1 : i32
    scf.for %scan3A_77 = %scan3A_67 to %scan3A_69 step %scan3A_70  : i32 {
      %mul3A_78 = arith.constant 4 : i32
      %mul3A_79 = arith.muli %mul3A_78, %scan3A_77 : i32
      %add3A_80 = arith.constant 0 : i32
      %add3A_81 = arith.addi %mul3A_79, %add3A_80 : i32
      %dma_wait3A_82 = arith.constant 0 : i32
      %dma_wait3A_83 = tpu.memref_slice %arg7[%add3A_81, %dma_wait3A_82] : memref<80x128xi32, #tpu.memory_space<vmem>> -> memref<1x128xi32, #tpu.memory_space<vmem>>
      %dma_wait3A_84 = tpu.memref_squeeze %dma_wait3A_83 : memref<1x128xi32, #tpu.memory_space<vmem>> -> memref<128xi32, #tpu.memory_space<vmem>>
      %dma_wait3A_85 = arith.constant 0 : i32
      %dma_wait3A_86 = arith.constant 0 : i32
      %dma_wait3A_87 = tpu.memref_slice %arg2[%dma_wait3A_85, %dma_wait3A_86] : memref<10112x64xf32, #tpu.memory_space<hbm>> -> memref<10112x64xf32, #tpu.memory_space<hbm>>
      tpu.wait_indirect_dma semaphore(%arg14 : memref<!tpu.dma_semaphore, #tpu.memory_space<semaphore_mem>>) src(%dma_wait3A_87 : memref<10112x64xf32, #tpu.memory_space<hbm>>) dst(%arg9 : memref<128x64xf32, #tpu.memory_space<vmem>>)
      "tpu.region"() ({
        %run_scoped3A = tpu.sem_alloc : memref<!tpu.dma_semaphore, #tpu.memory_space<semaphore_mem>>
        %dma_start3A_137 = arith.constant 0 : i32
        %dma_start3A_138 = tpu.memref_slice %arg8[%add3A_81, %dma_start3A_137] : memref<80x128xi32, #tpu.memory_space<vmem>> -> memref<1x128xi32, #tpu.memory_space<vmem>>
        %dma_start3A_139 = tpu.memref_squeeze %dma_start3A_138 : memref<1x128xi32, #tpu.memory_space<vmem>> -> memref<128xi32, #tpu.memory_space<vmem>>
        %dma_start3A_140 = arith.constant 0 : i32
        %dma_start3A_141 = arith.constant 0 : i32
        %dma_start3A_142 = tpu.memref_slice %arg13[%dma_start3A_140, %dma_start3A_141] : memref<10112x64xf32, #tpu.memory_space<vmem_shared>> -> memref<10112x64xf32, #tpu.memory_space<vmem_shared>>
        tpu.enqueue_indirect_dma source(%arg9 : memref<128x64xf32, #tpu.memory_space<vmem>>) target(%dma_start3A_142 : memref<10112x64xf32, #tpu.memory_space<vmem_shared>>) offsets(%dma_start3A_139 : memref<128xi32, #tpu.memory_space<vmem>>) semaphore(%run_scoped3A : memref<!tpu.dma_semaphore, #tpu.memory_space<semaphore_mem>>) {add = true}
        %dma_wait3A_143 = arith.constant 0 : i32
        %dma_wait3A_144 = tpu.memref_slice %arg8[%add3A_81, %dma_wait3A_143] : memref<80x128xi32, #tpu.memory_space<vmem>> -> memref<1x128xi32, #tpu.memory_space<vmem>>
        %dma_wait3A_145 = tpu.memref_squeeze %dma_wait3A_144 : memref<1x128xi32, #tpu.memory_space<vmem>> -> memref<128xi32, #tpu.memory_space<vmem>>
        %dma_wait3A_146 = arith.constant 0 : i32
        %dma_wait3A_147 = arith.constant 0 : i32
        %dma_wait3A_148 = tpu.memref_slice %arg13[%dma_wait3A_146, %dma_wait3A_147] : memref<10112x64xf32, #tpu.memory_space<vmem_shared>> -> memref<10112x64xf32, #tpu.memory_space<vmem_shared>>
        tpu.wait_indirect_dma semaphore(%run_scoped3A : memref<!tpu.dma_semaphore, #tpu.memory_space<semaphore_mem>>) src(%arg9 : memref<128x64xf32, #tpu.memory_space<vmem>>) dst(%dma_wait3A_148 : memref<10112x64xf32, #tpu.memory_space<vmem_shared>>)
        tpu.yield
      }) : () -> ()
      %add3A_88 = arith.constant 4 : i32
      %add3A_89 = arith.addi %add3A_81, %add3A_88 : i32
      %lt3A = arith.constant 80 : i32
      %lt3A_90 = arith.cmpi slt, %add3A_89, %lt3A : i32
      %convert_element_type3A = arith.extui %lt3A_90 : i1 to i32
      %cond3A = arith.constant 0 : i32
      %cond3A_91 = arith.cmpi ne, %convert_element_type3A, %cond3A : i32
      scf.if %cond3A_91 {
        %add3A_137 = arith.constant 4 : i32
        %add3A_138 = arith.addi %add3A_81, %add3A_137 : i32
        %dma_start3A_139 = arith.constant 0 : i32
        %dma_start3A_140 = tpu.memref_slice %arg7[%add3A_138, %dma_start3A_139] : memref<80x128xi32, #tpu.memory_space<vmem>> -> memref<1x128xi32, #tpu.memory_space<vmem>>
        %dma_start3A_141 = tpu.memref_squeeze %dma_start3A_140 : memref<1x128xi32, #tpu.memory_space<vmem>> -> memref<128xi32, #tpu.memory_space<vmem>>
        %dma_start3A_142 = arith.constant 0 : i32
        %dma_start3A_143 = arith.constant 0 : i32
        %dma_start3A_144 = tpu.memref_slice %arg2[%dma_start3A_142, %dma_start3A_143] : memref<10112x64xf32, #tpu.memory_space<hbm>> -> memref<10112x64xf32, #tpu.memory_space<hbm>>
        tpu.enqueue_indirect_dma source(%dma_start3A_144 : memref<10112x64xf32, #tpu.memory_space<hbm>>) target(%arg9 : memref<128x64xf32, #tpu.memory_space<vmem>>) offsets(%dma_start3A_141 : memref<128xi32, #tpu.memory_space<vmem>>) semaphore(%arg14 : memref<!tpu.dma_semaphore, #tpu.memory_space<semaphore_mem>>)
      } else {
      }
      %add3A_92 = arith.constant 1 : i32
      %add3A_93 = arith.addi %mul3A_79, %add3A_92 : i32
      %dma_wait3A_94 = arith.constant 0 : i32
      %dma_wait3A_95 = tpu.memref_slice %arg7[%add3A_93, %dma_wait3A_94] : memref<80x128xi32, #tpu.memory_space<vmem>> -> memref<1x128xi32, #tpu.memory_space<vmem>>
      %dma_wait3A_96 = tpu.memref_squeeze %dma_wait3A_95 : memref<1x128xi32, #tpu.memory_space<vmem>> -> memref<128xi32, #tpu.memory_space<vmem>>
      %dma_wait3A_97 = arith.constant 0 : i32
      %dma_wait3A_98 = arith.constant 0 : i32
      %dma_wait3A_99 = tpu.memref_slice %arg2[%dma_wait3A_97, %dma_wait3A_98] : memref<10112x64xf32, #tpu.memory_space<hbm>> -> memref<10112x64xf32, #tpu.memory_space<hbm>>
      tpu.wait_indirect_dma semaphore(%arg15 : memref<!tpu.dma_semaphore, #tpu.memory_space<semaphore_mem>>) src(%dma_wait3A_99 : memref<10112x64xf32, #tpu.memory_space<hbm>>) dst(%arg10 : memref<128x64xf32, #tpu.memory_space<vmem>>)
      "tpu.region"() ({
        %run_scoped3A = tpu.sem_alloc : memref<!tpu.dma_semaphore, #tpu.memory_space<semaphore_mem>>
        %dma_start3A_137 = arith.constant 0 : i32
        %dma_start3A_138 = tpu.memref_slice %arg8[%add3A_93, %dma_start3A_137] : memref<80x128xi32, #tpu.memory_space<vmem>> -> memref<1x128xi32, #tpu.memory_space<vmem>>
        %dma_start3A_139 = tpu.memref_squeeze %dma_start3A_138 : memref<1x128xi32, #tpu.memory_space<vmem>> -> memref<128xi32, #tpu.memory_space<vmem>>
        %dma_start3A_140 = arith.constant 0 : i32
        %dma_start3A_141 = arith.constant 0 : i32
        %dma_start3A_142 = tpu.memref_slice %arg13[%dma_start3A_140, %dma_start3A_141] : memref<10112x64xf32, #tpu.memory_space<vmem_shared>> -> memref<10112x64xf32, #tpu.memory_space<vmem_shared>>
        tpu.enqueue_indirect_dma source(%arg10 : memref<128x64xf32, #tpu.memory_space<vmem>>) target(%dma_start3A_142 : memref<10112x64xf32, #tpu.memory_space<vmem_shared>>) offsets(%dma_start3A_139 : memref<128xi32, #tpu.memory_space<vmem>>) semaphore(%run_scoped3A : memref<!tpu.dma_semaphore, #tpu.memory_space<semaphore_mem>>) {add = true}
        %dma_wait3A_143 = arith.constant 0 : i32
        %dma_wait3A_144 = tpu.memref_slice %arg8[%add3A_93, %dma_wait3A_143] : memref<80x128xi32, #tpu.memory_space<vmem>> -> memref<1x128xi32, #tpu.memory_space<vmem>>
        %dma_wait3A_145 = tpu.memref_squeeze %dma_wait3A_144 : memref<1x128xi32, #tpu.memory_space<vmem>> -> memref<128xi32, #tpu.memory_space<vmem>>
        %dma_wait3A_146 = arith.constant 0 : i32
        %dma_wait3A_147 = arith.constant 0 : i32
        %dma_wait3A_148 = tpu.memref_slice %arg13[%dma_wait3A_146, %dma_wait3A_147] : memref<10112x64xf32, #tpu.memory_space<vmem_shared>> -> memref<10112x64xf32, #tpu.memory_space<vmem_shared>>
        tpu.wait_indirect_dma semaphore(%run_scoped3A : memref<!tpu.dma_semaphore, #tpu.memory_space<semaphore_mem>>) src(%arg10 : memref<128x64xf32, #tpu.memory_space<vmem>>) dst(%dma_wait3A_148 : memref<10112x64xf32, #tpu.memory_space<vmem_shared>>)
        tpu.yield
      }) : () -> ()
      %add3A_100 = arith.constant 4 : i32
      %add3A_101 = arith.addi %add3A_93, %add3A_100 : i32
      %lt3A_102 = arith.constant 80 : i32
      %lt3A_103 = arith.cmpi slt, %add3A_101, %lt3A_102 : i32
      %convert_element_type3A_104 = arith.extui %lt3A_103 : i1 to i32
      %cond3A_105 = arith.constant 0 : i32
      %cond3A_106 = arith.cmpi ne, %convert_element_type3A_104, %cond3A_105 : i32
      scf.if %cond3A_106 {
        %add3A_137 = arith.constant 4 : i32
        %add3A_138 = arith.addi %add3A_93, %add3A_137 : i32
        %dma_start3A_139 = arith.constant 0 : i32
        %dma_start3A_140 = tpu.memref_slice %arg7[%add3A_138, %dma_start3A_139] : memref<80x128xi32, #tpu.memory_space<vmem>> -> memref<1x128xi32, #tpu.memory_space<vmem>>
        %dma_start3A_141 = tpu.memref_squeeze %dma_start3A_140 : memref<1x128xi32, #tpu.memory_space<vmem>> -> memref<128xi32, #tpu.memory_space<vmem>>
        %dma_start3A_142 = arith.constant 0 : i32
        %dma_start3A_143 = arith.constant 0 : i32
        %dma_start3A_144 = tpu.memref_slice %arg2[%dma_start3A_142, %dma_start3A_143] : memref<10112x64xf32, #tpu.memory_space<hbm>> -> memref<10112x64xf32, #tpu.memory_space<hbm>>
        tpu.enqueue_indirect_dma source(%dma_start3A_144 : memref<10112x64xf32, #tpu.memory_space<hbm>>) target(%arg10 : memref<128x64xf32, #tpu.memory_space<vmem>>) offsets(%dma_start3A_141 : memref<128xi32, #tpu.memory_space<vmem>>) semaphore(%arg15 : memref<!tpu.dma_semaphore, #tpu.memory_space<semaphore_mem>>)
      } else {
      }
      %add3A_107 = arith.constant 2 : i32
      %add3A_108 = arith.addi %mul3A_79, %add3A_107 : i32
      %dma_wait3A_109 = arith.constant 0 : i32
      %dma_wait3A_110 = tpu.memref_slice %arg7[%add3A_108, %dma_wait3A_109] : memref<80x128xi32, #tpu.memory_space<vmem>> -> memref<1x128xi32, #tpu.memory_space<vmem>>
      %dma_wait3A_111 = tpu.memref_squeeze %dma_wait3A_110 : memref<1x128xi32, #tpu.memory_space<vmem>> -> memref<128xi32, #tpu.memory_space<vmem>>
      %dma_wait3A_112 = arith.constant 0 : i32
      %dma_wait3A_113 = arith.constant 0 : i32
      %dma_wait3A_114 = tpu.memref_slice %arg2[%dma_wait3A_112, %dma_wait3A_113] : memref<10112x64xf32, #tpu.memory_space<hbm>> -> memref<10112x64xf32, #tpu.memory_space<hbm>>
      tpu.wait_indirect_dma semaphore(%arg16 : memref<!tpu.dma_semaphore, #tpu.memory_space<semaphore_mem>>) src(%dma_wait3A_114 : memref<10112x64xf32, #tpu.memory_space<hbm>>) dst(%arg11 : memref<128x64xf32, #tpu.memory_space<vmem>>)
      "tpu.region"() ({
        %run_scoped3A = tpu.sem_alloc : memref<!tpu.dma_semaphore, #tpu.memory_space<semaphore_mem>>
        %dma_start3A_137 = arith.constant 0 : i32
        %dma_start3A_138 = tpu.memref_slice %arg8[%add3A_108, %dma_start3A_137] : memref<80x128xi32, #tpu.memory_space<vmem>> -> memref<1x128xi32, #tpu.memory_space<vmem>>
        %dma_start3A_139 = tpu.memref_squeeze %dma_start3A_138 : memref<1x128xi32, #tpu.memory_space<vmem>> -> memref<128xi32, #tpu.memory_space<vmem>>
        %dma_start3A_140 = arith.constant 0 : i32
        %dma_start3A_141 = arith.constant 0 : i32
        %dma_start3A_142 = tpu.memref_slice %arg13[%dma_start3A_140, %dma_start3A_141] : memref<10112x64xf32, #tpu.memory_space<vmem_shared>> -> memref<10112x64xf32, #tpu.memory_space<vmem_shared>>
        tpu.enqueue_indirect_dma source(%arg11 : memref<128x64xf32, #tpu.memory_space<vmem>>) target(%dma_start3A_142 : memref<10112x64xf32, #tpu.memory_space<vmem_shared>>) offsets(%dma_start3A_139 : memref<128xi32, #tpu.memory_space<vmem>>) semaphore(%run_scoped3A : memref<!tpu.dma_semaphore, #tpu.memory_space<semaphore_mem>>) {add = true}
        %dma_wait3A_143 = arith.constant 0 : i32
        %dma_wait3A_144 = tpu.memref_slice %arg8[%add3A_108, %dma_wait3A_143] : memref<80x128xi32, #tpu.memory_space<vmem>> -> memref<1x128xi32, #tpu.memory_space<vmem>>
        %dma_wait3A_145 = tpu.memref_squeeze %dma_wait3A_144 : memref<1x128xi32, #tpu.memory_space<vmem>> -> memref<128xi32, #tpu.memory_space<vmem>>
        %dma_wait3A_146 = arith.constant 0 : i32
        %dma_wait3A_147 = arith.constant 0 : i32
        %dma_wait3A_148 = tpu.memref_slice %arg13[%dma_wait3A_146, %dma_wait3A_147] : memref<10112x64xf32, #tpu.memory_space<vmem_shared>> -> memref<10112x64xf32, #tpu.memory_space<vmem_shared>>
        tpu.wait_indirect_dma semaphore(%run_scoped3A : memref<!tpu.dma_semaphore, #tpu.memory_space<semaphore_mem>>) src(%arg11 : memref<128x64xf32, #tpu.memory_space<vmem>>) dst(%dma_wait3A_148 : memref<10112x64xf32, #tpu.memory_space<vmem_shared>>)
        tpu.yield
      }) : () -> ()
      %add3A_115 = arith.constant 4 : i32
      %add3A_116 = arith.addi %add3A_108, %add3A_115 : i32
      %lt3A_117 = arith.constant 80 : i32
      %lt3A_118 = arith.cmpi slt, %add3A_116, %lt3A_117 : i32
      %convert_element_type3A_119 = arith.extui %lt3A_118 : i1 to i32
      %cond3A_120 = arith.constant 0 : i32
      %cond3A_121 = arith.cmpi ne, %convert_element_type3A_119, %cond3A_120 : i32
      scf.if %cond3A_121 {
        %add3A_137 = arith.constant 4 : i32
        %add3A_138 = arith.addi %add3A_108, %add3A_137 : i32
        %dma_start3A_139 = arith.constant 0 : i32
        %dma_start3A_140 = tpu.memref_slice %arg7[%add3A_138, %dma_start3A_139] : memref<80x128xi32, #tpu.memory_space<vmem>> -> memref<1x128xi32, #tpu.memory_space<vmem>>
        %dma_start3A_141 = tpu.memref_squeeze %dma_start3A_140 : memref<1x128xi32, #tpu.memory_space<vmem>> -> memref<128xi32, #tpu.memory_space<vmem>>
        %dma_start3A_142 = arith.constant 0 : i32
        %dma_start3A_143 = arith.constant 0 : i32
        %dma_start3A_144 = tpu.memref_slice %arg2[%dma_start3A_142, %dma_start3A_143] : memref<10112x64xf32, #tpu.memory_space<hbm>> -> memref<10112x64xf32, #tpu.memory_space<hbm>>
        tpu.enqueue_indirect_dma source(%dma_start3A_144 : memref<10112x64xf32, #tpu.memory_space<hbm>>) target(%arg11 : memref<128x64xf32, #tpu.memory_space<vmem>>) offsets(%dma_start3A_141 : memref<128xi32, #tpu.memory_space<vmem>>) semaphore(%arg16 : memref<!tpu.dma_semaphore, #tpu.memory_space<semaphore_mem>>)
      } else {
      }
      %add3A_122 = arith.constant 3 : i32
      %add3A_123 = arith.addi %mul3A_79, %add3A_122 : i32
      %dma_wait3A_124 = arith.constant 0 : i32
      %dma_wait3A_125 = tpu.memref_slice %arg7[%add3A_123, %dma_wait3A_124] : memref<80x128xi32, #tpu.memory_space<vmem>> -> memref<1x128xi32, #tpu.memory_space<vmem>>
      %dma_wait3A_126 = tpu.memref_squeeze %dma_wait3A_125 : memref<1x128xi32, #tpu.memory_space<vmem>> -> memref<128xi32, #tpu.memory_space<vmem>>
      %dma_wait3A_127 = arith.constant 0 : i32
      %dma_wait3A_128 = arith.constant 0 : i32
      %dma_wait3A_129 = tpu.memref_slice %arg2[%dma_wait3A_127, %dma_wait3A_128] : memref<10112x64xf32, #tpu.memory_space<hbm>> -> memref<10112x64xf32, #tpu.memory_space<hbm>>
      tpu.wait_indirect_dma semaphore(%arg17 : memref<!tpu.dma_semaphore, #tpu.memory_space<semaphore_mem>>) src(%dma_wait3A_129 : memref<10112x64xf32, #tpu.memory_space<hbm>>) dst(%arg12 : memref<128x64xf32, #tpu.memory_space<vmem>>)
      "tpu.region"() ({
        %run_scoped3A = tpu.sem_alloc : memref<!tpu.dma_semaphore, #tpu.memory_space<semaphore_mem>>
        %dma_start3A_137 = arith.constant 0 : i32
        %dma_start3A_138 = tpu.memref_slice %arg8[%add3A_123, %dma_start3A_137] : memref<80x128xi32, #tpu.memory_space<vmem>> -> memref<1x128xi32, #tpu.memory_space<vmem>>
        %dma_start3A_139 = tpu.memref_squeeze %dma_start3A_138 : memref<1x128xi32, #tpu.memory_space<vmem>> -> memref<128xi32, #tpu.memory_space<vmem>>
        %dma_start3A_140 = arith.constant 0 : i32
        %dma_start3A_141 = arith.constant 0 : i32
        %dma_start3A_142 = tpu.memref_slice %arg13[%dma_start3A_140, %dma_start3A_141] : memref<10112x64xf32, #tpu.memory_space<vmem_shared>> -> memref<10112x64xf32, #tpu.memory_space<vmem_shared>>
        tpu.enqueue_indirect_dma source(%arg12 : memref<128x64xf32, #tpu.memory_space<vmem>>) target(%dma_start3A_142 : memref<10112x64xf32, #tpu.memory_space<vmem_shared>>) offsets(%dma_start3A_139 : memref<128xi32, #tpu.memory_space<vmem>>) semaphore(%run_scoped3A : memref<!tpu.dma_semaphore, #tpu.memory_space<semaphore_mem>>) {add = true}
        %dma_wait3A_143 = arith.constant 0 : i32
        %dma_wait3A_144 = tpu.memref_slice %arg8[%add3A_123, %dma_wait3A_143] : memref<80x128xi32, #tpu.memory_space<vmem>> -> memref<1x128xi32, #tpu.memory_space<vmem>>
        %dma_wait3A_145 = tpu.memref_squeeze %dma_wait3A_144 : memref<1x128xi32, #tpu.memory_space<vmem>> -> memref<128xi32, #tpu.memory_space<vmem>>
        %dma_wait3A_146 = arith.constant 0 : i32
        %dma_wait3A_147 = arith.constant 0 : i32
        %dma_wait3A_148 = tpu.memref_slice %arg13[%dma_wait3A_146, %dma_wait3A_147] : memref<10112x64xf32, #tpu.memory_space<vmem_shared>> -> memref<10112x64xf32, #tpu.memory_space<vmem_shared>>
        tpu.wait_indirect_dma semaphore(%run_scoped3A : memref<!tpu.dma_semaphore, #tpu.memory_space<semaphore_mem>>) src(%arg12 : memref<128x64xf32, #tpu.memory_space<vmem>>) dst(%dma_wait3A_148 : memref<10112x64xf32, #tpu.memory_space<vmem_shared>>)
        tpu.yield
      }) : () -> ()
      %add3A_130 = arith.constant 4 : i32
      %add3A_131 = arith.addi %add3A_123, %add3A_130 : i32
      %lt3A_132 = arith.constant 80 : i32
      %lt3A_133 = arith.cmpi slt, %add3A_131, %lt3A_132 : i32
      %convert_element_type3A_134 = arith.extui %lt3A_133 : i1 to i32
      %cond3A_135 = arith.constant 0 : i32
      %cond3A_136 = arith.cmpi ne, %convert_element_type3A_134, %cond3A_135 : i32
      scf.if %cond3A_136 {
        %add3A_137 = arith.constant 4 : i32
        %add3A_138 = arith.addi %add3A_123, %add3A_137 : i32
        %dma_start3A_139 = arith.constant 0 : i32
        %dma_start3A_140 = tpu.memref_slice %arg7[%add3A_138, %dma_start3A_139] : memref<80x128xi32, #tpu.memory_space<vmem>> -> memref<1x128xi32, #tpu.memory_space<vmem>>
        %dma_start3A_141 = tpu.memref_squeeze %dma_start3A_140 : memref<1x128xi32, #tpu.memory_space<vmem>> -> memref<128xi32, #tpu.memory_space<vmem>>
        %dma_start3A_142 = arith.constant 0 : i32
        %dma_start3A_143 = arith.constant 0 : i32
        %dma_start3A_144 = tpu.memref_slice %arg2[%dma_start3A_142, %dma_start3A_143] : memref<10112x64xf32, #tpu.memory_space<hbm>> -> memref<10112x64xf32, #tpu.memory_space<hbm>>
        tpu.enqueue_indirect_dma source(%dma_start3A_144 : memref<10112x64xf32, #tpu.memory_space<hbm>>) target(%arg12 : memref<128x64xf32, #tpu.memory_space<vmem>>) offsets(%dma_start3A_141 : memref<128xi32, #tpu.memory_space<vmem>>) semaphore(%arg17 : memref<!tpu.dma_semaphore, #tpu.memory_space<semaphore_mem>>)
      } else {
      }
    }
    %scan3A_71 = arith.constant 20 : i32
    %barrier3A_72 = arith.constant 0 : index
    tpu.barrier barrier_id(%barrier3A_72)
    %mul3A_73 = arith.constant 632 : i32
    %mul3A_74 = arith.muli %arg1, %mul3A_73 : i32
    %mul3A_75 = arith.constant 632 : i32
    %mul3A_76 = arith.muli %arg1, %mul3A_75 : i32
    "tpu.region"() ({
      %run_scoped3A = tpu.sem_alloc : memref<!tpu.dma_semaphore, #tpu.memory_space<semaphore_mem>>
      %dma_start3A_77 = arith.constant 0 : i32
      %dma_start3A_78 = tpu.memref_slice %arg6[%arg0, %mul3A_76, %dma_start3A_77] : memref<2x10112x64xf32, #tpu.memory_space<hbm>> -> memref<1x632x64xf32, #tpu.memory_space<hbm>>
      %dma_start3A_79 = tpu.memref_squeeze %dma_start3A_78 : memref<1x632x64xf32, #tpu.memory_space<hbm>> -> memref<632x64xf32, #tpu.memory_space<hbm>>
      %dma_start3A_80 = arith.constant 0 : i32
      %dma_start3A_81 = tpu.memref_slice %arg13[%mul3A_74, %dma_start3A_80] : memref<10112x64xf32, #tpu.memory_space<vmem_shared>> -> memref<632x64xf32, #tpu.memory_space<vmem_shared>>
      tpu.enqueue_dma source(%dma_start3A_81 : memref<632x64xf32, #tpu.memory_space<vmem_shared>>) target(%dma_start3A_79 : memref<632x64xf32, #tpu.memory_space<hbm>>) target_semaphore(%run_scoped3A : memref<!tpu.dma_semaphore, #tpu.memory_space<semaphore_mem>>)
      %dma_wait3A_82 = arith.constant 0 : i32
      %dma_wait3A_83 = tpu.memref_slice %arg6[%arg0, %mul3A_76, %dma_wait3A_82] : memref<2x10112x64xf32, #tpu.memory_space<hbm>> -> memref<1x632x64xf32, #tpu.memory_space<hbm>>
      %dma_wait3A_84 = tpu.memref_squeeze %dma_wait3A_83 : memref<1x632x64xf32, #tpu.memory_space<hbm>> -> memref<632x64xf32, #tpu.memory_space<hbm>>
      %dma_wait3A_85 = arith.constant 0 : i32
      %dma_wait3A_86 = tpu.memref_slice %arg13[%mul3A_74, %dma_wait3A_85] : memref<10112x64xf32, #tpu.memory_space<vmem_shared>> -> memref<632x64xf32, #tpu.memory_space<vmem_shared>>
      tpu.wait_dma2 semaphore(%run_scoped3A : memref<!tpu.dma_semaphore, #tpu.memory_space<semaphore_mem>>) src(%dma_wait3A_86 : memref<632x64xf32, #tpu.memory_space<vmem_shared>>) dst(%dma_wait3A_84 : memref<632x64xf32, #tpu.memory_space<hbm>>)
      tpu.yield
    }) : () -> ()
    return
  }
}

module attributes {stable_mosaic.version = 14 : i64} {
  func.func @_prep_body(%arg0: memref<2x10112x16xf32, #tpu.memory_space<vmem>>, %arg1: memref<10112x128xf32, #tpu.memory_space<vmem>>, %arg2: memref<128x64xf32, #tpu.memory_space<vmem>>, %arg3: memref<10112x1xf32, #tpu.memory_space<vmem>>, %arg4: memref<10112x64xf32, #tpu.memory_space<vmem>>) attributes {dimension_semantics = [], scalar_prefetch = 0 : i64, scratch_operands = 0 : i64, tpu.core_type = #tpu.core_type<tc>} {
    %get3A = arith.constant 0 : index
    %get3A_0 = arith.constant 0 : index
    %get3A_1 = arith.constant 0 : index
    %get3A_2 = vector.load %arg0[%get3A, %get3A_0, %get3A_1] : memref<2x10112x16xf32, #tpu.memory_space<vmem>>, vector<1x10112x16xf32>
    %get3A_3 = vector.shape_cast %get3A_2 : vector<1x10112x16xf32> to vector<10112x16xf32>
    %get3A_4 = arith.constant 1 : index
    %get3A_5 = arith.constant 0 : index
    %get3A_6 = arith.constant 0 : index
    %get3A_7 = vector.load %arg0[%get3A_4, %get3A_5, %get3A_6] : memref<2x10112x16xf32, #tpu.memory_space<vmem>>, vector<1x10112x16xf32>
    %get3A_8 = vector.shape_cast %get3A_7 : vector<1x10112x16xf32> to vector<10112x16xf32>
    %add3A = arith.addf %get3A_3, %get3A_8 : vector<10112x16xf32>
    %slice3A = vector.extract_strided_slice %add3A {offsets = [0, 0], sizes = [10112, 1], strides = [1, 1]} : vector<10112x16xf32> to vector<10112x1xf32>
    %add3A_9 = arith.constant 1.000000e+00 : f32
    %add3A_10 = vector.broadcast %add3A_9 : f32 to vector<10112x1xf32>
    %add3A_11 = arith.addf %slice3A, %add3A_10 : vector<10112x1xf32>
    %iota3A = tpu.iota {dimensions = array<i32: 0>} : vector<10112x1xi32>
    %lt3A = arith.constant 10000 : i32
    %lt3A_12 = vector.broadcast %lt3A : i32 to vector<10112x1xi32>
    %lt3A_13 = arith.cmpi slt, %iota3A, %lt3A_12 : vector<10112x1xi32>
    %rsqrt3A = math.rsqrt %add3A_11 : vector<10112x1xf32>
    %jit3A = arith.constant 0.000000e+00 : f32
    %broadcast_in_dim3A = vector.broadcast %jit3A : f32 to vector<10112x1xf32>
    %select_n3A = arith.select %lt3A_13, %rsqrt3A, %broadcast_in_dim3A : vector<10112x1xi1>, vector<10112x1xf32>
    %swap3A = arith.constant 0 : index
    %swap3A_14 = arith.constant 0 : index
    %swap3A_15 = vector.load %arg3[%swap3A, %swap3A_14] : memref<10112x1xf32, #tpu.memory_space<vmem>>, vector<10112x1xf32>
    tpu.vector_store %arg3[%swap3A, %swap3A_14], %select_n3A {strides = array<i32>} : memref<10112x1xf32, #tpu.memory_space<vmem>>, vector<10112x1xf32>,
    %get3A_16 = arith.constant 0 : index
    %get3A_17 = arith.constant 0 : index
    %get3A_18 = vector.load %arg1[%get3A_16, %get3A_17] : memref<10112x128xf32, #tpu.memory_space<vmem>>, vector<10112x128xf32>
    %get3A_19 = arith.constant 0 : index
    %get3A_20 = arith.constant 0 : index
    %get3A_21 = vector.load %arg2[%get3A_19, %get3A_20] : memref<128x64xf32, #tpu.memory_space<vmem>>, vector<128x64xf32>
    %dot_general3A = arith.constant dense<0.000000e+00> : vector<10112x64xf32>
    %dot_general3A_22 = tpu.matmul %get3A_18, %get3A_21, %dot_general3A {dimension_numbers = #tpu.dot_dimension_numbers<[1], [0], [0], [1], [0, 0, 1, 1], [], []>, transpose_lhs_hint = false} : vector<10112x128xf32>, vector<128x64xf32>, vector<10112x64xf32> -> vector<10112x64xf32>
    %mul3A = vector.broadcast %select_n3A : vector<10112x1xf32> to vector<10112x64xf32>
    %mul3A_23 = arith.mulf %mul3A, %dot_general3A_22 : vector<10112x64xf32>
    %swap3A_24 = arith.constant 0 : index
    %swap3A_25 = arith.constant 0 : index
    %swap3A_26 = vector.load %arg4[%swap3A_24, %swap3A_25] : memref<10112x64xf32, #tpu.memory_space<vmem>>, vector<10112x64xf32>
    tpu.vector_store %arg4[%swap3A_24, %swap3A_25], %mul3A_23 {strides = array<i32>} : memref<10112x64xf32, #tpu.memory_space<vmem>>, vector<10112x64xf32>,
    return
  }
}

module attributes {stable_mosaic.version = 14 : i64} {
  func.func @_mid_body(%arg0: memref<2x10112x64xf32, #tpu.memory_space<vmem>>, %arg1: memref<10112x64xf32, #tpu.memory_space<vmem>>, %arg2: memref<10112x1xf32, #tpu.memory_space<vmem>>, %arg3: memref<1x64xf32, #tpu.memory_space<vmem>>, %arg4: memref<64x64xf32, #tpu.memory_space<vmem>>, %arg5: memref<10112x64xf32, #tpu.memory_space<vmem>>) attributes {dimension_semantics = [], scalar_prefetch = 0 : i64, scratch_operands = 0 : i64, tpu.core_type = #tpu.core_type<tc>} {
    %get3A = arith.constant 0 : index
    %get3A_0 = arith.constant 0 : index
    %get3A_1 = arith.constant 0 : index
    %get3A_2 = vector.load %arg0[%get3A, %get3A_0, %get3A_1] : memref<2x10112x64xf32, #tpu.memory_space<vmem>>, vector<1x10112x64xf32>
    %get3A_3 = vector.shape_cast %get3A_2 : vector<1x10112x64xf32> to vector<10112x64xf32>
    %get3A_4 = arith.constant 1 : index
    %get3A_5 = arith.constant 0 : index
    %get3A_6 = arith.constant 0 : index
    %get3A_7 = vector.load %arg0[%get3A_4, %get3A_5, %get3A_6] : memref<2x10112x64xf32, #tpu.memory_space<vmem>>, vector<1x10112x64xf32>
    %get3A_8 = vector.shape_cast %get3A_7 : vector<1x10112x64xf32> to vector<10112x64xf32>
    %add3A = arith.addf %get3A_3, %get3A_8 : vector<10112x64xf32>
    %get3A_9 = arith.constant 0 : index
    %get3A_10 = arith.constant 0 : index
    %get3A_11 = vector.load %arg1[%get3A_9, %get3A_10] : memref<10112x64xf32, #tpu.memory_space<vmem>>, vector<10112x64xf32>
    %add3A_12 = arith.addf %add3A, %get3A_11 : vector<10112x64xf32>
    %get3A_13 = arith.constant 0 : index
    %get3A_14 = arith.constant 0 : index
    %get3A_15 = vector.load %arg2[%get3A_13, %get3A_14] : memref<10112x1xf32, #tpu.memory_space<vmem>>, vector<10112x1xf32>
    %mul3A = vector.broadcast %get3A_15 : vector<10112x1xf32> to vector<10112x64xf32>
    %mul3A_16 = arith.mulf %mul3A, %add3A_12 : vector<10112x64xf32>
    %get3A_17 = arith.constant 0 : index
    %get3A_18 = arith.constant 0 : index
    %get3A_19 = vector.load %arg3[%get3A_17, %get3A_18] : memref<1x64xf32, #tpu.memory_space<vmem>>, vector<1x64xf32>
    %add3A_20 = vector.broadcast %get3A_19 : vector<1x64xf32> to vector<10112x64xf32>
    %add3A_21 = arith.addf %mul3A_16, %add3A_20 : vector<10112x64xf32>
    %max3A = arith.constant 0.000000e+00 : f32
    %max3A_22 = vector.broadcast %max3A : f32 to vector<10112x64xf32>
    %max3A_23 = arith.maximumf %add3A_21, %max3A_22 : vector<10112x64xf32>
    %get3A_24 = arith.constant 0 : index
    %get3A_25 = arith.constant 0 : index
    %get3A_26 = vector.load %arg2[%get3A_24, %get3A_25] : memref<10112x1xf32, #tpu.memory_space<vmem>>, vector<10112x1xf32>
    %get3A_27 = arith.constant 0 : index
    %get3A_28 = arith.constant 0 : index
    %get3A_29 = vector.load %arg4[%get3A_27, %get3A_28] : memref<64x64xf32, #tpu.memory_space<vmem>>, vector<64x64xf32>
    %dot_general3A = arith.constant dense<0.000000e+00> : vector<10112x64xf32>
    %dot_general3A_30 = tpu.matmul %max3A_23, %get3A_29, %dot_general3A {dimension_numbers = #tpu.dot_dimension_numbers<[1], [0], [0], [1], [0, 0, 1, 1], [], []>, transpose_lhs_hint = false} : vector<10112x64xf32>, vector<64x64xf32>, vector<10112x64xf32> -> vector<10112x64xf32>
    %mul3A_31 = vector.broadcast %get3A_26 : vector<10112x1xf32> to vector<10112x64xf32>
    %mul3A_32 = arith.mulf %mul3A_31, %dot_general3A_30 : vector<10112x64xf32>
    %swap3A = arith.constant 0 : index
    %swap3A_33 = arith.constant 0 : index
    %swap3A_34 = vector.load %arg5[%swap3A, %swap3A_33] : memref<10112x64xf32, #tpu.memory_space<vmem>>, vector<10112x64xf32>
    tpu.vector_store %arg5[%swap3A, %swap3A_33], %mul3A_32 {strides = array<i32>} : memref<10112x64xf32, #tpu.memory_space<vmem>>, vector<10112x64xf32>,
    return
  }
}

module attributes {stable_mosaic.version = 14 : i64} {
  func.func @_epi_body(%arg0: memref<2x10112x64xf32, #tpu.memory_space<vmem>>, %arg1: memref<10112x64xf32, #tpu.memory_space<vmem>>, %arg2: memref<10112x1xf32, #tpu.memory_space<vmem>>, %arg3: memref<1x64xf32, #tpu.memory_space<vmem>>, %arg4: memref<64x32xf32, #tpu.memory_space<vmem>>, %arg5: memref<64x32xf32, #tpu.memory_space<vmem>>, %arg6: memref<64x32xf32, #tpu.memory_space<vmem>>, %arg7: memref<1x32xf32, #tpu.memory_space<vmem>>, %arg8: memref<1x32xf32, #tpu.memory_space<vmem>>, %arg9: memref<1x32xf32, #tpu.memory_space<vmem>>, %arg10: memref<32x32xf32, #tpu.memory_space<vmem>>, %arg11: memref<32x32xf32, #tpu.memory_space<vmem>>, %arg12: memref<32x32xf32, #tpu.memory_space<vmem>>, %arg13: memref<1x32xf32, #tpu.memory_space<vmem>>, %arg14: memref<1x32xf32, #tpu.memory_space<vmem>>, %arg15: memref<1x32xf32, #tpu.memory_space<vmem>>, %arg16: memref<32x32xf32, #tpu.memory_space<vmem>>, %arg17: memref<1x32xf32, #tpu.memory_space<vmem>>, %arg18: memref<32x1xf32, #tpu.memory_space<vmem>>, %arg19: memref<1x1xf32, #tpu.memory_space<vmem>>, %arg20: memref<32x32xf32, #tpu.memory_space<vmem>>, %arg21: memref<1x32xf32, #tpu.memory_space<vmem>>, %arg22: memref<32x10xf32, #tpu.memory_space<vmem>>, %arg23: memref<1x10xf32, #tpu.memory_space<vmem>>, %arg24: memref<10112x1xf32, #tpu.memory_space<vmem>>, %arg25: memref<10112x10xf32, #tpu.memory_space<vmem>>) attributes {dimension_semantics = [], scalar_prefetch = 0 : i64, scratch_operands = 0 : i64, tpu.core_type = #tpu.core_type<tc>} {
    %get3A = arith.constant 0 : index
    %get3A_0 = arith.constant 0 : index
    %get3A_1 = arith.constant 0 : index
    %get3A_2 = vector.load %arg0[%get3A, %get3A_0, %get3A_1] : memref<2x10112x64xf32, #tpu.memory_space<vmem>>, vector<1x10112x64xf32>
    %get3A_3 = vector.shape_cast %get3A_2 : vector<1x10112x64xf32> to vector<10112x64xf32>
    %get3A_4 = arith.constant 1 : index
    %get3A_5 = arith.constant 0 : index
    %get3A_6 = arith.constant 0 : index
    %get3A_7 = vector.load %arg0[%get3A_4, %get3A_5, %get3A_6] : memref<2x10112x64xf32, #tpu.memory_space<vmem>>, vector<1x10112x64xf32>
    %get3A_8 = vector.shape_cast %get3A_7 : vector<1x10112x64xf32> to vector<10112x64xf32>
    %add3A = arith.addf %get3A_3, %get3A_8 : vector<10112x64xf32>
    %get3A_9 = arith.constant 0 : index
    %get3A_10 = arith.constant 0 : index
    %get3A_11 = vector.load %arg1[%get3A_9, %get3A_10] : memref<10112x64xf32, #tpu.memory_space<vmem>>, vector<10112x64xf32>
    %add3A_12 = arith.addf %add3A, %get3A_11 : vector<10112x64xf32>
    %get3A_13 = arith.constant 0 : index
    %get3A_14 = arith.constant 0 : index
    %get3A_15 = vector.load %arg2[%get3A_13, %get3A_14] : memref<10112x1xf32, #tpu.memory_space<vmem>>, vector<10112x1xf32>
    %mul3A = vector.broadcast %get3A_15 : vector<10112x1xf32> to vector<10112x64xf32>
    %mul3A_16 = arith.mulf %mul3A, %add3A_12 : vector<10112x64xf32>
    %get3A_17 = arith.constant 0 : index
    %get3A_18 = arith.constant 0 : index
    %get3A_19 = vector.load %arg3[%get3A_17, %get3A_18] : memref<1x64xf32, #tpu.memory_space<vmem>>, vector<1x64xf32>
    %add3A_20 = vector.broadcast %get3A_19 : vector<1x64xf32> to vector<10112x64xf32>
    %add3A_21 = arith.addf %mul3A_16, %add3A_20 : vector<10112x64xf32>
    %max3A = arith.constant 0.000000e+00 : f32
    %max3A_22 = vector.broadcast %max3A : f32 to vector<10112x64xf32>
    %max3A_23 = arith.maximumf %add3A_21, %max3A_22 : vector<10112x64xf32>
    %get3A_24 = arith.constant 0 : index
    %get3A_25 = arith.constant 0 : index
    %get3A_26 = vector.load %arg4[%get3A_24, %get3A_25] : memref<64x32xf32, #tpu.memory_space<vmem>>, vector<64x32xf32>
    %dot_general3A = arith.constant dense<0.000000e+00> : vector<10112x32xf32>
    %dot_general3A_27 = tpu.matmul %max3A_23, %get3A_26, %dot_general3A {dimension_numbers = #tpu.dot_dimension_numbers<[1], [0], [0], [1], [0, 0, 1, 1], [], []>, transpose_lhs_hint = false} : vector<10112x64xf32>, vector<64x32xf32>, vector<10112x32xf32> -> vector<10112x32xf32>
    %get3A_28 = arith.constant 0 : index
    %get3A_29 = arith.constant 0 : index
    %get3A_30 = vector.load %arg7[%get3A_28, %get3A_29] : memref<1x32xf32, #tpu.memory_space<vmem>>, vector<1x32xf32>
    %add3A_31 = vector.broadcast %get3A_30 : vector<1x32xf32> to vector<10112x32xf32>
    %add3A_32 = arith.addf %dot_general3A_27, %add3A_31 : vector<10112x32xf32>
    %logistic3A = arith.negf %add3A_32 : vector<10112x32xf32>
    %logistic3A_33 = math.exp %logistic3A : vector<10112x32xf32>
    %logistic3A_34 = arith.constant 1.000000e+00 : f32
    %logistic3A_35 = vector.broadcast %logistic3A_34 : f32 to vector<10112x32xf32>
    %logistic3A_36 = arith.addf %logistic3A_35, %logistic3A_33 : vector<10112x32xf32>
    %logistic3A_37 = arith.divf %logistic3A_35, %logistic3A_36 : vector<10112x32xf32>
    %get3A_38 = arith.constant 0 : index
    %get3A_39 = arith.constant 0 : index
    %get3A_40 = vector.load %arg5[%get3A_38, %get3A_39] : memref<64x32xf32, #tpu.memory_space<vmem>>, vector<64x32xf32>
    %dot_general3A_41 = arith.constant dense<0.000000e+00> : vector<10112x32xf32>
    %dot_general3A_42 = tpu.matmul %max3A_23, %get3A_40, %dot_general3A_41 {dimension_numbers = #tpu.dot_dimension_numbers<[1], [0], [0], [1], [0, 0, 1, 1], [], []>, transpose_lhs_hint = false} : vector<10112x64xf32>, vector<64x32xf32>, vector<10112x32xf32> -> vector<10112x32xf32>
    %get3A_43 = arith.constant 0 : index
    %get3A_44 = arith.constant 0 : index
    %get3A_45 = vector.load %arg8[%get3A_43, %get3A_44] : memref<1x32xf32, #tpu.memory_space<vmem>>, vector<1x32xf32>
    %add3A_46 = vector.broadcast %get3A_45 : vector<1x32xf32> to vector<10112x32xf32>
    %add3A_47 = arith.addf %dot_general3A_42, %add3A_46 : vector<10112x32xf32>
    %tanh3A = math.tanh %add3A_47 : vector<10112x32xf32>
    %get3A_48 = arith.constant 0 : index
    %get3A_49 = arith.constant 0 : index
    %get3A_50 = vector.load %arg6[%get3A_48, %get3A_49] : memref<64x32xf32, #tpu.memory_space<vmem>>, vector<64x32xf32>
    %dot_general3A_51 = arith.constant dense<0.000000e+00> : vector<10112x32xf32>
    %dot_general3A_52 = tpu.matmul %max3A_23, %get3A_50, %dot_general3A_51 {dimension_numbers = #tpu.dot_dimension_numbers<[1], [0], [0], [1], [0, 0, 1, 1], [], []>, transpose_lhs_hint = false} : vector<10112x64xf32>, vector<64x32xf32>, vector<10112x32xf32> -> vector<10112x32xf32>
    %get3A_53 = arith.constant 0 : index
    %get3A_54 = arith.constant 0 : index
    %get3A_55 = vector.load %arg9[%get3A_53, %get3A_54] : memref<1x32xf32, #tpu.memory_space<vmem>>, vector<1x32xf32>
    %add3A_56 = vector.broadcast %get3A_55 : vector<1x32xf32> to vector<10112x32xf32>
    %add3A_57 = arith.addf %dot_general3A_52, %add3A_56 : vector<10112x32xf32>
    %logistic3A_58 = arith.negf %add3A_57 : vector<10112x32xf32>
    %logistic3A_59 = math.exp %logistic3A_58 : vector<10112x32xf32>
    %logistic3A_60 = arith.constant 1.000000e+00 : f32
    %logistic3A_61 = vector.broadcast %logistic3A_60 : f32 to vector<10112x32xf32>
    %logistic3A_62 = arith.addf %logistic3A_61, %logistic3A_59 : vector<10112x32xf32>
    %logistic3A_63 = arith.divf %logistic3A_61, %logistic3A_62 : vector<10112x32xf32>
    %mul3A_64 = arith.mulf %logistic3A_37, %tanh3A : vector<10112x32xf32>
    %tanh3A_65 = math.tanh %mul3A_64 : vector<10112x32xf32>
    %mul3A_66 = arith.mulf %logistic3A_63, %tanh3A_65 : vector<10112x32xf32>
    %get3A_67 = arith.constant 0 : index
    %get3A_68 = arith.constant 0 : index
    %get3A_69 = vector.load %arg10[%get3A_67, %get3A_68] : memref<32x32xf32, #tpu.memory_space<vmem>>, vector<32x32xf32>
    %dot_general3A_70 = arith.constant dense<0.000000e+00> : vector<10112x32xf32>
    %dot_general3A_71 = tpu.matmul %mul3A_66, %get3A_69, %dot_general3A_70 {dimension_numbers = #tpu.dot_dimension_numbers<[1], [0], [0], [1], [0, 0, 1, 1], [], []>, transpose_lhs_hint = false} : vector<10112x32xf32>, vector<32x32xf32>, vector<10112x32xf32> -> vector<10112x32xf32>
    %get3A_72 = arith.constant 0 : index
    %get3A_73 = arith.constant 0 : index
    %get3A_74 = vector.load %arg13[%get3A_72, %get3A_73] : memref<1x32xf32, #tpu.memory_space<vmem>>, vector<1x32xf32>
    %add3A_75 = vector.broadcast %get3A_74 : vector<1x32xf32> to vector<10112x32xf32>
    %add3A_76 = arith.addf %dot_general3A_71, %add3A_75 : vector<10112x32xf32>
    %logistic3A_77 = arith.negf %add3A_76 : vector<10112x32xf32>
    %logistic3A_78 = math.exp %logistic3A_77 : vector<10112x32xf32>
    %logistic3A_79 = arith.constant 1.000000e+00 : f32
    %logistic3A_80 = vector.broadcast %logistic3A_79 : f32 to vector<10112x32xf32>
    %logistic3A_81 = arith.addf %logistic3A_80, %logistic3A_78 : vector<10112x32xf32>
    %logistic3A_82 = arith.divf %logistic3A_80, %logistic3A_81 : vector<10112x32xf32>
    %get3A_83 = arith.constant 0 : index
    %get3A_84 = arith.constant 0 : index
    %get3A_85 = vector.load %arg11[%get3A_83, %get3A_84] : memref<32x32xf32, #tpu.memory_space<vmem>>, vector<32x32xf32>
    %dot_general3A_86 = arith.constant dense<0.000000e+00> : vector<10112x32xf32>
    %dot_general3A_87 = tpu.matmul %mul3A_66, %get3A_85, %dot_general3A_86 {dimension_numbers = #tpu.dot_dimension_numbers<[1], [0], [0], [1], [0, 0, 1, 1], [], []>, transpose_lhs_hint = false} : vector<10112x32xf32>, vector<32x32xf32>, vector<10112x32xf32> -> vector<10112x32xf32>
    %get3A_88 = arith.constant 0 : index
    %get3A_89 = arith.constant 0 : index
    %get3A_90 = vector.load %arg14[%get3A_88, %get3A_89] : memref<1x32xf32, #tpu.memory_space<vmem>>, vector<1x32xf32>
    %add3A_91 = vector.broadcast %get3A_90 : vector<1x32xf32> to vector<10112x32xf32>
    %add3A_92 = arith.addf %dot_general3A_87, %add3A_91 : vector<10112x32xf32>
    %tanh3A_93 = math.tanh %add3A_92 : vector<10112x32xf32>
    %get3A_94 = arith.constant 0 : index
    %get3A_95 = arith.constant 0 : index
    %get3A_96 = vector.load %arg12[%get3A_94, %get3A_95] : memref<32x32xf32, #tpu.memory_space<vmem>>, vector<32x32xf32>
    %dot_general3A_97 = arith.constant dense<0.000000e+00> : vector<10112x32xf32>
    %dot_general3A_98 = tpu.matmul %mul3A_66, %get3A_96, %dot_general3A_97 {dimension_numbers = #tpu.dot_dimension_numbers<[1], [0], [0], [1], [0, 0, 1, 1], [], []>, transpose_lhs_hint = false} : vector<10112x32xf32>, vector<32x32xf32>, vector<10112x32xf32> -> vector<10112x32xf32>
    %get3A_99 = arith.constant 0 : index
    %get3A_100 = arith.constant 0 : index
    %get3A_101 = vector.load %arg15[%get3A_99, %get3A_100] : memref<1x32xf32, #tpu.memory_space<vmem>>, vector<1x32xf32>
    %add3A_102 = vector.broadcast %get3A_101 : vector<1x32xf32> to vector<10112x32xf32>
    %add3A_103 = arith.addf %dot_general3A_98, %add3A_102 : vector<10112x32xf32>
    %logistic3A_104 = arith.negf %add3A_103 : vector<10112x32xf32>
    %logistic3A_105 = math.exp %logistic3A_104 : vector<10112x32xf32>
    %logistic3A_106 = arith.constant 1.000000e+00 : f32
    %logistic3A_107 = vector.broadcast %logistic3A_106 : f32 to vector<10112x32xf32>
    %logistic3A_108 = arith.addf %logistic3A_107, %logistic3A_105 : vector<10112x32xf32>
    %logistic3A_109 = arith.divf %logistic3A_107, %logistic3A_108 : vector<10112x32xf32>
    %mul3A_110 = arith.mulf %logistic3A_82, %tanh3A_93 : vector<10112x32xf32>
    %tanh3A_111 = math.tanh %mul3A_110 : vector<10112x32xf32>
    %mul3A_112 = arith.mulf %logistic3A_109, %tanh3A_111 : vector<10112x32xf32>
    %get3A_113 = arith.constant 0 : index
    %get3A_114 = arith.constant 0 : index
    %get3A_115 = vector.load %arg16[%get3A_113, %get3A_114] : memref<32x32xf32, #tpu.memory_space<vmem>>, vector<32x32xf32>
    %dot_general3A_116 = arith.constant dense<0.000000e+00> : vector<10112x32xf32>
    %dot_general3A_117 = tpu.matmul %mul3A_112, %get3A_115, %dot_general3A_116 {dimension_numbers = #tpu.dot_dimension_numbers<[1], [0], [0], [1], [0, 0, 1, 1], [], []>, transpose_lhs_hint = false} : vector<10112x32xf32>, vector<32x32xf32>, vector<10112x32xf32> -> vector<10112x32xf32>
    %get3A_118 = arith.constant 0 : index
    %get3A_119 = arith.constant 0 : index
    %get3A_120 = vector.load %arg17[%get3A_118, %get3A_119] : memref<1x32xf32, #tpu.memory_space<vmem>>, vector<1x32xf32>
    %add3A_121 = vector.broadcast %get3A_120 : vector<1x32xf32> to vector<10112x32xf32>
    %add3A_122 = arith.addf %dot_general3A_117, %add3A_121 : vector<10112x32xf32>
    %max3A_123 = arith.constant 0.000000e+00 : f32
    %max3A_124 = vector.broadcast %max3A_123 : f32 to vector<10112x32xf32>
    %max3A_125 = arith.maximumf %add3A_122, %max3A_124 : vector<10112x32xf32>
    %get3A_126 = arith.constant 0 : index
    %get3A_127 = arith.constant 0 : index
    %get3A_128 = vector.load %arg18[%get3A_126, %get3A_127] : memref<32x1xf32, #tpu.memory_space<vmem>>, vector<32x1xf32>
    %dot_general3A_129 = arith.constant dense<0.000000e+00> : vector<10112x1xf32>
    %dot_general3A_130 = tpu.matmul %max3A_125, %get3A_128, %dot_general3A_129 {dimension_numbers = #tpu.dot_dimension_numbers<[1], [0], [0], [1], [0, 0, 1, 1], [], []>, transpose_lhs_hint = false} : vector<10112x32xf32>, vector<32x1xf32>, vector<10112x1xf32> -> vector<10112x1xf32>
    %get3A_131 = arith.constant 0 : index
    %get3A_132 = arith.constant 0 : index
    %get3A_133 = vector.load %arg19[%get3A_131, %get3A_132] : memref<1x1xf32, #tpu.memory_space<vmem>>, vector<1x1xf32>
    %add3A_134 = vector.broadcast %get3A_133 : vector<1x1xf32> to vector<10112x1xf32>
    %add3A_135 = arith.addf %dot_general3A_130, %add3A_134 : vector<10112x1xf32>
    %swap3A = arith.constant 0 : index
    %swap3A_136 = arith.constant 0 : index
    %swap3A_137 = vector.load %arg24[%swap3A, %swap3A_136] : memref<10112x1xf32, #tpu.memory_space<vmem>>, vector<10112x1xf32>
    tpu.vector_store %arg24[%swap3A, %swap3A_136], %add3A_135 {strides = array<i32>} : memref<10112x1xf32, #tpu.memory_space<vmem>>, vector<10112x1xf32>,
    %get3A_138 = arith.constant 0 : index
    %get3A_139 = arith.constant 0 : index
    %get3A_140 = vector.load %arg20[%get3A_138, %get3A_139] : memref<32x32xf32, #tpu.memory_space<vmem>>, vector<32x32xf32>
    %dot_general3A_141 = arith.constant dense<0.000000e+00> : vector<10112x32xf32>
    %dot_general3A_142 = tpu.matmul %mul3A_112, %get3A_140, %dot_general3A_141 {dimension_numbers = #tpu.dot_dimension_numbers<[1], [0], [0], [1], [0, 0, 1, 1], [], []>, transpose_lhs_hint = false} : vector<10112x32xf32>, vector<32x32xf32>, vector<10112x32xf32> -> vector<10112x32xf32>
    %get3A_143 = arith.constant 0 : index
    %get3A_144 = arith.constant 0 : index
    %get3A_145 = vector.load %arg21[%get3A_143, %get3A_144] : memref<1x32xf32, #tpu.memory_space<vmem>>, vector<1x32xf32>
    %add3A_146 = vector.broadcast %get3A_145 : vector<1x32xf32> to vector<10112x32xf32>
    %add3A_147 = arith.addf %dot_general3A_142, %add3A_146 : vector<10112x32xf32>
    %max3A_148 = arith.constant 0.000000e+00 : f32
    %max3A_149 = vector.broadcast %max3A_148 : f32 to vector<10112x32xf32>
    %max3A_150 = arith.maximumf %add3A_147, %max3A_149 : vector<10112x32xf32>
    %get3A_151 = arith.constant 0 : index
    %get3A_152 = arith.constant 0 : index
    %get3A_153 = vector.load %arg22[%get3A_151, %get3A_152] : memref<32x10xf32, #tpu.memory_space<vmem>>, vector<32x10xf32>
    %dot_general3A_154 = arith.constant dense<0.000000e+00> : vector<10112x10xf32>
    %dot_general3A_155 = tpu.matmul %max3A_150, %get3A_153, %dot_general3A_154 {dimension_numbers = #tpu.dot_dimension_numbers<[1], [0], [0], [1], [0, 0, 1, 1], [], []>, transpose_lhs_hint = false} : vector<10112x32xf32>, vector<32x10xf32>, vector<10112x10xf32> -> vector<10112x10xf32>
    %get3A_156 = arith.constant 0 : index
    %get3A_157 = arith.constant 0 : index
    %get3A_158 = vector.load %arg23[%get3A_156, %get3A_157] : memref<1x10xf32, #tpu.memory_space<vmem>>, vector<1x10xf32>
    %add3A_159 = vector.broadcast %get3A_158 : vector<1x10xf32> to vector<10112x10xf32>
    %add3A_160 = arith.addf %dot_general3A_155, %add3A_159 : vector<10112x10xf32>
    %swap3A_161 = arith.constant 0 : index
    %swap3A_162 = arith.constant 0 : index
    %swap3A_163 = vector.load %arg25[%swap3A_161, %swap3A_162] : memref<10112x10xf32, #tpu.memory_space<vmem>>, vector<10112x10xf32>
    tpu.vector_store %arg25[%swap3A_161, %swap3A_162], %add3A_160 {strides = array<i32>} : memref<10112x10xf32, #tpu.memory_space<vmem>>, vector<10112x10xf32>,
    return
  }
}

</mosaic_0001>

<sc_bundles>
// kernel: _run.10.cloned.1.call-start
scs
__scs_entry_jumppad:
0x0: {  	(pc) =	sbr.rel $0x88, $3  }
0x1: {  	(tag) =	ssettag $0x0;
	lr =	simm.s32 $0x1  }
0x2: {  	[smem:$0x3F8B] =	sst lr;
	_ =	strace $0xD0000000  }
0x3: {  	_ = 	snop  }
0x4: {  	_ = 	snop  }
0x5: {  	_ = 	snop  }
0x6: {  	_ = 	snop  }
0x7: {  	_ = 	snop  }
__scs_overlays_trampoline_lowered:
0x8: {  	[smem:$0x3F9A] =	sst s0  }
0x9: {  	[smem:$0x3F9B] =	sst s1  }
0xa: {  	[smem:$0x3F9C] =	sst s2  }
0xb: {  	[smem:$0x3F9D] =	sst s3  }
0xc: {  	[smem:$0x3F9E] =	sst s4  }
0xd: {  	[smem:$0x3F9F] =	sst s5  }
0xe: {  	[smem:$0x3FA0] =	sst s6  }
0xf: {  	[smem:$0x3FA1] =	sst s7  }
0x10: {  	[smem:$0x3FA2] =	sst s8  }
0x11: {  	[smem:$0x3FA3] =	sst s9;
	s0 =	simm.s32 @!p0 $0x0  }
0x12: {  	s1 =	sld [smem:$0x3F89];
	s0 =	simm.s32 @p0 $0x1  }
0x13: {  	[smem:$0x3FA4] =	sst s0;
	s0 =	simm.s32 @!p1 $0x0  }
0x14: {  	s2 =	sld [smem:$0x3F88];
	s0 =	simm.s32 @p1 $0x1  }
0x15: {  	[smem:$0x3FA5] =	sst s0;
	s0 =	simm.s32 @!p2 $0x0  }
0x16: {  	s3 =	sld [smem:$0x3FDB];
	s0 =	simm.s32 @p2 $0x1  }
0x17: {  	s4 =	simm.s32 $0x1BF5;
	[smem:$0x3FA7] =	sst s0  }
0x18: {  	s0 =	sld [smem:$0x3F8A];
	_ =	swait.ge [sflag:s4], $0x0  }
0x19: {  	s7 =	sld [smem:$0x3F8B]  }
0x1a: {  	s8 =	sadd.s32 $0xFFFFE003, lr  }
0x1b: {  	s9 =	sadd.s32 $0xFFFFFEF7, lr;
	s5 =	simm.s32 $0xFFFFFFFF;
	p2 =	slt.u32 s8, $0xFFFFF086  }
0x1c: {  	p1 =	slt.u32 s9, $0xF7A;
	s5 =	simm.s32 @!p2 $0x0  }
0x1d: {  	s5 =	simm.s32 @p1 $0x1;
	p0 =	seq.s32 s7, s2  }
0x1e: {  	s7 =	smul.u32 @!p0 $0xF7A, s2;
	p2 =	seq.s32 @!p0 s5, $0x0  }
0x1f: {  	s9 =	smul.u32 $0xF7A, s1;
	s8 =	simm.s32 @!p0 $0x1BF5;
	p2 =	por !p2, p0  }
0x20: {  	[sflag:s8] =	ssyncset.s32 @!p0 $0xFFFFF086;
	s6 =	sadd.s32 @!p0 s3, s7;
	s7 =	simm.s32 @!p0 $0x108  }
0x21: {  	s3 =	sadd.s32 s3, s9;
	s6 =	sadd.s32 @!p0 $0x88, s6;
	s7 =	simm.s32 @p2 $0x1082  }
0x22: {  	[simem:s7], [sflag:s8] =	dma.local @!p0 [hbm:s6], $0xF7A  }
0x23: {  	s9 =	sor.u32 $0xD0000000, s2;
	s6 =	simm.s32 $0x108;
	_ =	swait.ge @!p0 [sflag:s8], $0x0  }
0x24: {  	s3 =	sadd.s32 $0x88, s3;
	s6 =	simm.s32 @!p1 $0x1082;
	[sflag:s4] =	ssyncset.s32 $0xFFFFF086  }
0x25: {  	[simem:s6], [sflag:s4] =	dma.local [hbm:s3], $0xF7A  }
0x26: {  	[smem:$0x3F8B] =	sst s1;
	(tag) =	ssettag s2;
	_ =	strace s9  }
0x27: {  	s1 =	sld [smem:$0x3F9B]  }
0x28: {  	s2 =	sld [smem:$0x3F9C]  }
0x29: {  	s4 =	sld [smem:$0x3F9E]  }
0x2a: {  	p0 =	seq.s32 s5, $0x0;
	s5 =	sld [smem:$0x3F9F]  }
0x2b: {  	s6 =	sld [smem:$0x3FA0]  }
0x2c: {  	s7 =	sld [smem:$0x3FA1]  }
0x2d: {  	s3 =	simm.s32 $0x108;
	s8 =	sld [smem:$0x3FA2]  }
0x2e: {  	s3 =	simm.s32 @!p0 $0x1082;
	s9 =	sld [smem:$0x3FA3]  }
0x2f: {  	lr =	sadd.s32 s0, s3;
	s0 =	sld [smem:$0x3F9A]  }
0x30: {  	s3 =	sld [smem:$0x3F9D]  }
0x31: {  	[smem:$0x3FA6] =	sst s10  }
0x32: {  	s10 =	sld [smem:$0x3FA4];
	_ =	sdelay $0x3  }
0x33: {  	p0 =	seq.s32 s10, $0x1;
	s10 =	sld [smem:$0x3FA6];
	_ =	sdelay $0x3  }
0x34: {  	[smem:$0x3FA6] =	sst s10  }
0x35: {  	s10 =	sld [smem:$0x3FA5];
	_ =	sdelay $0x3  }
0x36: {  	p1 =	seq.s32 s10, $0x1;
	s10 =	sld [smem:$0x3FA6];
	_ =	sdelay $0x3  }
0x37: {  	[smem:$0x3FA6] =	sst s10  }
0x38: {  	s10 =	sld [smem:$0x3FA7]  }
0x39: {  	_ = 	snop;
	(pc) =	sbr.ind lr, $3  }
0x3a: {  	_ = 	snop  }
0x3b: {  	_ = 	snop  }
0x3c: {  	p2 =	seq.s32 s10, $0x1;
	s10 =	sld [smem:$0x3FA6]  }
0x3d: {  	_ =	shalt  }
0x3e: {  	_ =	shalt  }
0x3f: {  	_ =	shalt  }
0x40: {  	_ =	shalt  }
0x41: {  	_ =	shalt  }
0x42: {  	_ =	shalt  }
0x43: {  	_ =	shalt  }
0x44: {  	_ =	shalt  }
0x45: {  	_ =	shalt  }
0x46: {  	_ =	shalt  }
0x47: {  	_ =	shalt  }
0x48: {  	_ =	shalt  }
0x49: {  	_ =	shalt  }
0x4a: {  	_ =	shalt  }
0x4b: {  	_ =	shalt  }
0x4c: {  	_ =	shalt  }
0x4d: {  	_ =	shalt  }
0x4e: {  	_ =	shalt  }
0x4f: {  	_ =	shalt  }
0x50: {  	_ =	shalt  }
0x51: {  	_ =	shalt  }
0x52: {  	_ =	shalt  }
0x53: {  	_ =	shalt  }
0x54: {  	_ =	shalt  }
0x55: {  	_ =	shalt  }
0x56: {  	_ =	shalt  }
0x57: {  	_ =	shalt  }
0x58: {  	_ =	shalt  }
0x59: {  	_ =	shalt  }
0x5a: {  	_ =	shalt  }
0x5b: {  	_ =	shalt  }
0x5c: {  	_ =	shalt  }
0x5d: {  	_ =	shalt  }
0x5e: {  	_ =	shalt  }
0x5f: {  	_ =	shalt  }
0x60: {  	_ =	shalt  }
0x61: {  	_ =	shalt  }
0x62: {  	_ =	shalt  }
0x63: {  	_ =	shalt  }
0x64: {  	_ =	shalt  }
0x65: {  	_ =	shalt  }
0x66: {  	_ =	shalt  }
0x67: {  	_ =	shalt  }
0x68: {  	_ =	shalt  }
0x69: {  	_ =	shalt  }
0x6a: {  	_ =	shalt  }
0x6b: {  	_ =	shalt  }
0x6c: {  	_ =	shalt  }
0x6d: {  	_ =	shalt  }
0x6e: {  	_ =	shalt  }
0x6f: {  	_ =	shalt  }
0x70: {  	_ =	shalt  }
0x71: {  	_ =	shalt  }
0x72: {  	_ =	shalt  }
0x73: {  	_ =	shalt  }
0x74: {  	_ =	shalt  }
0x75: {  	_ =	shalt  }
0x76: {  	_ =	shalt  }
0x77: {  	_ =	shalt  }
0x78: {  	_ =	shalt  }
0x79: {  	_ =	shalt  }
0x7a: {  	_ =	shalt  }
0x7b: {  	_ =	shalt  }
0x7c: {  	_ =	shalt  }
0x7d: {  	_ =	shalt  }
0x7e: {  	_ =	shalt  }
0x7f: {  	_ =	shalt  }
0x80: {  	_ =	shalt  }
0x81: {  	_ =	shalt  }
0x82: {  	_ =	shalt  }
0x83: {  	_ =	shalt  }
0x84: {  	_ =	shalt  }
0x85: {  	_ =	shalt  }
0x86: {  	_ =	shalt  }
0x87: {  	_ =	shalt  }
.Lfunc_end0:
.L_simem_size_0:
called_computation_lowered:
.L_overlay_start_0:
0x88: {  	s2 =	sld [smem:$0x3FD9]  }
0x89: {  	s3 =	sld [smem:$0x3FFE];
	_ =	sdelay $0x1  }
0x8a: {  	s1 =	srdreg.scid  }
0x8b: {  	s0 =	sand.u32 $0x1, s1  }
0x8c: {  	s14 =	sshll.u32 s0, $0xA;
	s2 =	sadd.s32 s3, s2  }
0x8d: {  	s2 =	sadd.s32 s2, s14  }
0x8e: {  	[smem:$0x3FB2] =	sst s2  }
0x8f: {  	_ = 	snop  }
0x90: {  	s2 =	sld [smem:$0x3FD0];
	_ =	sdelay $0x2  }
0x91: {  	s15 =	simm.s32 $0xA;
	s4 =	simm.s32 $0x10  }
0x92: {  	[smem:s4], [sflag:s15] =	dma.local [hbm:s2], $0x1  }
0x93: {  	_ =	swait.eq [sflag:s15], $0x1  }
0x94: {  	[sflag:s15] =	ssyncset.done $0x0  }
0x95: {  	s16 =	sld [smem:$0x10];
	[sflag:s15] =	ssyncadd.s32 $0xFFFFFFFF  }
0x96: {  	s17 =	sld [smem:$0x11];
	(tm) =	ssettm $0x1  }
0x97: {  	s18 =	sld [smem:$0x3FFB];
	_ =	sdelay $0x3  }
0x98: {  	_ =	strace s18  }
0x99: {  	s4 =	sld [smem:$0x3FFC];
	_ =	sdelay $0x3  }
0x9a: {  	_ =	strace s4  }
0x9b: {  	s4 =	sld [smem:$0x3FFD];
	_ =	sdelay $0x3  }
0x9c: {  	_ =	strace s4  }
0x9d: {  	_ =	strace $0x8FFFFFFF  }
0x9e: {  	s19 =	sld [smem:$0x3FDB];
	_ =	sdelay $0x1  }
0x9f: {  	s5 =	simm.s32 $_scs_section_size  }
0xa0: {  	s6 =	simm.s32 $_size__tile_overlayer_lowered;
	s7 =	simm.s32 $_tile_overlayer_lowered  }
0xa1: {  	s22 =	simm.s32 $0x1BFF;
	s21 =	sshll.u32 s7, $0x1;
	s4 =	sadd.s32 s5, s19  }
0xa2: {  	s8 =	simm.s32 $0x0;
	s20 =	sshll.u32 s6, $0x1;
	s6 =	sadd.s32 s21, s4  }
0xa3: {  	[timem:s8], [sflag:s22] =	dma.local [hbm:s6], s20  }
0xa4: {  	_ =	swait.ge [sflag:s22], s20  }
0xa5: {  	s5 =	ssub.s32 $0x0, s20;
	[sflag:s22] =	ssyncset.done $0x0  }
0xa6: {  	[sflag:s22] =	ssyncadd.s32 s5;
	_ =	sdelay $0x1  }
0xa7: {  	s23 =	simm.s32 $0x1B8B  }
0xa8: {  	_ =	swait.ge [sflag:s23], $0x1  }
0xa9: {  	[sflag:s23] =	ssyncset.done $0x0  }
0xaa: {  	s25 =	simm.s32 $0x1B8E;
	s24 =	sld [smem:$0x3FFE];
	[sflag:s23] =	ssyncadd.s32 $0xFFFFFFFF  }
0xab: {  	s26 =	simm.s32 $execute0_lowered;
	[smem:$0x3FD2] =	sst s25  }
0xac: {  	s6 =	sshll.u32 s26, $0x1;
	_ =	strace $0x80000046;
	[dreg:$0x1] =	wrdreg $0xFFFFFFFF  }
0xad: {  	s28 =	simm.s32 $_size_execute0_lowered;
	s4 =	sadd.s32 s4, s6;
	[dreg:$0x0] =	wrdreg $0x0  }
0xae: {  	s6 =	sshll.u32 s28, $0x1;
	[dreg:$0x2] =	wrdreg s4  }
0xaf: {  	[dreg:$0x3] =	wrdreg s6  }
0xb0: {  	[dreg:$0x4] =	wrdreg $0xC0  }
0xb1: {  	_ =	task [dreg:s8], $0x5FFFF  }
0xb2: {  	[dreg:$0x1] =	wrdreg $0xFFFFFFFF  }
0xb3: {  	[dreg:$0x0] =	wrdreg $0x60  }
0xb4: {  	[dreg:$0x2] =	wrdreg s24  }
0xb5: {  	[dreg:$0x3] =	wrdreg s16  }
0xb6: {  	[dreg:$0x4] =	wrdreg s17  }
0xb7: {  	[dreg:$0x5] =	wrdreg $0x30000  }
0xb8: {  	[dreg:$0x6] =	wrdreg $0x9  }
0xb9: {  	_ =	task.clear_ibuf [dreg:s8], $0x7FFFF;
	_ =	strace $0x90000046  }
0xba: {  	s29 =	simm.s32 $0x9;
	_ =	strace $0x80000048  }
0xbb: {  	_ =	swait.ge [sflag:s29], $0x1  }
0xbc: {  	[sflag:s29] =	ssyncadd.s32 $0xFFFFFFFF  }
0xbd: {  	_ =	strace $0x90000048  }
0xbe: {  	_ =	sfence  }
0xbf: {  	s30 =	sld [smem:$0x0];
	_ =	sdelay $0x2  }
0xc0: {  	s31 =	sshll.u32 s1, $0xD;
	s1 =	sshrl.u32 s1, $0x2  }
0xc1: {  	s3 =	sand.u32 $0x4000, s31;
	s1 =	sadd.s32 s1, s30  }
0xc2: {  	s0 =	sor.u32 s3, s0;
	s1 =	sshll.u32 s1, $0x11  }
0xc3: {  	s0 =	sor.u32 s1, s0  }
0xc4: {  	s0 =	sadd.s32 $0x8F2B, s0  }
0xc5: {  	[sflag:s0] =	ssyncadd.remote.s32 $0x1  }
0xc6: {  	_ =	sfence.sel $0xFFFF  }
0xc7: {  	[dreg:$0x0] =	wrdreg $0xFFFFFFFF;
	(pc) =	sbr.abs _section_cstart, $3  }
0xc8: {  	[dreg:$0x1] =	wrdreg $0xFFFFFFFF  }
0xc9: {  	_ =	task.clear_ibuf [dreg:s8], $0x2FFFF;
	_ =	strace $0x9FFFFFFF  }
0xca: {  	(tm) =	ssettm $0x7FFFFFFF  }
0xcb: {  	_ =	shalt  }
tec
execute0_lowered:
.L_overlay_start_1:
0x0: {  	(tag) =	ssettag $0x1  }
0x1: {  	s6 =	rddreg [dreg:$0x0]  }
0x2: {  	s1 =	rddreg [dreg:$0x1]  }
0x3: {  	s3 =	rddreg [dreg:$0x2]  }
0x4: {  	s4 =	rddreg [dreg:$0x3]  }
0x5: {  	s0 =	rddreg [dreg:$0x4];
	s5 =	srdreg.scid  }
0x6: {  	s2 =	stileid.u32;
	s13 =	simm.s32 $0x4;
	s14 =	simm.s32 $0x2  }
0x7: {  	s15 =	simm.s32 $0x80;
	s16 =	simm.s32 $0x1;
	s18 =	simm.s32 $0x5  }
0x8: {  	s19 =	simm.s32 $0x0;
	s7 =	sand.u32 $0x1, s5;
	s8 =	sshll.u32 s2, $0x1  }
0x9: {  	s9 =	smul.u32 $0x2780, s2;
	s5 =	simm.s32 $0x0;
	s17 =	sshll.u32 s2, $0x6  }
0xa: {  	s8 =	sor.u32 s7, s8;
	s10 =	smul.u32 $0x27800, s7;
	[smem:$0x7FF] =	sst s5  }
0xb: {  	s7 =	ssub.s32 $0x2, s7;
	s8 =	smul.u32 $0x500, s8;
	_ =	strace $0x80000047  }
0xc: {  	s11 =	sshrl.u32 s7, $0x1;
	s12 =	sadd.s32 s9, s4;
	s10 =	sadd.s32 s9, s10  }
0xd: {  	s11 =	ssub.s32 s7, s11;
	s8 =	sadd.s32 s8, s6;
	s10 =	sshrl.u32 s10, $0x3  }
0xe: {  	s9 =	smax.u32 s11, $0x1;
	s11 =	simm.s32 $0x2800;
	s10 =	sadd.s32 s10, s6  }
0xf: {  	s6 =	sor.u32 $0x1C02, s17;
	s7 =	sadd.s32 $0xE200, s8;
	s17 =	sor.u32 $0x1C05, s17  }
0x10: {  	s8 =	sadd.s32 $0x18200, s10;
	s10 =	sshrl.u32 s12, $0x3;
	s12 =	simm.s32 $0x3  }
.LBB2_1:
0x11: {  	[spmem:s10], [sflag:s6] =	dma.local [hbm:s3], $0x4F0  }
0x12: {  	[tilespmem:s11], [sflag:$0x3] =	stream.linear.gather [hbm4b:s1+s5], $0x800, $0x38;
	[tilespmem:$0x5780] =	vst v63  }
0x13: {  	_ = 	snop  }
0x14: {  	[tilespmem:s5], [sflag:$0x4] =	stream.linear.gather [hbm4b:s7+s5], $0x2800, $0x38;
	[tilespmem:$0x5780] =	vst v63  }
0x15: {  	_ =	swait.ge [sflag:s12], $0x800  }
0x16: {  	[sflag:s12] =	ssyncset.done $0x0  }
0x17: {  	[sflag:s12] =	ssyncadd.s32 $0xFFFFF800  }
0x18: {  	_ =	swait.ge [sflag:s13], $0x2800  }
0x19: {  	[sflag:s13] =	ssyncset.done $0x0  }
0x1a: {  	[sflag:s13] =	ssyncadd.s32 $0xFFFFD800  }
0x1b: {  	_ =	swait.ge [sflag:s14], $0x4F0  }
0x1c: {  	[sflag:s14] =	ssyncset.done $0x0  }
0x1d: {  	p0 =	por $0x1, $0x1;
	[sflag:s14] =	ssyncadd.s32 $0xFFFFFB10  }
0x1e: {  	s22 =	simm.s32 @!p0 $0x1;
	[bflag:$0x0] =	sbarrier.arrive $0xFFFF  }
0x1f: {  	[spmem:s4] =	stream.indirect.scatter.add.f32 [tilespmem:s11], [sflag:$0x1], $0x10, s5, s15, $0xb8;
	[tilespmem:$0x5780] =	vst v63  }
0x20: {  	_ =	swait.ge @!p0 [sflag:s22], $0x800  }
0x21: {  	s20 =	simm.s32 $0x1;
	s21 =	simm.s32 $0x0;
	[sflag:s22] =	ssyncset.done @!p0 $0x0  }
.LBB2_2:
0x22: {  	[sflag:s22] =	ssyncadd.s32 @!p0 $0xFFFFF800  }
0x23: {  	s21 =	sadd.s32 $0x80, s21;
	s22 =	smov.u32 s20;
	s20 =	sadd.s32 $0x1, s20  }
0x24: {  	p1 =	sne.s32 s20, $0x50  }
0x25: {  	[spmem:s4] =	stream.indirect.scatter.add.f32 [tilespmem:s11], [sflag:$0x1], $0x10, s21, s15, $0xb8;
	[tilespmem:$0x5780] =	vst v63  }
.Ltmp0:
0x26: {  	_ = 	snop;
	(pc) =	sbr.rel @p1 .LBB2_2-.Ltmp0, $4  }
0x27: {  	p0 =	slt.u32 s22, $0x8  }
0x28: {  	s22 =	simm.s32 @!p0 $0x1  }
0x29: {  	_ =	swait.ge @!p0 [sflag:s22], $0x800  }
0x2a: {  	[sflag:s22] =	ssyncset.done @!p0 $0x0  }
0x2b: {  	[sflag:s22] =	ssyncadd.s32 @!p0 $0xFFFFF800  }
0x2c: {  	_ =	swait.ge [sflag:s16], $0x800  }
0x2d: {  	[sflag:s16] =	ssyncset.done $0x0  }
0x2e: {  	[sflag:s16] =	ssyncadd.s32 $0xFFFFF800  }
0x2f: {  	_ =	swait.ge [sflag:s16], $0x800  }
0x30: {  	[sflag:s16] =	ssyncset.done $0x0  }
0x31: {  	[sflag:s16] =	ssyncadd.s32 $0xFFFFF800  }
0x32: {  	_ =	swait.ge [sflag:s16], $0x800  }
0x33: {  	[sflag:s16] =	ssyncset.done $0x0  }
0x34: {  	[sflag:s16] =	ssyncadd.s32 $0xFFFFF800  }
0x35: {  	_ =	swait.ge [sflag:s16], $0x800  }
0x36: {  	[sflag:s16] =	ssyncset.done $0x0  }
0x37: {  	[sflag:s16] =	ssyncadd.s32 $0xFFFFF800  }
0x38: {  	_ =	swait.ge [sflag:s16], $0x800  }
0x39: {  	[sflag:s16] =	ssyncset.done $0x0  }
0x3a: {  	[sflag:s16] =	ssyncadd.s32 $0xFFFFF800  }
0x3b: {  	_ =	swait.ge [sflag:s16], $0x800  }
0x3c: {  	[sflag:s16] =	ssyncset.done $0x0  }
0x3d: {  	[sflag:s16] =	ssyncadd.s32 $0xFFFFF800  }
0x3e: {  	_ =	swait.ge [sflag:s16], $0x800  }
0x3f: {  	[sflag:s16] =	ssyncset.done $0x0  }
0x40: {  	[sflag:s16] =	ssyncadd.s32 $0xFFFFF800  }
0x41: {  	_ =	swait.ge [sflag:s16], $0x800  }
0x42: {  	s19 =	sadd.s32 $0x1, s19;
	[sflag:s16] =	ssyncset.done $0x0  }
0x43: {  	p0 =	sne.s32 s19, s9;
	[sflag:s16] =	ssyncadd.s32 $0xFFFFF800  }
.Ltmp1:
0x44: {  	[bflag:$0x0] =	sbarrier.arrive $0xFFFF;
	(pc) =	sbr.rel @p0 .LBB2_1-.Ltmp1, $4  }
0x45: {  	[hbm:s8], [sflag:s17] =	dma.local [spmem:s10], $0x4F0  }
0x46: {  	_ =	swait.ge [sflag:s18], $0x4F0  }
0x47: {  	[sflag:s18] =	ssyncset.done $0x0  }
0x48: {  	[sflag:s18] =	ssyncadd.s32 $0xFFFFFB10  }
0x49: {  	_ =	sfence.sel $0x180000  }
0x4a: {  	[bflag:$0x0] =	sbarrier.arrive $0xFFFF  }
0x4b: {  	p0 =	sne.s32 s2, $0x0;
	_ =	strace $0x90000047  }
0x4c: {  	s0 =	sadd.s32 @!p0 $0x100000, s0;
	[bflag:$0x2] =	sbarrier.arrive $0xFFFF  }
0x4d: {  	[sflag:s0] =	ssyncadd.tile.s32 @!p0 $0x1;
	_ =	shalt  }
.Lfunc_end2:
_tile_overlayer_lowered:
.L_overlay_start_2:
0x4e: {  	(tag) =	ssettag $0x2  }
0x4f: {  	s0 =	rddreg [dreg:$0x0];
	s2 =	stileid.u32  }
0x50: {  	s1 =	rddreg [dreg:$0x1];
	p0 =	sne.s32 s2, $0x0  }
0x51: {  	s3 =	rddreg [dreg:$0x2];
	[bflag:$0x3] =	sbarrier.arrive $0xFFFF;
	s2 =	simm.s32 @!p0 $0x1C05  }
0x52: {  	[timem:s3], [sflag:s2] =	dma.local @!p0 [hbm:s0], s1  }
0x53: {  	s0 =	simm.s32 @!p0 $0x5  }
0x54: {  	_ =	swait.ge @!p0 [sflag:s0], s1  }
0x55: {  	s1 =	ssub.s32 @!p0 $0x0, s1;
	[sflag:s0] =	ssyncset.done @!p0 $0x0  }
0x56: {  	[sflag:s0] =	ssyncadd.s32 @!p0 s1  }
0x57: {  	[bflag:$0x3] =	sbarrier.arrive $0xFFFF  }
0x58: {  	_ =	shalt  }

// kernel: _run.13.cloned.1.call-start
scs
__scs_entry_jumppad:
0x0: {  	(pc) =	sbr.rel $0x88, $3  }
0x1: {  	(tag) =	ssettag $0x0;
	lr =	simm.s32 $0x1  }
0x2: {  	[smem:$0x3F8B] =	sst lr;
	_ =	strace $0xD0000000  }
0x3: {  	_ = 	snop  }
0x4: {  	_ = 	snop  }
0x5: {  	_ = 	snop  }
0x6: {  	_ = 	snop  }
0x7: {  	_ = 	snop  }
__scs_overlays_trampoline_lowered:
0x8: {  	[smem:$0x3F9A] =	sst s0  }
0x9: {  	[smem:$0x3F9B] =	sst s1  }
0xa: {  	[smem:$0x3F9C] =	sst s2  }
0xb: {  	[smem:$0x3F9D] =	sst s3  }
0xc: {  	[smem:$0x3F9E] =	sst s4  }
0xd: {  	[smem:$0x3F9F] =	sst s5  }
0xe: {  	[smem:$0x3FA0] =	sst s6  }
0xf: {  	[smem:$0x3FA1] =	sst s7  }
0x10: {  	[smem:$0x3FA2] =	sst s8  }
0x11: {  	[smem:$0x3FA3] =	sst s9;
	s0 =	simm.s32 @!p0 $0x0  }
0x12: {  	s1 =	sld [smem:$0x3F89];
	s0 =	simm.s32 @p0 $0x1  }
0x13: {  	[smem:$0x3FA4] =	sst s0;
	s0 =	simm.s32 @!p1 $0x0  }
0x14: {  	s2 =	sld [smem:$0x3F88];
	s0 =	simm.s32 @p1 $0x1  }
0x15: {  	[smem:$0x3FA5] =	sst s0;
	s0 =	simm.s32 @!p2 $0x0  }
0x16: {  	s3 =	sld [smem:$0x3FDB];
	s0 =	simm.s32 @p2 $0x1  }
0x17: {  	s4 =	simm.s32 $0x1BF5;
	[smem:$0x3FA7] =	sst s0  }
0x18: {  	s0 =	sld [smem:$0x3F8A];
	_ =	swait.ge [sflag:s4], $0x0  }
0x19: {  	s7 =	sld [smem:$0x3F8B]  }
0x1a: {  	s8 =	sadd.s32 $0xFFFFE003, lr  }
0x1b: {  	s9 =	sadd.s32 $0xFFFFFEF7, lr;
	s5 =	simm.s32 $0xFFFFFFFF;
	p2 =	slt.u32 s8, $0xFFFFF086  }
0x1c: {  	p1 =	slt.u32 s9, $0xF7A;
	s5 =	simm.s32 @!p2 $0x0  }
0x1d: {  	s5 =	simm.s32 @p1 $0x1;
	p0 =	seq.s32 s7, s2  }
0x1e: {  	s7 =	smul.u32 @!p0 $0xF7A, s2;
	p2 =	seq.s32 @!p0 s5, $0x0  }
0x1f: {  	s9 =	smul.u32 $0xF7A, s1;
	s8 =	simm.s32 @!p0 $0x1BF5;
	p2 =	por !p2, p0  }
0x20: {  	[sflag:s8] =	ssyncset.s32 @!p0 $0xFFFFF086;
	s6 =	sadd.s32 @!p0 s3, s7;
	s7 =	simm.s32 @!p0 $0x108  }
0x21: {  	s3 =	sadd.s32 s3, s9;
	s6 =	sadd.s32 @!p0 $0x88, s6;
	s7 =	simm.s32 @p2 $0x1082  }
0x22: {  	[simem:s7], [sflag:s8] =	dma.local @!p0 [hbm:s6], $0xF7A  }
0x23: {  	s9 =	sor.u32 $0xD0000000, s2;
	s6 =	simm.s32 $0x108;
	_ =	swait.ge @!p0 [sflag:s8], $0x0  }
0x24: {  	s3 =	sadd.s32 $0x88, s3;
	s6 =	simm.s32 @!p1 $0x1082;
	[sflag:s4] =	ssyncset.s32 $0xFFFFF086  }
0x25: {  	[simem:s6], [sflag:s4] =	dma.local [hbm:s3], $0xF7A  }
0x26: {  	[smem:$0x3F8B] =	sst s1;
	(tag) =	ssettag s2;
	_ =	strace s9  }
0x27: {  	s1 =	sld [smem:$0x3F9B]  }
0x28: {  	s2 =	sld [smem:$0x3F9C]  }
0x29: {  	s4 =	sld [smem:$0x3F9E]  }
0x2a: {  	p0 =	seq.s32 s5, $0x0;
	s5 =	sld [smem:$0x3F9F]  }
0x2b: {  	s6 =	sld [smem:$0x3FA0]  }
0x2c: {  	s7 =	sld [smem:$0x3FA1]  }
0x2d: {  	s3 =	simm.s32 $0x108;
	s8 =	sld [smem:$0x3FA2]  }
0x2e: {  	s3 =	simm.s32 @!p0 $0x1082;
	s9 =	sld [smem:$0x3FA3]  }
0x2f: {  	lr =	sadd.s32 s0, s3;
	s0 =	sld [smem:$0x3F9A]  }
0x30: {  	s3 =	sld [smem:$0x3F9D]  }
0x31: {  	[smem:$0x3FA6] =	sst s10  }
0x32: {  	s10 =	sld [smem:$0x3FA4];
	_ =	sdelay $0x3  }
0x33: {  	p0 =	seq.s32 s10, $0x1;
	s10 =	sld [smem:$0x3FA6];
	_ =	sdelay $0x3  }
0x34: {  	[smem:$0x3FA6] =	sst s10  }
0x35: {  	s10 =	sld [smem:$0x3FA5];
	_ =	sdelay $0x3  }
0x36: {  	p1 =	seq.s32 s10, $0x1;
	s10 =	sld [smem:$0x3FA6];
	_ =	sdelay $0x3  }
0x37: {  	[smem:$0x3FA6] =	sst s10  }
0x38: {  	s10 =	sld [smem:$0x3FA7]  }
0x39: {  	_ = 	snop;
	(pc) =	sbr.ind lr, $3  }
0x3a: {  	_ = 	snop  }
0x3b: {  	_ = 	snop  }
0x3c: {  	p2 =	seq.s32 s10, $0x1;
	s10 =	sld [smem:$0x3FA6]  }
0x3d: {  	_ =	shalt  }
0x3e: {  	_ =	shalt  }
0x3f: {  	_ =	shalt  }
0x40: {  	_ =	shalt  }
0x41: {  	_ =	shalt  }
0x42: {  	_ =	shalt  }
0x43: {  	_ =	shalt  }
0x44: {  	_ =	shalt  }
0x45: {  	_ =	shalt  }
0x46: {  	_ =	shalt  }
0x47: {  	_ =	shalt  }
0x48: {  	_ =	shalt  }
0x49: {  	_ =	shalt  }
0x4a: {  	_ =	shalt  }
0x4b: {  	_ =	shalt  }
0x4c: {  	_ =	shalt  }
0x4d: {  	_ =	shalt  }
0x4e: {  	_ =	shalt  }
0x4f: {  	_ =	shalt  }
0x50: {  	_ =	shalt  }
0x51: {  	_ =	shalt  }
0x52: {  	_ =	shalt  }
0x53: {  	_ =	shalt  }
0x54: {  	_ =	shalt  }
0x55: {  	_ =	shalt  }
0x56: {  	_ =	shalt  }
0x57: {  	_ =	shalt  }
0x58: {  	_ =	shalt  }
0x59: {  	_ =	shalt  }
0x5a: {  	_ =	shalt  }
0x5b: {  	_ =	shalt  }
0x5c: {  	_ =	shalt  }
0x5d: {  	_ =	shalt  }
0x5e: {  	_ =	shalt  }
0x5f: {  	_ =	shalt  }
0x60: {  	_ =	shalt  }
0x61: {  	_ =	shalt  }
0x62: {  	_ =	shalt  }
0x63: {  	_ =	shalt  }
0x64: {  	_ =	shalt  }
0x65: {  	_ =	shalt  }
0x66: {  	_ =	shalt  }
0x67: {  	_ =	shalt  }
0x68: {  	_ =	shalt  }
0x69: {  	_ =	shalt  }
0x6a: {  	_ =	shalt  }
0x6b: {  	_ =	shalt  }
0x6c: {  	_ =	shalt  }
0x6d: {  	_ =	shalt  }
0x6e: {  	_ =	shalt  }
0x6f: {  	_ =	shalt  }
0x70: {  	_ =	shalt  }
0x71: {  	_ =	shalt  }
0x72: {  	_ =	shalt  }
0x73: {  	_ =	shalt  }
0x74: {  	_ =	shalt  }
0x75: {  	_ =	shalt  }
0x76: {  	_ =	shalt  }
0x77: {  	_ =	shalt  }
0x78: {  	_ =	shalt  }
0x79: {  	_ =	shalt  }
0x7a: {  	_ =	shalt  }
0x7b: {  	_ =	shalt  }
0x7c: {  	_ =	shalt  }
0x7d: {  	_ =	shalt  }
0x7e: {  	_ =	shalt  }
0x7f: {  	_ =	shalt  }
0x80: {  	_ =	shalt  }
0x81: {  	_ =	shalt  }
0x82: {  	_ =	shalt  }
0x83: {  	_ =	shalt  }
0x84: {  	_ =	shalt  }
0x85: {  	_ =	shalt  }
0x86: {  	_ =	shalt  }
0x87: {  	_ =	shalt  }
.Lfunc_end0:
.L_simem_size_0:
called_computation.1_lowered:
.L_overlay_start_0:
0x88: {  	s2 =	sld [smem:$0x3FD9]  }
0x89: {  	s3 =	sld [smem:$0x3FFE];
	_ =	sdelay $0x1  }
0x8a: {  	s1 =	srdreg.scid  }
0x8b: {  	s0 =	sand.u32 $0x1, s1  }
0x8c: {  	s14 =	sshll.u32 s0, $0xA;
	s2 =	sadd.s32 s3, s2  }
0x8d: {  	s2 =	sadd.s32 s2, s14  }
0x8e: {  	[smem:$0x3FB2] =	sst s2  }
0x8f: {  	_ = 	snop  }
0x90: {  	s2 =	sld [smem:$0x3FD0];
	_ =	sdelay $0x2  }
0x91: {  	s15 =	simm.s32 $0xA;
	s4 =	simm.s32 $0x10  }
0x92: {  	[smem:s4], [sflag:s15] =	dma.local [hbm:s2], $0x1  }
0x93: {  	_ =	swait.eq [sflag:s15], $0x1  }
0x94: {  	[sflag:s15] =	ssyncset.done $0x0  }
0x95: {  	[sflag:s15] =	ssyncadd.s32 $0xFFFFFFFF  }
0x96: {  	s16 =	sld [smem:$0x11];
	(tm) =	ssettm $0x1  }
0x97: {  	s17 =	sld [smem:$0x3FFB];
	_ =	sdelay $0x3  }
0x98: {  	_ =	strace s17  }
0x99: {  	s3 =	sld [smem:$0x3FFC];
	_ =	sdelay $0x3  }
0x9a: {  	_ =	strace s3  }
0x9b: {  	s3 =	sld [smem:$0x3FFD];
	_ =	sdelay $0x3  }
0x9c: {  	_ =	strace s3  }
0x9d: {  	_ =	strace $0x8FFFFFFF  }
0x9e: {  	s18 =	sld [smem:$0x3FDB];
	_ =	sdelay $0x1  }
0x9f: {  	s19 =	simm.s32 $_scs_section_size  }
0xa0: {  	s5 =	simm.s32 $_size__tile_overlayer_lowered;
	s6 =	simm.s32 $_tile_overlayer_lowered  }
0xa1: {  	s22 =	simm.s32 $0x1BFF;
	s21 =	sshll.u32 s6, $0x1;
	s3 =	sadd.s32 s19, s18  }
0xa2: {  	s7 =	simm.s32 $0x0;
	s20 =	sshll.u32 s5, $0x1;
	s5 =	sadd.s32 s21, s3  }
0xa3: {  	[timem:s7], [sflag:s22] =	dma.local [hbm:s5], s20  }
0xa4: {  	_ =	swait.ge [sflag:s22], s20  }
0xa5: {  	s4 =	ssub.s32 $0x0, s20;
	[sflag:s22] =	ssyncset.done $0x0  }
0xa6: {  	[sflag:s22] =	ssyncadd.s32 s4;
	_ =	sdelay $0x1  }
0xa7: {  	s23 =	simm.s32 $0x1B8B  }
0xa8: {  	_ =	swait.ge [sflag:s23], $0x1  }
0xa9: {  	[sflag:s23] =	ssyncset.done $0x0  }
0xaa: {  	s25 =	simm.s32 $0x1B8E;
	s24 =	sld [smem:$0x3FFE];
	[sflag:s23] =	ssyncadd.s32 $0xFFFFFFFF  }
0xab: {  	s26 =	simm.s32 $execute0_lowered;
	[smem:$0x3FD2] =	sst s25  }
0xac: {  	s5 =	sshll.u32 s26, $0x1;
	_ =	strace $0x80000049;
	[dreg:$0x1] =	wrdreg $0xFFFFFFFF  }
0xad: {  	s28 =	simm.s32 $_size_execute0_lowered;
	s3 =	sadd.s32 s3, s5;
	[dreg:$0x0] =	wrdreg $0x0  }
0xae: {  	s5 =	sshll.u32 s28, $0x1;
	[dreg:$0x2] =	wrdreg s3  }
0xaf: {  	[dreg:$0x3] =	wrdreg s5  }
0xb0: {  	[dreg:$0x4] =	wrdreg $0xC0  }
0xb1: {  	_ =	task [dreg:s7], $0x5FFFF  }
0xb2: {  	[dreg:$0x1] =	wrdreg $0xFFFFFFFF  }
0xb3: {  	[dreg:$0x0] =	wrdreg $0x60  }
0xb4: {  	[dreg:$0x2] =	wrdreg s24  }
0xb5: {  	[dreg:$0x3] =	wrdreg s16  }
0xb6: {  	[dreg:$0x4] =	wrdreg $0xD0000  }
0xb7: {  	[dreg:$0x5] =	wrdreg $0x9  }
0xb8: {  	_ =	task.clear_ibuf [dreg:s7], $0x6FFFF;
	_ =	strace $0x90000049  }
0xb9: {  	s29 =	simm.s32 $0x9;
	_ =	strace $0x8000004B  }
0xba: {  	_ =	swait.ge [sflag:s29], $0x1  }
0xbb: {  	[sflag:s29] =	ssyncadd.s32 $0xFFFFFFFF  }
0xbc: {  	_ =	strace $0x9000004B  }
0xbd: {  	_ =	sfence  }
0xbe: {  	s30 =	sld [smem:$0x0];
	_ =	sdelay $0x2  }
0xbf: {  	s31 =	sshll.u32 s1, $0xD;
	s1 =	sshrl.u32 s1, $0x2  }
0xc0: {  	s3 =	sand.u32 $0x4000, s31;
	s1 =	sadd.s32 s1, s30  }
0xc1: {  	s0 =	sor.u32 s3, s0;
	s1 =	sshll.u32 s1, $0x11  }
0xc2: {  	s0 =	sor.u32 s1, s0  }
0xc3: {  	s0 =	sadd.s32 $0x8F2B, s0  }
0xc4: {  	[sflag:s0] =	ssyncadd.remote.s32 $0x1  }
0xc5: {  	_ =	sfence.sel $0xFFFF  }
0xc6: {  	[dreg:$0x0] =	wrdreg $0xFFFFFFFF;
	(pc) =	sbr.abs _section_cstart, $3  }
0xc7: {  	[dreg:$0x1] =	wrdreg $0xFFFFFFFF  }
0xc8: {  	_ =	task.clear_ibuf [dreg:s7], $0x2FFFF;
	_ =	strace $0x9FFFFFFF  }
0xc9: {  	(tm) =	ssettm $0x7FFFFFFF  }
tec
execute0_lowered:
.L_overlay_start_1:
0x0: {  	(tag) =	ssettag $0x1  }
0x1: {  	s0 =	rddreg [dreg:$0x0]  }
0x2: {  	s3 =	rddreg [dreg:$0x2]  }
0x3: {  	s1 =	srdreg.scid;
	s8 =	stileid.u32;
	s4 =	simm.s32 $0x0  }
0x4: {  	s14 =	simm.s32 $0x6;
	s15 =	simm.s32 $0x80;
	s16 =	simm.s32 $0x5000  }
0x5: {  	s17 =	simm.s32 $0x7000;
	s19 =	simm.s32 $0x9000;
	s21 =	simm.s32 $0xB000  }
0x6: {  	s22 =	simm.s32 $0x7;
	s23 =	simm.s32 $0x5;
	s24 =	simm.s32 $0x1  }
0x7: {  	s25 =	simm.s32 $0x8;
	s28 =	simm.s32 $0x3;
	s29 =	simm.s32 $0x4  }
0x8: {  	s30 =	simm.s32 $0x4E00;
	s31 =	simm.s32 $0x4E80;
	s1 =	sand.u32 $0x1, s1  }
0x9: {  	s2 =	smul.u32 $0x9E00, s8;
	s5 =	sshll.u32 s8, $0x1;
	[smem:$0x7FF] =	sst s4  }
0xa: {  	s6 =	smul.u32 $0x9E000, s1;
	s5 =	sor.u32 s1, s5;
	s1 =	ssub.s32 $0x2, s1  }
0xb: {  	_ =	strace $0x8000004A;
	s7 =	smul.u32 $0x500, s5;
	s26 =	sshrl.u32 s1, $0x1  }
0xc: {  	s5 =	sadd.s32 $0x18200, s0;
	s6 =	sadd.s32 s2, s6;
	s1 =	ssub.s32 s1, s26  }
0xd: {  	s2 =	sadd.s32 s2, s3;
	s26 =	simm.s32 $0x2;
	s6 =	sshrl.u32 s6, $0x3  }
0xe: {  	s9 =	sadd.s32 s7, s0;
	s11 =	smax.u32 s1, $0x1;
	s12 =	sshrl.u32 s2, $0x3  }
0xf: {  	s1 =	simm.s32 $0x4F80;
	s2 =	simm.s32 $0x0;
	s0 =	sadd.s32 s6, s0  }
0x10: {  	s6 =	sshll.u32 s8, $0x6;
	s8 =	sadd.s32 $0x4200, s9;
	s9 =	sadd.s32 $0xE200, s9  }
0x11: {  	s7 =	sor.u32 $0x1C05, s6;
	s10 =	sadd.s32 $0x2BE00, s0;
	s0 =	simm.s32 $0x4F00  }
.LBB2_1:
0x12: {  	s13 =	rddreg [dreg:$0x1]  }
0x13: {  	[spmem:s12], [sflag:s7] =	dma.local [hbm:s13], $0x13C0  }
0x14: {  	[tilespmem:s4], [sflag:$0x6] =	stream.linear.gather [hbm4b:s8+s4], $0x2800, $0x38;
	[tilespmem:$0x16E00] =	vst v63  }
0x15: {  	s18 =	simm.s32 $0x2800  }
0x16: {  	[tilespmem:s18], [sflag:$0x7] =	stream.linear.gather [hbm4b:s9+s4], $0x2800, $0x38;
	[tilespmem:$0x16E00] =	vst v63  }
0x17: {  	_ =	swait.ge [sflag:s14], $0x2800  }
0x18: {  	[sflag:s14] =	ssyncset.done $0x0  }
0x19: {  	[sflag:s14] =	ssyncadd.s32 $0xFFFFD800  }
0x1a: {  	[tilespmem:s16], [sflag:$0x1] =	stream.indirect.gather [hbm4b:s5+s15], $0x40, s4, s15, $0xb8;
	[tilespmem:$0x16E00] =	vst v63  }
0x1b: {  	_ = 	snop  }
0x1c: {  	[tilespmem:s17], [sflag:$0x2] =	stream.indirect.gather [hbm4b:s5+s15], $0x40, s15, s15, $0xb8;
	[tilespmem:$0x16E00] =	vst v63  }
0x1d: {  	s20 =	simm.s32 $0x100  }
0x1e: {  	[tilespmem:s19], [sflag:$0x3] =	stream.indirect.gather [hbm4b:s5+s15], $0x40, s20, s15, $0xb8;
	[tilespmem:$0x16E00] =	vst v63  }
0x1f: {  	s18 =	simm.s32 $0x180  }
0x20: {  	[tilespmem:s21], [sflag:$0x4] =	stream.indirect.gather [hbm4b:s5+s15], $0x40, s18, s15, $0xb8;
	[tilespmem:$0x16E00] =	vst v63  }
0x21: {  	_ =	swait.ge [sflag:s22], $0x2800  }
0x22: {  	[sflag:s22] =	ssyncset.done $0x0  }
0x23: {  	[sflag:s22] =	ssyncadd.s32 $0xFFFFD800  }
0x24: {  	_ =	swait.ge [sflag:s23], $0x13C0  }
0x25: {  	[sflag:s23] =	ssyncset.done $0x0  }
0x26: {  	[sflag:s23] =	ssyncadd.s32 $0xFFFFEC40  }
0x27: {  	[bflag:$0x0] =	sbarrier.arrive $0xFFFF  }
0x28: {  	_ =	swait.ge [sflag:s24], $0x2000  }
0x29: {  	[sflag:s24] =	ssyncset.done $0x0  }
0x2a: {  	s20 =	simm.s32 $0x2800;
	[sflag:s24] =	ssyncadd.s32 $0xFFFFE000  }
0x2b: {  	[spmem:s3] =	stream.indirect.scatter.add.f32 [tilespmem:s16], [sflag:$0x8], $0x40, s20, s15, $0xb8;
	[tilespmem:$0x16E00] =	vst v63  }
0x2c: {  	_ =	swait.ge [sflag:s25], $0x2000  }
0x2d: {  	[sflag:s25] =	ssyncset.done $0x0  }
0x2e: {  	s18 =	simm.s32 $0x200;
	[sflag:s25] =	ssyncadd.s32 $0xFFFFE000  }
0x2f: {  	[tilespmem:s16], [sflag:$0x1] =	stream.indirect.gather [hbm4b:s5+s15], $0x40, s18, s15, $0xb8;
	[tilespmem:$0x16E00] =	vst v63  }
0x30: {  	_ =	swait.ge [sflag:s26], $0x2000  }
0x31: {  	[sflag:s26] =	ssyncset.done $0x0  }
0x32: {  	s20 =	simm.s32 $0x2880;
	[sflag:s26] =	ssyncadd.s32 $0xFFFFE000  }
0x33: {  	[spmem:s3] =	stream.indirect.scatter.add.f32 [tilespmem:s17], [sflag:$0x8], $0x40, s20, s15, $0xb8;
	[tilespmem:$0x16E00] =	vst v63  }
0x34: {  	_ =	swait.ge [sflag:s25], $0x2000  }
0x35: {  	[sflag:s25] =	ssyncset.done $0x0  }
0x36: {  	s18 =	simm.s32 $0x280;
	[sflag:s25] =	ssyncadd.s32 $0xFFFFE000  }
0x37: {  	[tilespmem:s17], [sflag:$0x2] =	stream.indirect.gather [hbm4b:s5+s15], $0x40, s18, s15, $0xb8;
	[tilespmem:$0x16E00] =	vst v63  }
0x38: {  	_ =	swait.ge [sflag:s28], $0x2000  }
0x39: {  	[sflag:s28] =	ssyncset.done $0x0  }
0x3a: {  	s20 =	simm.s32 $0x2900;
	[sflag:s28] =	ssyncadd.s32 $0xFFFFE000  }
0x3b: {  	[spmem:s3] =	stream.indirect.scatter.add.f32 [tilespmem:s19], [sflag:$0x8], $0x40, s20, s15, $0xb8;
	[tilespmem:$0x16E00] =	vst v63  }
0x3c: {  	_ =	swait.ge [sflag:s25], $0x2000  }
0x3d: {  	[sflag:s25] =	ssyncset.done $0x0  }
0x3e: {  	s18 =	simm.s32 $0x300;
	[sflag:s25] =	ssyncadd.s32 $0xFFFFE000  }
0x3f: {  	[tilespmem:s19], [sflag:$0x3] =	stream.indirect.gather [hbm4b:s5+s15], $0x40, s18, s15, $0xb8;
	[tilespmem:$0x16E00] =	vst v63  }
0x40: {  	_ =	swait.ge [sflag:s29], $0x2000  }
0x41: {  	[sflag:s29] =	ssyncset.done $0x0  }
0x42: {  	s20 =	simm.s32 $0x2980;
	[sflag:s29] =	ssyncadd.s32 $0xFFFFE000  }
0x43: {  	[spmem:s3] =	stream.indirect.scatter.add.f32 [tilespmem:s21], [sflag:$0x8], $0x40, s20, s15, $0xb8;
	[tilespmem:$0x16E00] =	vst v63  }
0x44: {  	_ =	swait.ge [sflag:s25], $0x2000  }
0x45: {  	[sflag:s25] =	ssyncset.done $0x0  }
0x46: {  	s13 =	simm.s32 $0x800;
	s18 =	simm.s32 $0x380;
	[sflag:s25] =	ssyncadd.s32 $0xFFFFE000  }
.LBB2_2:
0x47: {  	[tilespmem:s21], [sflag:$0x4] =	stream.indirect.gather [hbm4b:s5+s15], $0x40, s18, s15, $0xb8;
	[tilespmem:$0x16E00] =	vst v63  }
0x48: {  	s18 =	smov.u32 s13  }
0x49: {  	p0 =	sne.s32 s13, $0x9000;
	s13 =	sadd.s32 $0x800, s13;
	_ =	swait.ge [sflag:s24], $0x2000  }
0x4a: {  	s18 =	sshra.s32 s18, $0x2;
	[sflag:s24] =	ssyncset.done $0x0  }
0x4b: {  	s20 =	sadd.s32 $0x2800, s18;
	[sflag:s24] =	ssyncadd.s32 $0xFFFFE000  }
0x4c: {  	[spmem:s3] =	stream.indirect.scatter.add.f32 [tilespmem:s16], [sflag:$0x8], $0x40, s20, s15, $0xb8;
	[tilespmem:$0x16E00] =	vst v63  }
0x4d: {  	_ =	swait.ge [sflag:s25], $0x2000  }
0x4e: {  	[sflag:s25] =	ssyncset.done $0x0  }
0x4f: {  	s20 =	sadd.s32 $0x200, s18;
	[sflag:s25] =	ssyncadd.s32 $0xFFFFE000  }
0x50: {  	[tilespmem:s16], [sflag:$0x1] =	stream.indirect.gather [hbm4b:s5+s15], $0x40, s20, s15, $0xb8;
	[tilespmem:$0x16E00] =	vst v63  }
0x51: {  	_ =	swait.ge [sflag:s26], $0x2000  }
0x52: {  	[sflag:s26] =	ssyncset.done $0x0  }
0x53: {  	s20 =	sadd.s32 $0x2880, s18;
	[sflag:s26] =	ssyncadd.s32 $0xFFFFE000  }
0x54: {  	[spmem:s3] =	stream.indirect.scatter.add.f32 [tilespmem:s17], [sflag:$0x8], $0x40, s20, s15, $0xb8;
	[tilespmem:$0x16E00] =	vst v63  }
0x55: {  	_ =	swait.ge [sflag:s25], $0x2000  }
0x56: {  	[sflag:s25] =	ssyncset.done $0x0  }
0x57: {  	s20 =	sadd.s32 $0x280, s18;
	[sflag:s25] =	ssyncadd.s32 $0xFFFFE000  }
0x58: {  	[tilespmem:s17], [sflag:$0x2] =	stream.indirect.gather [hbm4b:s5+s15], $0x40, s20, s15, $0xb8;
	[tilespmem:$0x16E00] =	vst v63  }
0x59: {  	_ =	swait.ge [sflag:s28], $0x2000  }
0x5a: {  	[sflag:s28] =	ssyncset.done $0x0  }
0x5b: {  	s20 =	sadd.s32 $0x2900, s18;
	[sflag:s28] =	ssyncadd.s32 $0xFFFFE000  }
0x5c: {  	[spmem:s3] =	stream.indirect.scatter.add.f32 [tilespmem:s19], [sflag:$0x8], $0x40, s20, s15, $0xb8;
	[tilespmem:$0x16E00] =	vst v63  }
0x5d: {  	_ =	swait.ge [sflag:s25], $0x2000  }
0x5e: {  	[sflag:s25] =	ssyncset.done $0x0  }
0x5f: {  	s20 =	sadd.s32 $0x300, s18;
	[sflag:s25] =	ssyncadd.s32 $0xFFFFE000  }
0x60: {  	[tilespmem:s19], [sflag:$0x3] =	stream.indirect.gather [hbm4b:s5+s15], $0x40, s20, s15, $0xb8;
	[tilespmem:$0x16E00] =	vst v63  }
0x61: {  	_ =	swait.ge [sflag:s29], $0x2000  }
0x62: {  	[sflag:s29] =	ssyncset.done $0x0  }
.Ltmp0:
0x63: {  	s20 =	sadd.s32 $0x2980, s18;
	[sflag:s29] =	ssyncadd.s32 $0xFFFFE000;
	(pc) =	sbr.rel @p0 .LBB2_2-.Ltmp0, $4  }
0x64: {  	[spmem:s3] =	stream.indirect.scatter.add.f32 [tilespmem:s21], [sflag:$0x8], $0x40, s20, s15, $0xb8;
	[tilespmem:$0x16E00] =	vst v63  }
0x65: {  	_ =	swait.ge [sflag:s25], $0x2000  }
0x66: {  	[sflag:s25] =	ssyncset.done $0x0  }
0x67: {  	s18 =	sadd.s32 $0x380, s18;
	[sflag:s25] =	ssyncadd.s32 $0xFFFFE000  }
0x68: {  	[tilespmem:s21], [sflag:$0x4] =	stream.indirect.gather [hbm4b:s5+s15], $0x40, s18, s15, $0xb8;
	[tilespmem:$0x16E00] =	vst v63  }
0x69: {  	_ =	swait.ge [sflag:s24], $0x2000  }
0x6a: {  	[sflag:s24] =	ssyncset.done $0x0  }
0x6b: {  	[sflag:s24] =	ssyncadd.s32 $0xFFFFE000  }
0x6c: {  	[spmem:s3] =	stream.indirect.scatter.add.f32 [tilespmem:s16], [sflag:$0x8], $0x40, s30, s15, $0xb8;
	[tilespmem:$0x16E00] =	vst v63  }
0x6d: {  	_ =	swait.ge [sflag:s25], $0x2000  }
0x6e: {  	[sflag:s25] =	ssyncset.done $0x0  }
0x6f: {  	[sflag:s25] =	ssyncadd.s32 $0xFFFFE000  }
0x70: {  	_ =	swait.ge [sflag:s26], $0x2000  }
0x71: {  	[sflag:s26] =	ssyncset.done $0x0  }
0x72: {  	[sflag:s26] =	ssyncadd.s32 $0xFFFFE000  }
0x73: {  	[spmem:s3] =	stream.indirect.scatter.add.f32 [tilespmem:s17], [sflag:$0x8], $0x40, s31, s15, $0xb8;
	[tilespmem:$0x16E00] =	vst v63  }
0x74: {  	_ =	swait.ge [sflag:s25], $0x2000  }
0x75: {  	[sflag:s25] =	ssyncset.done $0x0  }
0x76: {  	[sflag:s25] =	ssyncadd.s32 $0xFFFFE000  }
0x77: {  	_ =	swait.ge [sflag:s28], $0x2000  }
0x78: {  	[sflag:s28] =	ssyncset.done $0x0  }
0x79: {  	[sflag:s28] =	ssyncadd.s32 $0xFFFFE000  }
0x7a: {  	[spmem:s3] =	stream.indirect.scatter.add.f32 [tilespmem:s19], [sflag:$0x8], $0x40, s0, s15, $0xb8;
	[tilespmem:$0x16E00] =	vst v63  }
0x7b: {  	_ =	swait.ge [sflag:s25], $0x2000  }
0x7c: {  	[sflag:s25] =	ssyncset.done $0x0  }
0x7d: {  	[sflag:s25] =	ssyncadd.s32 $0xFFFFE000  }
0x7e: {  	_ =	swait.ge [sflag:s29], $0x2000  }
0x7f: {  	[sflag:s29] =	ssyncset.done $0x0  }
0x80: {  	[sflag:s29] =	ssyncadd.s32 $0xFFFFE000  }
0x81: {  	[spmem:s3] =	stream.indirect.scatter.add.f32 [tilespmem:s21], [sflag:$0x8], $0x40, s1, s15, $0xb8;
	[tilespmem:$0x16E00] =	vst v63  }
0x82: {  	_ =	swait.ge [sflag:s25], $0x2000  }
0x83: {  	s2 =	sadd.s32 $0x1, s2;
	[sflag:s25] =	ssyncset.done $0x0  }
0x84: {  	p0 =	sne.s32 s2, s11;
	[sflag:s25] =	ssyncadd.s32 $0xFFFFE000  }
.Ltmp1:
0x85: {  	s13 =	sor.u32 $0x1C08, s6;
	[bflag:$0x0] =	sbarrier.arrive $0xFFFF;
	(pc) =	sbr.rel @p0 .LBB2_1-.Ltmp1, $4  }
0x86: {  	[hbm:s10], [sflag:s13] =	dma.local [spmem:s12], $0x13C0  }
0x87: {  	_ =	swait.ge [sflag:s25], $0x13C0  }
0x88: {  	[sflag:s25] =	ssyncset.done $0x0  }
0x89: {  	[sflag:s25] =	ssyncadd.s32 $0xFFFFEC40  }
0x8a: {  	_ =	sfence.sel $0x180000  }
0x8b: {  	[bflag:$0x0] =	sbarrier.arrive $0xFFFF  }
0x8c: {  	_ =	strace $0x9000004A  }
0x8d: {  	s0 =	stileid.u32;
	[bflag:$0x2] =	sbarrier.arrive $0xFFFF  }
0x8e: {  	p0 =	sne.s32 s0, $0x0;
	s0 =	rddreg [dreg:$0x3]  }
0x8f: {  	s0 =	sadd.s32 @!p0 $0x100000, s0  }
0x90: {  	[sflag:s0] =	ssyncadd.tile.s32 @!p0 $0x1;
	_ =	shalt  }
.Lfunc_end2:
_tile_overlayer_lowered:
.L_overlay_start_2:
0x91: {  	(tag) =	ssettag $0x2  }
0x92: {  	s0 =	rddreg [dreg:$0x0];
	s2 =	stileid.u32  }
0x93: {  	s1 =	rddreg [dreg:$0x1];
	p0 =	sne.s32 s2, $0x0  }
0x94: {  	s3 =	rddreg [dreg:$0x2];
	[bflag:$0x3] =	sbarrier.arrive $0xFFFF;
	s2 =	simm.s32 @!p0 $0x1C08  }
0x95: {  	[timem:s3], [sflag:s2] =	dma.local @!p0 [hbm:s0], s1  }
0x96: {  	s0 =	simm.s32 @!p0 $0x8  }
0x97: {  	_ =	swait.ge @!p0 [sflag:s0], s1  }
0x98: {  	s1 =	ssub.s32 @!p0 $0x0, s1;
	[sflag:s0] =	ssyncset.done @!p0 $0x0  }
0x99: {  	[sflag:s0] =	ssyncadd.s32 @!p0 s1  }
0x9a: {  	[bflag:$0x3] =	sbarrier.arrive $0xFFFF  }
0x9b: {  	_ =	shalt  }

// kernel: _run.16.cloned.1.call-start
scs
__scs_entry_jumppad:
0x0: {  	(pc) =	sbr.rel $0x88, $3  }
0x1: {  	(tag) =	ssettag $0x0;
	lr =	simm.s32 $0x1  }
0x2: {  	[smem:$0x3F8B] =	sst lr;
	_ =	strace $0xD0000000  }
0x3: {  	_ = 	snop  }
0x4: {  	_ = 	snop  }
0x5: {  	_ = 	snop  }
0x6: {  	_ = 	snop  }
0x7: {  	_ = 	snop  }
__scs_overlays_trampoline_lowered:
0x8: {  	[smem:$0x3F9A] =	sst s0  }
0x9: {  	[smem:$0x3F9B] =	sst s1  }
0xa: {  	[smem:$0x3F9C] =	sst s2  }
0xb: {  	[smem:$0x3F9D] =	sst s3  }
0xc: {  	[smem:$0x3F9E] =	sst s4  }
0xd: {  	[smem:$0x3F9F] =	sst s5  }
0xe: {  	[smem:$0x3FA0] =	sst s6  }
0xf: {  	[smem:$0x3FA1] =	sst s7  }
0x10: {  	[smem:$0x3FA2] =	sst s8  }
0x11: {  	[smem:$0x3FA3] =	sst s9;
	s0 =	simm.s32 @!p0 $0x0  }
0x12: {  	s1 =	sld [smem:$0x3F89];
	s0 =	simm.s32 @p0 $0x1  }
0x13: {  	[smem:$0x3FA4] =	sst s0;
	s0 =	simm.s32 @!p1 $0x0  }
0x14: {  	s2 =	sld [smem:$0x3F88];
	s0 =	simm.s32 @p1 $0x1  }
0x15: {  	[smem:$0x3FA5] =	sst s0;
	s0 =	simm.s32 @!p2 $0x0  }
0x16: {  	s3 =	sld [smem:$0x3FDB];
	s0 =	simm.s32 @p2 $0x1  }
0x17: {  	s4 =	simm.s32 $0x1BF5;
	[smem:$0x3FA7] =	sst s0  }
0x18: {  	s0 =	sld [smem:$0x3F8A];
	_ =	swait.ge [sflag:s4], $0x0  }
0x19: {  	s7 =	sld [smem:$0x3F8B]  }
0x1a: {  	s8 =	sadd.s32 $0xFFFFE003, lr  }
0x1b: {  	s9 =	sadd.s32 $0xFFFFFEF7, lr;
	s5 =	simm.s32 $0xFFFFFFFF;
	p2 =	slt.u32 s8, $0xFFFFF086  }
0x1c: {  	p1 =	slt.u32 s9, $0xF7A;
	s5 =	simm.s32 @!p2 $0x0  }
0x1d: {  	s5 =	simm.s32 @p1 $0x1;
	p0 =	seq.s32 s7, s2  }
0x1e: {  	s7 =	smul.u32 @!p0 $0xF7A, s2;
	p2 =	seq.s32 @!p0 s5, $0x0  }
0x1f: {  	s9 =	smul.u32 $0xF7A, s1;
	s8 =	simm.s32 @!p0 $0x1BF5;
	p2 =	por !p2, p0  }
0x20: {  	[sflag:s8] =	ssyncset.s32 @!p0 $0xFFFFF086;
	s6 =	sadd.s32 @!p0 s3, s7;
	s7 =	simm.s32 @!p0 $0x108  }
0x21: {  	s3 =	sadd.s32 s3, s9;
	s6 =	sadd.s32 @!p0 $0x88, s6;
	s7 =	simm.s32 @p2 $0x1082  }
0x22: {  	[simem:s7], [sflag:s8] =	dma.local @!p0 [hbm:s6], $0xF7A  }
0x23: {  	s9 =	sor.u32 $0xD0000000, s2;
	s6 =	simm.s32 $0x108;
	_ =	swait.ge @!p0 [sflag:s8], $0x0  }
0x24: {  	s3 =	sadd.s32 $0x88, s3;
	s6 =	simm.s32 @!p1 $0x1082;
	[sflag:s4] =	ssyncset.s32 $0xFFFFF086  }
0x25: {  	[simem:s6], [sflag:s4] =	dma.local [hbm:s3], $0xF7A  }
0x26: {  	[smem:$0x3F8B] =	sst s1;
	(tag) =	ssettag s2;
	_ =	strace s9  }
0x27: {  	s1 =	sld [smem:$0x3F9B]  }
0x28: {  	s2 =	sld [smem:$0x3F9C]  }
0x29: {  	s4 =	sld [smem:$0x3F9E]  }
0x2a: {  	p0 =	seq.s32 s5, $0x0;
	s5 =	sld [smem:$0x3F9F]  }
0x2b: {  	s6 =	sld [smem:$0x3FA0]  }
0x2c: {  	s7 =	sld [smem:$0x3FA1]  }
0x2d: {  	s3 =	simm.s32 $0x108;
	s8 =	sld [smem:$0x3FA2]  }
0x2e: {  	s3 =	simm.s32 @!p0 $0x1082;
	s9 =	sld [smem:$0x3FA3]  }
0x2f: {  	lr =	sadd.s32 s0, s3;
	s0 =	sld [smem:$0x3F9A]  }
0x30: {  	s3 =	sld [smem:$0x3F9D]  }
0x31: {  	[smem:$0x3FA6] =	sst s10  }
0x32: {  	s10 =	sld [smem:$0x3FA4];
	_ =	sdelay $0x3  }
0x33: {  	p0 =	seq.s32 s10, $0x1;
	s10 =	sld [smem:$0x3FA6];
	_ =	sdelay $0x3  }
0x34: {  	[smem:$0x3FA6] =	sst s10  }
0x35: {  	s10 =	sld [smem:$0x3FA5];
	_ =	sdelay $0x3  }
0x36: {  	p1 =	seq.s32 s10, $0x1;
	s10 =	sld [smem:$0x3FA6];
	_ =	sdelay $0x3  }
0x37: {  	[smem:$0x3FA6] =	sst s10  }
0x38: {  	s10 =	sld [smem:$0x3FA7]  }
0x39: {  	_ = 	snop;
	(pc) =	sbr.ind lr, $3  }
0x3a: {  	_ = 	snop  }
0x3b: {  	_ = 	snop  }
0x3c: {  	p2 =	seq.s32 s10, $0x1;
	s10 =	sld [smem:$0x3FA6]  }
0x3d: {  	_ =	shalt  }
0x3e: {  	_ =	shalt  }
0x3f: {  	_ =	shalt  }
0x40: {  	_ =	shalt  }
0x41: {  	_ =	shalt  }
0x42: {  	_ =	shalt  }
0x43: {  	_ =	shalt  }
0x44: {  	_ =	shalt  }
0x45: {  	_ =	shalt  }
0x46: {  	_ =	shalt  }
0x47: {  	_ =	shalt  }
0x48: {  	_ =	shalt  }
0x49: {  	_ =	shalt  }
0x4a: {  	_ =	shalt  }
0x4b: {  	_ =	shalt  }
0x4c: {  	_ =	shalt  }
0x4d: {  	_ =	shalt  }
0x4e: {  	_ =	shalt  }
0x4f: {  	_ =	shalt  }
0x50: {  	_ =	shalt  }
0x51: {  	_ =	shalt  }
0x52: {  	_ =	shalt  }
0x53: {  	_ =	shalt  }
0x54: {  	_ =	shalt  }
0x55: {  	_ =	shalt  }
0x56: {  	_ =	shalt  }
0x57: {  	_ =	shalt  }
0x58: {  	_ =	shalt  }
0x59: {  	_ =	shalt  }
0x5a: {  	_ =	shalt  }
0x5b: {  	_ =	shalt  }
0x5c: {  	_ =	shalt  }
0x5d: {  	_ =	shalt  }
0x5e: {  	_ =	shalt  }
0x5f: {  	_ =	shalt  }
0x60: {  	_ =	shalt  }
0x61: {  	_ =	shalt  }
0x62: {  	_ =	shalt  }
0x63: {  	_ =	shalt  }
0x64: {  	_ =	shalt  }
0x65: {  	_ =	shalt  }
0x66: {  	_ =	shalt  }
0x67: {  	_ =	shalt  }
0x68: {  	_ =	shalt  }
0x69: {  	_ =	shalt  }
0x6a: {  	_ =	shalt  }
0x6b: {  	_ =	shalt  }
0x6c: {  	_ =	shalt  }
0x6d: {  	_ =	shalt  }
0x6e: {  	_ =	shalt  }
0x6f: {  	_ =	shalt  }
0x70: {  	_ =	shalt  }
0x71: {  	_ =	shalt  }
0x72: {  	_ =	shalt  }
0x73: {  	_ =	shalt  }
0x74: {  	_ =	shalt  }
0x75: {  	_ =	shalt  }
0x76: {  	_ =	shalt  }
0x77: {  	_ =	shalt  }
0x78: {  	_ =	shalt  }
0x79: {  	_ =	shalt  }
0x7a: {  	_ =	shalt  }
0x7b: {  	_ =	shalt  }
0x7c: {  	_ =	shalt  }
0x7d: {  	_ =	shalt  }
0x7e: {  	_ =	shalt  }
0x7f: {  	_ =	shalt  }
0x80: {  	_ =	shalt  }
0x81: {  	_ =	shalt  }
0x82: {  	_ =	shalt  }
0x83: {  	_ =	shalt  }
0x84: {  	_ =	shalt  }
0x85: {  	_ =	shalt  }
0x86: {  	_ =	shalt  }
0x87: {  	_ =	shalt  }
.Lfunc_end0:
.L_simem_size_0:
called_computation.2_lowered:
.L_overlay_start_0:
0x88: {  	s2 =	sld [smem:$0x3FD9]  }
0x89: {  	s3 =	sld [smem:$0x3FFE];
	_ =	sdelay $0x1  }
0x8a: {  	s1 =	srdreg.scid  }
0x8b: {  	s0 =	sand.u32 $0x1, s1  }
0x8c: {  	s14 =	sshll.u32 s0, $0xA;
	s2 =	sadd.s32 s3, s2  }
0x8d: {  	s2 =	sadd.s32 s2, s14  }
0x8e: {  	[smem:$0x3FB2] =	sst s2  }
0x8f: {  	_ = 	snop  }
0x90: {  	s2 =	sld [smem:$0x3FD0];
	_ =	sdelay $0x2  }
0x91: {  	s15 =	simm.s32 $0xA;
	s4 =	simm.s32 $0x10  }
0x92: {  	[smem:s4], [sflag:s15] =	dma.local [hbm:s2], $0x1  }
0x93: {  	_ =	swait.eq [sflag:s15], $0x1  }
0x94: {  	[sflag:s15] =	ssyncset.done $0x0  }
0x95: {  	[sflag:s15] =	ssyncadd.s32 $0xFFFFFFFF  }
0x96: {  	s16 =	sld [smem:$0x11];
	(tm) =	ssettm $0x1  }
0x97: {  	s17 =	sld [smem:$0x3FFB];
	_ =	sdelay $0x3  }
0x98: {  	_ =	strace s17  }
0x99: {  	s3 =	sld [smem:$0x3FFC];
	_ =	sdelay $0x3  }
0x9a: {  	_ =	strace s3  }
0x9b: {  	s3 =	sld [smem:$0x3FFD];
	_ =	sdelay $0x3  }
0x9c: {  	_ =	strace s3  }
0x9d: {  	_ =	strace $0x8FFFFFFF  }
0x9e: {  	s18 =	sld [smem:$0x3FDB];
	_ =	sdelay $0x1  }
0x9f: {  	s19 =	simm.s32 $_scs_section_size  }
0xa0: {  	s5 =	simm.s32 $_size__tile_overlayer_lowered;
	s6 =	simm.s32 $_tile_overlayer_lowered  }
0xa1: {  	s22 =	simm.s32 $0x1BFF;
	s21 =	sshll.u32 s6, $0x1;
	s3 =	sadd.s32 s19, s18  }
0xa2: {  	s7 =	simm.s32 $0x0;
	s20 =	sshll.u32 s5, $0x1;
	s5 =	sadd.s32 s21, s3  }
0xa3: {  	[timem:s7], [sflag:s22] =	dma.local [hbm:s5], s20  }
0xa4: {  	_ =	swait.ge [sflag:s22], s20  }
0xa5: {  	s4 =	ssub.s32 $0x0, s20;
	[sflag:s22] =	ssyncset.done $0x0  }
0xa6: {  	[sflag:s22] =	ssyncadd.s32 s4;
	_ =	sdelay $0x1  }
0xa7: {  	s23 =	simm.s32 $0x1B8B  }
0xa8: {  	_ =	swait.ge [sflag:s23], $0x1  }
0xa9: {  	[sflag:s23] =	ssyncset.done $0x0  }
0xaa: {  	s25 =	simm.s32 $0x1B8E;
	s24 =	sld [smem:$0x3FFE];
	[sflag:s23] =	ssyncadd.s32 $0xFFFFFFFF  }
0xab: {  	s26 =	simm.s32 $execute0_lowered;
	[smem:$0x3FD2] =	sst s25  }
0xac: {  	s5 =	sshll.u32 s26, $0x1;
	_ =	strace $0x8000004C;
	[dreg:$0x1] =	wrdreg $0xFFFFFFFF  }
0xad: {  	s28 =	simm.s32 $_size_execute0_lowered;
	s3 =	sadd.s32 s3, s5;
	[dreg:$0x0] =	wrdreg $0x0  }
0xae: {  	s5 =	sshll.u32 s28, $0x1;
	[dreg:$0x2] =	wrdreg s3  }
0xaf: {  	[dreg:$0x3] =	wrdreg s5  }
0xb0: {  	[dreg:$0x4] =	wrdreg $0xC0  }
0xb1: {  	_ =	task [dreg:s7], $0x5FFFF  }
0xb2: {  	[dreg:$0x1] =	wrdreg $0xFFFFFFFF  }
0xb3: {  	[dreg:$0x0] =	wrdreg $0x60  }
0xb4: {  	[dreg:$0x2] =	wrdreg s24  }
0xb5: {  	[dreg:$0x3] =	wrdreg s16  }
0xb6: {  	[dreg:$0x4] =	wrdreg $0xD0000  }
0xb7: {  	[dreg:$0x5] =	wrdreg $0x9  }
0xb8: {  	_ =	task.clear_ibuf [dreg:s7], $0x6FFFF;
	_ =	strace $0x9000004C  }
0xb9: {  	s29 =	simm.s32 $0x9;
	_ =	strace $0x8000004E  }
0xba: {  	_ =	swait.ge [sflag:s29], $0x1  }
0xbb: {  	[sflag:s29] =	ssyncadd.s32 $0xFFFFFFFF  }
0xbc: {  	_ =	strace $0x9000004E  }
0xbd: {  	_ =	sfence  }
0xbe: {  	s30 =	sld [smem:$0x0];
	_ =	sdelay $0x2  }
0xbf: {  	s31 =	sshll.u32 s1, $0xD;
	s1 =	sshrl.u32 s1, $0x2  }
0xc0: {  	s3 =	sand.u32 $0x4000, s31;
	s1 =	sadd.s32 s1, s30  }
0xc1: {  	s0 =	sor.u32 s3, s0;
	s1 =	sshll.u32 s1, $0x11  }
0xc2: {  	s0 =	sor.u32 s1, s0  }
0xc3: {  	s0 =	sadd.s32 $0x8F2B, s0  }
0xc4: {  	[sflag:s0] =	ssyncadd.remote.s32 $0x1  }
0xc5: {  	_ =	sfence.sel $0xFFFF  }
0xc6: {  	[dreg:$0x0] =	wrdreg $0xFFFFFFFF;
	(pc) =	sbr.abs _section_cstart, $3  }
0xc7: {  	[dreg:$0x1] =	wrdreg $0xFFFFFFFF  }
0xc8: {  	_ =	task.clear_ibuf [dreg:s7], $0x2FFFF;
	_ =	strace $0x9FFFFFFF  }
0xc9: {  	(tm) =	ssettm $0x7FFFFFFF  }
tec
execute0_lowered:
.L_overlay_start_1:
0x0: {  	(tag) =	ssettag $0x1  }
0x1: {  	s0 =	rddreg [dreg:$0x0]  }
0x2: {  	s3 =	rddreg [dreg:$0x2]  }
0x3: {  	s1 =	srdreg.scid;
	s8 =	stileid.u32;
	s4 =	simm.s32 $0x0  }
0x4: {  	s14 =	simm.s32 $0x6;
	s15 =	simm.s32 $0x80;
	s16 =	simm.s32 $0x5000  }
0x5: {  	s17 =	simm.s32 $0x7000;
	s19 =	simm.s32 $0x9000;
	s21 =	simm.s32 $0xB000  }
0x6: {  	s22 =	simm.s32 $0x7;
	s23 =	simm.s32 $0x5;
	s24 =	simm.s32 $0x1  }
0x7: {  	s25 =	simm.s32 $0x8;
	s28 =	simm.s32 $0x3;
	s29 =	simm.s32 $0x4  }
0x8: {  	s30 =	simm.s32 $0x4E00;
	s31 =	simm.s32 $0x4E80;
	s1 =	sand.u32 $0x1, s1  }
0x9: {  	s2 =	smul.u32 $0x9E00, s8;
	s5 =	sshll.u32 s8, $0x1;
	[smem:$0x7FF] =	sst s4  }
0xa: {  	s6 =	smul.u32 $0x9E000, s1;
	s5 =	sor.u32 s1, s5;
	s1 =	ssub.s32 $0x2, s1  }
0xb: {  	_ =	strace $0x8000004D;
	s7 =	smul.u32 $0x500, s5;
	s26 =	sshrl.u32 s1, $0x1  }
0xc: {  	s5 =	sadd.s32 $0x18200, s0;
	s6 =	sadd.s32 s2, s6;
	s1 =	ssub.s32 s1, s26  }
0xd: {  	s2 =	sadd.s32 s2, s3;
	s26 =	simm.s32 $0x2;
	s6 =	sshrl.u32 s6, $0x3  }
0xe: {  	s9 =	sadd.s32 s7, s0;
	s11 =	smax.u32 s1, $0x1;
	s12 =	sshrl.u32 s2, $0x3  }
0xf: {  	s1 =	simm.s32 $0x4F80;
	s2 =	simm.s32 $0x0;
	s0 =	sadd.s32 s6, s0  }
0x10: {  	s6 =	sshll.u32 s8, $0x6;
	s8 =	sadd.s32 $0x4200, s9;
	s9 =	sadd.s32 $0xE200, s9  }
0x11: {  	s7 =	sor.u32 $0x1C05, s6;
	s10 =	sadd.s32 $0x2BE00, s0;
	s0 =	simm.s32 $0x4F00  }
.LBB2_1:
0x12: {  	s13 =	rddreg [dreg:$0x1]  }
0x13: {  	[spmem:s12], [sflag:s7] =	dma.local [hbm:s13], $0x13C0  }
0x14: {  	[tilespmem:s4], [sflag:$0x6] =	stream.linear.gather [hbm4b:s8+s4], $0x2800, $0x38;
	[tilespmem:$0x16E00] =	vst v63  }
0x15: {  	s18 =	simm.s32 $0x2800  }
0x16: {  	[tilespmem:s18], [sflag:$0x7] =	stream.linear.gather [hbm4b:s9+s4], $0x2800, $0x38;
	[tilespmem:$0x16E00] =	vst v63  }
0x17: {  	_ =	swait.ge [sflag:s14], $0x2800  }
0x18: {  	[sflag:s14] =	ssyncset.done $0x0  }
0x19: {  	[sflag:s14] =	ssyncadd.s32 $0xFFFFD800  }
0x1a: {  	[tilespmem:s16], [sflag:$0x1] =	stream.indirect.gather [hbm4b:s5+s15], $0x40, s4, s15, $0xb8;
	[tilespmem:$0x16E00] =	vst v63  }
0x1b: {  	_ = 	snop  }
0x1c: {  	[tilespmem:s17], [sflag:$0x2] =	stream.indirect.gather [hbm4b:s5+s15], $0x40, s15, s15, $0xb8;
	[tilespmem:$0x16E00] =	vst v63  }
0x1d: {  	s20 =	simm.s32 $0x100  }
0x1e: {  	[tilespmem:s19], [sflag:$0x3] =	stream.indirect.gather [hbm4b:s5+s15], $0x40, s20, s15, $0xb8;
	[tilespmem:$0x16E00] =	vst v63  }
0x1f: {  	s18 =	simm.s32 $0x180  }
0x20: {  	[tilespmem:s21], [sflag:$0x4] =	stream.indirect.gather [hbm4b:s5+s15], $0x40, s18, s15, $0xb8;
	[tilespmem:$0x16E00] =	vst v63  }
0x21: {  	_ =	swait.ge [sflag:s22], $0x2800  }
0x22: {  	[sflag:s22] =	ssyncset.done $0x0  }
0x23: {  	[sflag:s22] =	ssyncadd.s32 $0xFFFFD800  }
0x24: {  	_ =	swait.ge [sflag:s23], $0x13C0  }
0x25: {  	[sflag:s23] =	ssyncset.done $0x0  }
0x26: {  	[sflag:s23] =	ssyncadd.s32 $0xFFFFEC40  }
0x27: {  	[bflag:$0x0] =	sbarrier.arrive $0xFFFF  }
0x28: {  	_ =	swait.ge [sflag:s24], $0x2000  }
0x29: {  	[sflag:s24] =	ssyncset.done $0x0  }
0x2a: {  	s20 =	simm.s32 $0x2800;
	[sflag:s24] =	ssyncadd.s32 $0xFFFFE000  }
0x2b: {  	[spmem:s3] =	stream.indirect.scatter.add.f32 [tilespmem:s16], [sflag:$0x8], $0x40, s20, s15, $0xb8;
	[tilespmem:$0x16E00] =	vst v63  }
0x2c: {  	_ =	swait.ge [sflag:s25], $0x2000  }
0x2d: {  	[sflag:s25] =	ssyncset.done $0x0  }
0x2e: {  	s18 =	simm.s32 $0x200;
	[sflag:s25] =	ssyncadd.s32 $0xFFFFE000  }
0x2f: {  	[tilespmem:s16], [sflag:$0x1] =	stream.indirect.gather [hbm4b:s5+s15], $0x40, s18, s15, $0xb8;
	[tilespmem:$0x16E00] =	vst v63  }
0x30: {  	_ =	swait.ge [sflag:s26], $0x2000  }
0x31: {  	[sflag:s26] =	ssyncset.done $0x0  }
0x32: {  	s20 =	simm.s32 $0x2880;
	[sflag:s26] =	ssyncadd.s32 $0xFFFFE000  }
0x33: {  	[spmem:s3] =	stream.indirect.scatter.add.f32 [tilespmem:s17], [sflag:$0x8], $0x40, s20, s15, $0xb8;
	[tilespmem:$0x16E00] =	vst v63  }
0x34: {  	_ =	swait.ge [sflag:s25], $0x2000  }
0x35: {  	[sflag:s25] =	ssyncset.done $0x0  }
0x36: {  	s18 =	simm.s32 $0x280;
	[sflag:s25] =	ssyncadd.s32 $0xFFFFE000  }
0x37: {  	[tilespmem:s17], [sflag:$0x2] =	stream.indirect.gather [hbm4b:s5+s15], $0x40, s18, s15, $0xb8;
	[tilespmem:$0x16E00] =	vst v63  }
0x38: {  	_ =	swait.ge [sflag:s28], $0x2000  }
0x39: {  	[sflag:s28] =	ssyncset.done $0x0  }
0x3a: {  	s20 =	simm.s32 $0x2900;
	[sflag:s28] =	ssyncadd.s32 $0xFFFFE000  }
0x3b: {  	[spmem:s3] =	stream.indirect.scatter.add.f32 [tilespmem:s19], [sflag:$0x8], $0x40, s20, s15, $0xb8;
	[tilespmem:$0x16E00] =	vst v63  }
0x3c: {  	_ =	swait.ge [sflag:s25], $0x2000  }
0x3d: {  	[sflag:s25] =	ssyncset.done $0x0  }
0x3e: {  	s18 =	simm.s32 $0x300;
	[sflag:s25] =	ssyncadd.s32 $0xFFFFE000  }
0x3f: {  	[tilespmem:s19], [sflag:$0x3] =	stream.indirect.gather [hbm4b:s5+s15], $0x40, s18, s15, $0xb8;
	[tilespmem:$0x16E00] =	vst v63  }
0x40: {  	_ =	swait.ge [sflag:s29], $0x2000  }
0x41: {  	[sflag:s29] =	ssyncset.done $0x0  }
0x42: {  	s20 =	simm.s32 $0x2980;
	[sflag:s29] =	ssyncadd.s32 $0xFFFFE000  }
0x43: {  	[spmem:s3] =	stream.indirect.scatter.add.f32 [tilespmem:s21], [sflag:$0x8], $0x40, s20, s15, $0xb8;
	[tilespmem:$0x16E00] =	vst v63  }
0x44: {  	_ =	swait.ge [sflag:s25], $0x2000  }
0x45: {  	[sflag:s25] =	ssyncset.done $0x0  }
0x46: {  	s13 =	simm.s32 $0x800;
	s18 =	simm.s32 $0x380;
	[sflag:s25] =	ssyncadd.s32 $0xFFFFE000  }
.LBB2_2:
0x47: {  	[tilespmem:s21], [sflag:$0x4] =	stream.indirect.gather [hbm4b:s5+s15], $0x40, s18, s15, $0xb8;
	[tilespmem:$0x16E00] =	vst v63  }
0x48: {  	s18 =	smov.u32 s13  }
0x49: {  	p0 =	sne.s32 s13, $0x9000;
	s13 =	sadd.s32 $0x800, s13;
	_ =	swait.ge [sflag:s24], $0x2000  }
0x4a: {  	s18 =	sshra.s32 s18, $0x2;
	[sflag:s24] =	ssyncset.done $0x0  }
0x4b: {  	s20 =	sadd.s32 $0x2800, s18;
	[sflag:s24] =	ssyncadd.s32 $0xFFFFE000  }
0x4c: {  	[spmem:s3] =	stream.indirect.scatter.add.f32 [tilespmem:s16], [sflag:$0x8], $0x40, s20, s15, $0xb8;
	[tilespmem:$0x16E00] =	vst v63  }
0x4d: {  	_ =	swait.ge [sflag:s25], $0x2000  }
0x4e: {  	[sflag:s25] =	ssyncset.done $0x0  }
0x4f: {  	s20 =	sadd.s32 $0x200, s18;
	[sflag:s25] =	ssyncadd.s32 $0xFFFFE000  }
0x50: {  	[tilespmem:s16], [sflag:$0x1] =	stream.indirect.gather [hbm4b:s5+s15], $0x40, s20, s15, $0xb8;
	[tilespmem:$0x16E00] =	vst v63  }
0x51: {  	_ =	swait.ge [sflag:s26], $0x2000  }
0x52: {  	[sflag:s26] =	ssyncset.done $0x0  }
0x53: {  	s20 =	sadd.s32 $0x2880, s18;
	[sflag:s26] =	ssyncadd.s32 $0xFFFFE000  }
0x54: {  	[spmem:s3] =	stream.indirect.scatter.add.f32 [tilespmem:s17], [sflag:$0x8], $0x40, s20, s15, $0xb8;
	[tilespmem:$0x16E00] =	vst v63  }
0x55: {  	_ =	swait.ge [sflag:s25], $0x2000  }
0x56: {  	[sflag:s25] =	ssyncset.done $0x0  }
0x57: {  	s20 =	sadd.s32 $0x280, s18;
	[sflag:s25] =	ssyncadd.s32 $0xFFFFE000  }
0x58: {  	[tilespmem:s17], [sflag:$0x2] =	stream.indirect.gather [hbm4b:s5+s15], $0x40, s20, s15, $0xb8;
	[tilespmem:$0x16E00] =	vst v63  }
0x59: {  	_ =	swait.ge [sflag:s28], $0x2000  }
0x5a: {  	[sflag:s28] =	ssyncset.done $0x0  }
0x5b: {  	s20 =	sadd.s32 $0x2900, s18;
	[sflag:s28] =	ssyncadd.s32 $0xFFFFE000  }
0x5c: {  	[spmem:s3] =	stream.indirect.scatter.add.f32 [tilespmem:s19], [sflag:$0x8], $0x40, s20, s15, $0xb8;
	[tilespmem:$0x16E00] =	vst v63  }
0x5d: {  	_ =	swait.ge [sflag:s25], $0x2000  }
0x5e: {  	[sflag:s25] =	ssyncset.done $0x0  }
0x5f: {  	s20 =	sadd.s32 $0x300, s18;
	[sflag:s25] =	ssyncadd.s32 $0xFFFFE000  }
0x60: {  	[tilespmem:s19], [sflag:$0x3] =	stream.indirect.gather [hbm4b:s5+s15], $0x40, s20, s15, $0xb8;
	[tilespmem:$0x16E00] =	vst v63  }
0x61: {  	_ =	swait.ge [sflag:s29], $0x2000  }
0x62: {  	[sflag:s29] =	ssyncset.done $0x0  }
.Ltmp0:
0x63: {  	s20 =	sadd.s32 $0x2980, s18;
	[sflag:s29] =	ssyncadd.s32 $0xFFFFE000;
	(pc) =	sbr.rel @p0 .LBB2_2-.Ltmp0, $4  }
0x64: {  	[spmem:s3] =	stream.indirect.scatter.add.f32 [tilespmem:s21], [sflag:$0x8], $0x40, s20, s15, $0xb8;
	[tilespmem:$0x16E00] =	vst v63  }
0x65: {  	_ =	swait.ge [sflag:s25], $0x2000  }
0x66: {  	[sflag:s25] =	ssyncset.done $0x0  }
0x67: {  	s18 =	sadd.s32 $0x380, s18;
	[sflag:s25] =	ssyncadd.s32 $0xFFFFE000  }
0x68: {  	[tilespmem:s21], [sflag:$0x4] =	stream.indirect.gather [hbm4b:s5+s15], $0x40, s18, s15, $0xb8;
	[tilespmem:$0x16E00] =	vst v63  }
0x69: {  	_ =	swait.ge [sflag:s24], $0x2000  }
0x6a: {  	[sflag:s24] =	ssyncset.done $0x0  }
0x6b: {  	[sflag:s24] =	ssyncadd.s32 $0xFFFFE000  }
0x6c: {  	[spmem:s3] =	stream.indirect.scatter.add.f32 [tilespmem:s16], [sflag:$0x8], $0x40, s30, s15, $0xb8;
	[tilespmem:$0x16E00] =	vst v63  }
0x6d: {  	_ =	swait.ge [sflag:s25], $0x2000  }
0x6e: {  	[sflag:s25] =	ssyncset.done $0x0  }
0x6f: {  	[sflag:s25] =	ssyncadd.s32 $0xFFFFE000  }
0x70: {  	_ =	swait.ge [sflag:s26], $0x2000  }
0x71: {  	[sflag:s26] =	ssyncset.done $0x0  }
0x72: {  	[sflag:s26] =	ssyncadd.s32 $0xFFFFE000  }
0x73: {  	[spmem:s3] =	stream.indirect.scatter.add.f32 [tilespmem:s17], [sflag:$0x8], $0x40, s31, s15, $0xb8;
	[tilespmem:$0x16E00] =	vst v63  }
0x74: {  	_ =	swait.ge [sflag:s25], $0x2000  }
0x75: {  	[sflag:s25] =	ssyncset.done $0x0  }
0x76: {  	[sflag:s25] =	ssyncadd.s32 $0xFFFFE000  }
0x77: {  	_ =	swait.ge [sflag:s28], $0x2000  }
0x78: {  	[sflag:s28] =	ssyncset.done $0x0  }
0x79: {  	[sflag:s28] =	ssyncadd.s32 $0xFFFFE000  }
0x7a: {  	[spmem:s3] =	stream.indirect.scatter.add.f32 [tilespmem:s19], [sflag:$0x8], $0x40, s0, s15, $0xb8;
	[tilespmem:$0x16E00] =	vst v63  }
0x7b: {  	_ =	swait.ge [sflag:s25], $0x2000  }
0x7c: {  	[sflag:s25] =	ssyncset.done $0x0  }
0x7d: {  	[sflag:s25] =	ssyncadd.s32 $0xFFFFE000  }
0x7e: {  	_ =	swait.ge [sflag:s29], $0x2000  }
0x7f: {  	[sflag:s29] =	ssyncset.done $0x0  }
0x80: {  	[sflag:s29] =	ssyncadd.s32 $0xFFFFE000  }
0x81: {  	[spmem:s3] =	stream.indirect.scatter.add.f32 [tilespmem:s21], [sflag:$0x8], $0x40, s1, s15, $0xb8;
	[tilespmem:$0x16E00] =	vst v63  }
0x82: {  	_ =	swait.ge [sflag:s25], $0x2000  }
0x83: {  	s2 =	sadd.s32 $0x1, s2;
	[sflag:s25] =	ssyncset.done $0x0  }
0x84: {  	p0 =	sne.s32 s2, s11;
	[sflag:s25] =	ssyncadd.s32 $0xFFFFE000  }
.Ltmp1:
0x85: {  	s13 =	sor.u32 $0x1C08, s6;
	[bflag:$0x0] =	sbarrier.arrive $0xFFFF;
	(pc) =	sbr.rel @p0 .LBB2_1-.Ltmp1, $4  }
0x86: {  	[hbm:s10], [sflag:s13] =	dma.local [spmem:s12], $0x13C0  }
0x87: {  	_ =	swait.ge [sflag:s25], $0x13C0  }
0x88: {  	[sflag:s25] =	ssyncset.done $0x0  }
0x89: {  	[sflag:s25] =	ssyncadd.s32 $0xFFFFEC40  }
0x8a: {  	_ =	sfence.sel $0x180000  }
0x8b: {  	[bflag:$0x0] =	sbarrier.arrive $0xFFFF  }
0x8c: {  	_ =	strace $0x9000004D  }
0x8d: {  	s0 =	stileid.u32;
	[bflag:$0x2] =	sbarrier.arrive $0xFFFF  }
0x8e: {  	p0 =	sne.s32 s0, $0x0;
	s0 =	rddreg [dreg:$0x3]  }
0x8f: {  	s0 =	sadd.s32 @!p0 $0x100000, s0  }
0x90: {  	[sflag:s0] =	ssyncadd.tile.s32 @!p0 $0x1;
	_ =	shalt  }
.Lfunc_end2:
_tile_overlayer_lowered:
.L_overlay_start_2:
0x91: {  	(tag) =	ssettag $0x2  }
0x92: {  	s0 =	rddreg [dreg:$0x0];
	s2 =	stileid.u32  }
0x93: {  	s1 =	rddreg [dreg:$0x1];
	p0 =	sne.s32 s2, $0x0  }
0x94: {  	s3 =	rddreg [dreg:$0x2];
	[bflag:$0x3] =	sbarrier.arrive $0xFFFF;
	s2 =	simm.s32 @!p0 $0x1C08  }
0x95: {  	[timem:s3], [sflag:s2] =	dma.local @!p0 [hbm:s0], s1  }
0x96: {  	s0 =	simm.s32 @!p0 $0x8  }
0x97: {  	_ =	swait.ge @!p0 [sflag:s0], s1  }
0x98: {  	s1 =	ssub.s32 @!p0 $0x0, s1;
	[sflag:s0] =	ssyncset.done @!p0 $0x0  }
0x99: {  	[sflag:s0] =	ssyncadd.s32 @!p0 s1  }
0x9a: {  	[bflag:$0x3] =	sbarrier.arrive $0xFFFF  }
0x9b: {  	_ =	shalt  }

// kernel: _run.19.cloned.1.call-start
scs
__scs_entry_jumppad:
0x0: {  	(pc) =	sbr.rel $0x88, $3  }
0x1: {  	(tag) =	ssettag $0x0;
	lr =	simm.s32 $0x1  }
0x2: {  	[smem:$0x3F8B] =	sst lr;
	_ =	strace $0xD0000000  }
0x3: {  	_ = 	snop  }
0x4: {  	_ = 	snop  }
0x5: {  	_ = 	snop  }
0x6: {  	_ = 	snop  }
0x7: {  	_ = 	snop  }
__scs_overlays_trampoline_lowered:
0x8: {  	[smem:$0x3F9A] =	sst s0  }
0x9: {  	[smem:$0x3F9B] =	sst s1  }
0xa: {  	[smem:$0x3F9C] =	sst s2  }
0xb: {  	[smem:$0x3F9D] =	sst s3  }
0xc: {  	[smem:$0x3F9E] =	sst s4  }
0xd: {  	[smem:$0x3F9F] =	sst s5  }
0xe: {  	[smem:$0x3FA0] =	sst s6  }
0xf: {  	[smem:$0x3FA1] =	sst s7  }
0x10: {  	[smem:$0x3FA2] =	sst s8  }
0x11: {  	[smem:$0x3FA3] =	sst s9;
	s0 =	simm.s32 @!p0 $0x0  }
0x12: {  	s1 =	sld [smem:$0x3F89];
	s0 =	simm.s32 @p0 $0x1  }
0x13: {  	[smem:$0x3FA4] =	sst s0;
	s0 =	simm.s32 @!p1 $0x0  }
0x14: {  	s2 =	sld [smem:$0x3F88];
	s0 =	simm.s32 @p1 $0x1  }
0x15: {  	[smem:$0x3FA5] =	sst s0;
	s0 =	simm.s32 @!p2 $0x0  }
0x16: {  	s3 =	sld [smem:$0x3FDB];
	s0 =	simm.s32 @p2 $0x1  }
0x17: {  	s4 =	simm.s32 $0x1BF5;
	[smem:$0x3FA7] =	sst s0  }
0x18: {  	s0 =	sld [smem:$0x3F8A];
	_ =	swait.ge [sflag:s4], $0x0  }
0x19: {  	s7 =	sld [smem:$0x3F8B]  }
0x1a: {  	s8 =	sadd.s32 $0xFFFFE003, lr  }
0x1b: {  	s9 =	sadd.s32 $0xFFFFFEF7, lr;
	s5 =	simm.s32 $0xFFFFFFFF;
	p2 =	slt.u32 s8, $0xFFFFF086  }
0x1c: {  	p1 =	slt.u32 s9, $0xF7A;
	s5 =	simm.s32 @!p2 $0x0  }
0x1d: {  	s5 =	simm.s32 @p1 $0x1;
	p0 =	seq.s32 s7, s2  }
0x1e: {  	s7 =	smul.u32 @!p0 $0xF7A, s2;
	p2 =	seq.s32 @!p0 s5, $0x0  }
0x1f: {  	s9 =	smul.u32 $0xF7A, s1;
	s8 =	simm.s32 @!p0 $0x1BF5;
	p2 =	por !p2, p0  }
0x20: {  	[sflag:s8] =	ssyncset.s32 @!p0 $0xFFFFF086;
	s6 =	sadd.s32 @!p0 s3, s7;
	s7 =	simm.s32 @!p0 $0x108  }
0x21: {  	s3 =	sadd.s32 s3, s9;
	s6 =	sadd.s32 @!p0 $0x88, s6;
	s7 =	simm.s32 @p2 $0x1082  }
0x22: {  	[simem:s7], [sflag:s8] =	dma.local @!p0 [hbm:s6], $0xF7A  }
0x23: {  	s9 =	sor.u32 $0xD0000000, s2;
	s6 =	simm.s32 $0x108;
	_ =	swait.ge @!p0 [sflag:s8], $0x0  }
0x24: {  	s3 =	sadd.s32 $0x88, s3;
	s6 =	simm.s32 @!p1 $0x1082;
	[sflag:s4] =	ssyncset.s32 $0xFFFFF086  }
0x25: {  	[simem:s6], [sflag:s4] =	dma.local [hbm:s3], $0xF7A  }
0x26: {  	[smem:$0x3F8B] =	sst s1;
	(tag) =	ssettag s2;
	_ =	strace s9  }
0x27: {  	s1 =	sld [smem:$0x3F9B]  }
0x28: {  	s2 =	sld [smem:$0x3F9C]  }
0x29: {  	s4 =	sld [smem:$0x3F9E]  }
0x2a: {  	p0 =	seq.s32 s5, $0x0;
	s5 =	sld [smem:$0x3F9F]  }
0x2b: {  	s6 =	sld [smem:$0x3FA0]  }
0x2c: {  	s7 =	sld [smem:$0x3FA1]  }
0x2d: {  	s3 =	simm.s32 $0x108;
	s8 =	sld [smem:$0x3FA2]  }
0x2e: {  	s3 =	simm.s32 @!p0 $0x1082;
	s9 =	sld [smem:$0x3FA3]  }
0x2f: {  	lr =	sadd.s32 s0, s3;
	s0 =	sld [smem:$0x3F9A]  }
0x30: {  	s3 =	sld [smem:$0x3F9D]  }
0x31: {  	[smem:$0x3FA6] =	sst s10  }
0x32: {  	s10 =	sld [smem:$0x3FA4];
	_ =	sdelay $0x3  }
0x33: {  	p0 =	seq.s32 s10, $0x1;
	s10 =	sld [smem:$0x3FA6];
	_ =	sdelay $0x3  }
0x34: {  	[smem:$0x3FA6] =	sst s10  }
0x35: {  	s10 =	sld [smem:$0x3FA5];
	_ =	sdelay $0x3  }
0x36: {  	p1 =	seq.s32 s10, $0x1;
	s10 =	sld [smem:$0x3FA6];
	_ =	sdelay $0x3  }
0x37: {  	[smem:$0x3FA6] =	sst s10  }
0x38: {  	s10 =	sld [smem:$0x3FA7]  }
0x39: {  	_ = 	snop;
	(pc) =	sbr.ind lr, $3  }
0x3a: {  	_ = 	snop  }
0x3b: {  	_ = 	snop  }
0x3c: {  	p2 =	seq.s32 s10, $0x1;
	s10 =	sld [smem:$0x3FA6]  }
0x3d: {  	_ =	shalt  }
0x3e: {  	_ =	shalt  }
0x3f: {  	_ =	shalt  }
0x40: {  	_ =	shalt  }
0x41: {  	_ =	shalt  }
0x42: {  	_ =	shalt  }
0x43: {  	_ =	shalt  }
0x44: {  	_ =	shalt  }
0x45: {  	_ =	shalt  }
0x46: {  	_ =	shalt  }
0x47: {  	_ =	shalt  }
0x48: {  	_ =	shalt  }
0x49: {  	_ =	shalt  }
0x4a: {  	_ =	shalt  }
0x4b: {  	_ =	shalt  }
0x4c: {  	_ =	shalt  }
0x4d: {  	_ =	shalt  }
0x4e: {  	_ =	shalt  }
0x4f: {  	_ =	shalt  }
0x50: {  	_ =	shalt  }
0x51: {  	_ =	shalt  }
0x52: {  	_ =	shalt  }
0x53: {  	_ =	shalt  }
0x54: {  	_ =	shalt  }
0x55: {  	_ =	shalt  }
0x56: {  	_ =	shalt  }
0x57: {  	_ =	shalt  }
0x58: {  	_ =	shalt  }
0x59: {  	_ =	shalt  }
0x5a: {  	_ =	shalt  }
0x5b: {  	_ =	shalt  }
0x5c: {  	_ =	shalt  }
0x5d: {  	_ =	shalt  }
0x5e: {  	_ =	shalt  }
0x5f: {  	_ =	shalt  }
0x60: {  	_ =	shalt  }
0x61: {  	_ =	shalt  }
0x62: {  	_ =	shalt  }
0x63: {  	_ =	shalt  }
0x64: {  	_ =	shalt  }
0x65: {  	_ =	shalt  }
0x66: {  	_ =	shalt  }
0x67: {  	_ =	shalt  }
0x68: {  	_ =	shalt  }
0x69: {  	_ =	shalt  }
0x6a: {  	_ =	shalt  }
0x6b: {  	_ =	shalt  }
0x6c: {  	_ =	shalt  }
0x6d: {  	_ =	shalt  }
0x6e: {  	_ =	shalt  }
0x6f: {  	_ =	shalt  }
0x70: {  	_ =	shalt  }
0x71: {  	_ =	shalt  }
0x72: {  	_ =	shalt  }
0x73: {  	_ =	shalt  }
0x74: {  	_ =	shalt  }
0x75: {  	_ =	shalt  }
0x76: {  	_ =	shalt  }
0x77: {  	_ =	shalt  }
0x78: {  	_ =	shalt  }
0x79: {  	_ =	shalt  }
0x7a: {  	_ =	shalt  }
0x7b: {  	_ =	shalt  }
0x7c: {  	_ =	shalt  }
0x7d: {  	_ =	shalt  }
0x7e: {  	_ =	shalt  }
0x7f: {  	_ =	shalt  }
0x80: {  	_ =	shalt  }
0x81: {  	_ =	shalt  }
0x82: {  	_ =	shalt  }
0x83: {  	_ =	shalt  }
0x84: {  	_ =	shalt  }
0x85: {  	_ =	shalt  }
0x86: {  	_ =	shalt  }
0x87: {  	_ =	shalt  }
.Lfunc_end0:
.L_simem_size_0:
called_computation.3_lowered:
.L_overlay_start_0:
0x88: {  	s2 =	sld [smem:$0x3FD9]  }
0x89: {  	s3 =	sld [smem:$0x3FFE];
	_ =	sdelay $0x1  }
0x8a: {  	s1 =	srdreg.scid  }
0x8b: {  	s0 =	sand.u32 $0x1, s1  }
0x8c: {  	s14 =	sshll.u32 s0, $0xA;
	s2 =	sadd.s32 s3, s2  }
0x8d: {  	s2 =	sadd.s32 s2, s14  }
0x8e: {  	[smem:$0x3FB2] =	sst s2  }
0x8f: {  	_ = 	snop  }
0x90: {  	s2 =	sld [smem:$0x3FD0];
	_ =	sdelay $0x2  }
0x91: {  	s15 =	simm.s32 $0xA;
	s4 =	simm.s32 $0x10  }
0x92: {  	[smem:s4], [sflag:s15] =	dma.local [hbm:s2], $0x1  }
0x93: {  	_ =	swait.eq [sflag:s15], $0x1  }
0x94: {  	[sflag:s15] =	ssyncset.done $0x0  }
0x95: {  	[sflag:s15] =	ssyncadd.s32 $0xFFFFFFFF  }
0x96: {  	s16 =	sld [smem:$0x11];
	(tm) =	ssettm $0x1  }
0x97: {  	s17 =	sld [smem:$0x3FFB];
	_ =	sdelay $0x3  }
0x98: {  	_ =	strace s17  }
0x99: {  	s3 =	sld [smem:$0x3FFC];
	_ =	sdelay $0x3  }
0x9a: {  	_ =	strace s3  }
0x9b: {  	s3 =	sld [smem:$0x3FFD];
	_ =	sdelay $0x3  }
0x9c: {  	_ =	strace s3  }
0x9d: {  	_ =	strace $0x8FFFFFFF  }
0x9e: {  	s18 =	sld [smem:$0x3FDB];
	_ =	sdelay $0x1  }
0x9f: {  	s19 =	simm.s32 $_scs_section_size  }
0xa0: {  	s5 =	simm.s32 $_size__tile_overlayer_lowered;
	s6 =	simm.s32 $_tile_overlayer_lowered  }
0xa1: {  	s22 =	simm.s32 $0x1BFF;
	s21 =	sshll.u32 s6, $0x1;
	s3 =	sadd.s32 s19, s18  }
0xa2: {  	s7 =	simm.s32 $0x0;
	s20 =	sshll.u32 s5, $0x1;
	s5 =	sadd.s32 s21, s3  }
0xa3: {  	[timem:s7], [sflag:s22] =	dma.local [hbm:s5], s20  }
0xa4: {  	_ =	swait.ge [sflag:s22], s20  }
0xa5: {  	s4 =	ssub.s32 $0x0, s20;
	[sflag:s22] =	ssyncset.done $0x0  }
0xa6: {  	[sflag:s22] =	ssyncadd.s32 s4;
	_ =	sdelay $0x1  }
0xa7: {  	s23 =	simm.s32 $0x1B8B  }
0xa8: {  	_ =	swait.ge [sflag:s23], $0x1  }
0xa9: {  	[sflag:s23] =	ssyncset.done $0x0  }
0xaa: {  	s25 =	simm.s32 $0x1B8E;
	s24 =	sld [smem:$0x3FFE];
	[sflag:s23] =	ssyncadd.s32 $0xFFFFFFFF  }
0xab: {  	s26 =	simm.s32 $execute0_lowered;
	[smem:$0x3FD2] =	sst s25  }
0xac: {  	s5 =	sshll.u32 s26, $0x1;
	_ =	strace $0x8000004F;
	[dreg:$0x1] =	wrdreg $0xFFFFFFFF  }
0xad: {  	s28 =	simm.s32 $_size_execute0_lowered;
	s3 =	sadd.s32 s3, s5;
	[dreg:$0x0] =	wrdreg $0x0  }
0xae: {  	s5 =	sshll.u32 s28, $0x1;
	[dreg:$0x2] =	wrdreg s3  }
0xaf: {  	[dreg:$0x3] =	wrdreg s5  }
0xb0: {  	[dreg:$0x4] =	wrdreg $0xC0  }
0xb1: {  	_ =	task [dreg:s7], $0x5FFFF  }
0xb2: {  	[dreg:$0x1] =	wrdreg $0xFFFFFFFF  }
0xb3: {  	[dreg:$0x0] =	wrdreg $0x60  }
0xb4: {  	[dreg:$0x2] =	wrdreg s24  }
0xb5: {  	[dreg:$0x3] =	wrdreg s16  }
0xb6: {  	[dreg:$0x4] =	wrdreg $0xD0000  }
0xb7: {  	[dreg:$0x5] =	wrdreg $0x9  }
0xb8: {  	_ =	task.clear_ibuf [dreg:s7], $0x6FFFF;
	_ =	strace $0x9000004F  }
0xb9: {  	s29 =	simm.s32 $0x9;
	_ =	strace $0x80000051  }
0xba: {  	_ =	swait.ge [sflag:s29], $0x1  }
0xbb: {  	[sflag:s29] =	ssyncadd.s32 $0xFFFFFFFF  }
0xbc: {  	_ =	strace $0x90000051  }
0xbd: {  	_ =	sfence  }
0xbe: {  	s30 =	sld [smem:$0x0];
	_ =	sdelay $0x2  }
0xbf: {  	s31 =	sshll.u32 s1, $0xD;
	s1 =	sshrl.u32 s1, $0x2  }
0xc0: {  	s3 =	sand.u32 $0x4000, s31;
	s1 =	sadd.s32 s1, s30  }
0xc1: {  	s0 =	sor.u32 s3, s0;
	s1 =	sshll.u32 s1, $0x11  }
0xc2: {  	s0 =	sor.u32 s1, s0  }
0xc3: {  	s0 =	sadd.s32 $0x8F2B, s0  }
0xc4: {  	[sflag:s0] =	ssyncadd.remote.s32 $0x1  }
0xc5: {  	_ =	sfence.sel $0xFFFF  }
0xc6: {  	[dreg:$0x0] =	wrdreg $0xFFFFFFFF;
	(pc) =	sbr.abs _section_cstart, $3  }
0xc7: {  	[dreg:$0x1] =	wrdreg $0xFFFFFFFF  }
0xc8: {  	_ =	task.clear_ibuf [dreg:s7], $0x2FFFF;
	_ =	strace $0x9FFFFFFF  }
0xc9: {  	(tm) =	ssettm $0x7FFFFFFF  }
tec
execute0_lowered:
.L_overlay_start_1:
0x0: {  	(tag) =	ssettag $0x1  }
0x1: {  	s0 =	rddreg [dreg:$0x0]  }
0x2: {  	s3 =	rddreg [dreg:$0x2]  }
0x3: {  	s1 =	srdreg.scid;
	s8 =	stileid.u32;
	s4 =	simm.s32 $0x0  }
0x4: {  	s14 =	simm.s32 $0x6;
	s15 =	simm.s32 $0x80;
	s16 =	simm.s32 $0x5000  }
0x5: {  	s17 =	simm.s32 $0x7000;
	s19 =	simm.s32 $0x9000;
	s21 =	simm.s32 $0xB000  }
0x6: {  	s22 =	simm.s32 $0x7;
	s23 =	simm.s32 $0x5;
	s24 =	simm.s32 $0x1  }
0x7: {  	s25 =	simm.s32 $0x8;
	s28 =	simm.s32 $0x3;
	s29 =	simm.s32 $0x4  }
0x8: {  	s30 =	simm.s32 $0x4E00;
	s31 =	simm.s32 $0x4E80;
	s1 =	sand.u32 $0x1, s1  }
0x9: {  	s2 =	smul.u32 $0x9E00, s8;
	s5 =	sshll.u32 s8, $0x1;
	[smem:$0x7FF] =	sst s4  }
0xa: {  	s6 =	smul.u32 $0x9E000, s1;
	s5 =	sor.u32 s1, s5;
	s1 =	ssub.s32 $0x2, s1  }
0xb: {  	_ =	strace $0x80000050;
	s7 =	smul.u32 $0x500, s5;
	s26 =	sshrl.u32 s1, $0x1  }
0xc: {  	s5 =	sadd.s32 $0x18200, s0;
	s6 =	sadd.s32 s2, s6;
	s1 =	ssub.s32 s1, s26  }
0xd: {  	s2 =	sadd.s32 s2, s3;
	s26 =	simm.s32 $0x2;
	s6 =	sshrl.u32 s6, $0x3  }
0xe: {  	s9 =	sadd.s32 s7, s0;
	s11 =	smax.u32 s1, $0x1;
	s12 =	sshrl.u32 s2, $0x3  }
0xf: {  	s1 =	simm.s32 $0x4F80;
	s2 =	simm.s32 $0x0;
	s0 =	sadd.s32 s6, s0  }
0x10: {  	s6 =	sshll.u32 s8, $0x6;
	s8 =	sadd.s32 $0x4200, s9;
	s9 =	sadd.s32 $0xE200, s9  }
0x11: {  	s7 =	sor.u32 $0x1C05, s6;
	s10 =	sadd.s32 $0x2BE00, s0;
	s0 =	simm.s32 $0x4F00  }
.LBB2_1:
0x12: {  	s13 =	rddreg [dreg:$0x1]  }
0x13: {  	[spmem:s12], [sflag:s7] =	dma.local [hbm:s13], $0x13C0  }
0x14: {  	[tilespmem:s4], [sflag:$0x6] =	stream.linear.gather [hbm4b:s8+s4], $0x2800, $0x38;
	[tilespmem:$0x16E00] =	vst v63  }
0x15: {  	s18 =	simm.s32 $0x2800  }
0x16: {  	[tilespmem:s18], [sflag:$0x7] =	stream.linear.gather [hbm4b:s9+s4], $0x2800, $0x38;
	[tilespmem:$0x16E00] =	vst v63  }
0x17: {  	_ =	swait.ge [sflag:s14], $0x2800  }
0x18: {  	[sflag:s14] =	ssyncset.done $0x0  }
0x19: {  	[sflag:s14] =	ssyncadd.s32 $0xFFFFD800  }
0x1a: {  	[tilespmem:s16], [sflag:$0x1] =	stream.indirect.gather [hbm4b:s5+s15], $0x40, s4, s15, $0xb8;
	[tilespmem:$0x16E00] =	vst v63  }
0x1b: {  	_ = 	snop  }
0x1c: {  	[tilespmem:s17], [sflag:$0x2] =	stream.indirect.gather [hbm4b:s5+s15], $0x40, s15, s15, $0xb8;
	[tilespmem:$0x16E00] =	vst v63  }
0x1d: {  	s20 =	simm.s32 $0x100  }
0x1e: {  	[tilespmem:s19], [sflag:$0x3] =	stream.indirect.gather [hbm4b:s5+s15], $0x40, s20, s15, $0xb8;
	[tilespmem:$0x16E00] =	vst v63  }
0x1f: {  	s18 =	simm.s32 $0x180  }
0x20: {  	[tilespmem:s21], [sflag:$0x4] =	stream.indirect.gather [hbm4b:s5+s15], $0x40, s18, s15, $0xb8;
	[tilespmem:$0x16E00] =	vst v63  }
0x21: {  	_ =	swait.ge [sflag:s22], $0x2800  }
0x22: {  	[sflag:s22] =	ssyncset.done $0x0  }
0x23: {  	[sflag:s22] =	ssyncadd.s32 $0xFFFFD800  }
0x24: {  	_ =	swait.ge [sflag:s23], $0x13C0  }
0x25: {  	[sflag:s23] =	ssyncset.done $0x0  }
0x26: {  	[sflag:s23] =	ssyncadd.s32 $0xFFFFEC40  }
0x27: {  	[bflag:$0x0] =	sbarrier.arrive $0xFFFF  }
0x28: {  	_ =	swait.ge [sflag:s24], $0x2000  }
0x29: {  	[sflag:s24] =	ssyncset.done $0x0  }
0x2a: {  	s20 =	simm.s32 $0x2800;
	[sflag:s24] =	ssyncadd.s32 $0xFFFFE000  }
0x2b: {  	[spmem:s3] =	stream.indirect.scatter.add.f32 [tilespmem:s16], [sflag:$0x8], $0x40, s20, s15, $0xb8;
	[tilespmem:$0x16E00] =	vst v63  }
0x2c: {  	_ =	swait.ge [sflag:s25], $0x2000  }
0x2d: {  	[sflag:s25] =	ssyncset.done $0x0  }
0x2e: {  	s18 =	simm.s32 $0x200;
	[sflag:s25] =	ssyncadd.s32 $0xFFFFE000  }
0x2f: {  	[tilespmem:s16], [sflag:$0x1] =	stream.indirect.gather [hbm4b:s5+s15], $0x40, s18, s15, $0xb8;
	[tilespmem:$0x16E00] =	vst v63  }
0x30: {  	_ =	swait.ge [sflag:s26], $0x2000  }
0x31: {  	[sflag:s26] =	ssyncset.done $0x0  }
0x32: {  	s20 =	simm.s32 $0x2880;
	[sflag:s26] =	ssyncadd.s32 $0xFFFFE000  }
0x33: {  	[spmem:s3] =	stream.indirect.scatter.add.f32 [tilespmem:s17], [sflag:$0x8], $0x40, s20, s15, $0xb8;
	[tilespmem:$0x16E00] =	vst v63  }
0x34: {  	_ =	swait.ge [sflag:s25], $0x2000  }
0x35: {  	[sflag:s25] =	ssyncset.done $0x0  }
0x36: {  	s18 =	simm.s32 $0x280;
	[sflag:s25] =	ssyncadd.s32 $0xFFFFE000  }
0x37: {  	[tilespmem:s17], [sflag:$0x2] =	stream.indirect.gather [hbm4b:s5+s15], $0x40, s18, s15, $0xb8;
	[tilespmem:$0x16E00] =	vst v63  }
0x38: {  	_ =	swait.ge [sflag:s28], $0x2000  }
0x39: {  	[sflag:s28] =	ssyncset.done $0x0  }
0x3a: {  	s20 =	simm.s32 $0x2900;
	[sflag:s28] =	ssyncadd.s32 $0xFFFFE000  }
0x3b: {  	[spmem:s3] =	stream.indirect.scatter.add.f32 [tilespmem:s19], [sflag:$0x8], $0x40, s20, s15, $0xb8;
	[tilespmem:$0x16E00] =	vst v63  }
0x3c: {  	_ =	swait.ge [sflag:s25], $0x2000  }
0x3d: {  	[sflag:s25] =	ssyncset.done $0x0  }
0x3e: {  	s18 =	simm.s32 $0x300;
	[sflag:s25] =	ssyncadd.s32 $0xFFFFE000  }
0x3f: {  	[tilespmem:s19], [sflag:$0x3] =	stream.indirect.gather [hbm4b:s5+s15], $0x40, s18, s15, $0xb8;
	[tilespmem:$0x16E00] =	vst v63  }
0x40: {  	_ =	swait.ge [sflag:s29], $0x2000  }
0x41: {  	[sflag:s29] =	ssyncset.done $0x0  }
0x42: {  	s20 =	simm.s32 $0x2980;
	[sflag:s29] =	ssyncadd.s32 $0xFFFFE000  }
0x43: {  	[spmem:s3] =	stream.indirect.scatter.add.f32 [tilespmem:s21], [sflag:$0x8], $0x40, s20, s15, $0xb8;
	[tilespmem:$0x16E00] =	vst v63  }
0x44: {  	_ =	swait.ge [sflag:s25], $0x2000  }
0x45: {  	[sflag:s25] =	ssyncset.done $0x0  }
0x46: {  	s13 =	simm.s32 $0x800;
	s18 =	simm.s32 $0x380;
	[sflag:s25] =	ssyncadd.s32 $0xFFFFE000  }
.LBB2_2:
0x47: {  	[tilespmem:s21], [sflag:$0x4] =	stream.indirect.gather [hbm4b:s5+s15], $0x40, s18, s15, $0xb8;
	[tilespmem:$0x16E00] =	vst v63  }
0x48: {  	s18 =	smov.u32 s13  }
0x49: {  	p0 =	sne.s32 s13, $0x9000;
	s13 =	sadd.s32 $0x800, s13;
	_ =	swait.ge [sflag:s24], $0x2000  }
0x4a: {  	s18 =	sshra.s32 s18, $0x2;
	[sflag:s24] =	ssyncset.done $0x0  }
0x4b: {  	s20 =	sadd.s32 $0x2800, s18;
	[sflag:s24] =	ssyncadd.s32 $0xFFFFE000  }
0x4c: {  	[spmem:s3] =	stream.indirect.scatter.add.f32 [tilespmem:s16], [sflag:$0x8], $0x40, s20, s15, $0xb8;
	[tilespmem:$0x16E00] =	vst v63  }
0x4d: {  	_ =	swait.ge [sflag:s25], $0x2000  }
0x4e: {  	[sflag:s25] =	ssyncset.done $0x0  }
0x4f: {  	s20 =	sadd.s32 $0x200, s18;
	[sflag:s25] =	ssyncadd.s32 $0xFFFFE000  }
0x50: {  	[tilespmem:s16], [sflag:$0x1] =	stream.indirect.gather [hbm4b:s5+s15], $0x40, s20, s15, $0xb8;
	[tilespmem:$0x16E00] =	vst v63  }
0x51: {  	_ =	swait.ge [sflag:s26], $0x2000  }
0x52: {  	[sflag:s26] =	ssyncset.done $0x0  }
0x53: {  	s20 =	sadd.s32 $0x2880, s18;
	[sflag:s26] =	ssyncadd.s32 $0xFFFFE000  }
0x54: {  	[spmem:s3] =	stream.indirect.scatter.add.f32 [tilespmem:s17], [sflag:$0x8], $0x40, s20, s15, $0xb8;
	[tilespmem:$0x16E00] =	vst v63  }
0x55: {  	_ =	swait.ge [sflag:s25], $0x2000  }
0x56: {  	[sflag:s25] =	ssyncset.done $0x0  }
0x57: {  	s20 =	sadd.s32 $0x280, s18;
	[sflag:s25] =	ssyncadd.s32 $0xFFFFE000  }
0x58: {  	[tilespmem:s17], [sflag:$0x2] =	stream.indirect.gather [hbm4b:s5+s15], $0x40, s20, s15, $0xb8;
	[tilespmem:$0x16E00] =	vst v63  }
0x59: {  	_ =	swait.ge [sflag:s28], $0x2000  }
0x5a: {  	[sflag:s28] =	ssyncset.done $0x0  }
0x5b: {  	s20 =	sadd.s32 $0x2900, s18;
	[sflag:s28] =	ssyncadd.s32 $0xFFFFE000  }
0x5c: {  	[spmem:s3] =	stream.indirect.scatter.add.f32 [tilespmem:s19], [sflag:$0x8], $0x40, s20, s15, $0xb8;
	[tilespmem:$0x16E00] =	vst v63  }
0x5d: {  	_ =	swait.ge [sflag:s25], $0x2000  }
0x5e: {  	[sflag:s25] =	ssyncset.done $0x0  }
0x5f: {  	s20 =	sadd.s32 $0x300, s18;
	[sflag:s25] =	ssyncadd.s32 $0xFFFFE000  }
0x60: {  	[tilespmem:s19], [sflag:$0x3] =	stream.indirect.gather [hbm4b:s5+s15], $0x40, s20, s15, $0xb8;
	[tilespmem:$0x16E00] =	vst v63  }
0x61: {  	_ =	swait.ge [sflag:s29], $0x2000  }
0x62: {  	[sflag:s29] =	ssyncset.done $0x0  }
.Ltmp0:
0x63: {  	s20 =	sadd.s32 $0x2980, s18;
	[sflag:s29] =	ssyncadd.s32 $0xFFFFE000;
	(pc) =	sbr.rel @p0 .LBB2_2-.Ltmp0, $4  }
0x64: {  	[spmem:s3] =	stream.indirect.scatter.add.f32 [tilespmem:s21], [sflag:$0x8], $0x40, s20, s15, $0xb8;
	[tilespmem:$0x16E00] =	vst v63  }
0x65: {  	_ =	swait.ge [sflag:s25], $0x2000  }
0x66: {  	[sflag:s25] =	ssyncset.done $0x0  }
0x67: {  	s18 =	sadd.s32 $0x380, s18;
	[sflag:s25] =	ssyncadd.s32 $0xFFFFE000  }
0x68: {  	[tilespmem:s21], [sflag:$0x4] =	stream.indirect.gather [hbm4b:s5+s15], $0x40, s18, s15, $0xb8;
	[tilespmem:$0x16E00] =	vst v63  }
0x69: {  	_ =	swait.ge [sflag:s24], $0x2000  }
0x6a: {  	[sflag:s24] =	ssyncset.done $0x0  }
0x6b: {  	[sflag:s24] =	ssyncadd.s32 $0xFFFFE000  }
0x6c: {  	[spmem:s3] =	stream.indirect.scatter.add.f32 [tilespmem:s16], [sflag:$0x8], $0x40, s30, s15, $0xb8;
	[tilespmem:$0x16E00] =	vst v63  }
0x6d: {  	_ =	swait.ge [sflag:s25], $0x2000  }
0x6e: {  	[sflag:s25] =	ssyncset.done $0x0  }
0x6f: {  	[sflag:s25] =	ssyncadd.s32 $0xFFFFE000  }
0x70: {  	_ =	swait.ge [sflag:s26], $0x2000  }
0x71: {  	[sflag:s26] =	ssyncset.done $0x0  }
0x72: {  	[sflag:s26] =	ssyncadd.s32 $0xFFFFE000  }
0x73: {  	[spmem:s3] =	stream.indirect.scatter.add.f32 [tilespmem:s17], [sflag:$0x8], $0x40, s31, s15, $0xb8;
	[tilespmem:$0x16E00] =	vst v63  }
0x74: {  	_ =	swait.ge [sflag:s25], $0x2000  }
0x75: {  	[sflag:s25] =	ssyncset.done $0x0  }
0x76: {  	[sflag:s25] =	ssyncadd.s32 $0xFFFFE000  }
0x77: {  	_ =	swait.ge [sflag:s28], $0x2000  }
0x78: {  	[sflag:s28] =	ssyncset.done $0x0  }
0x79: {  	[sflag:s28] =	ssyncadd.s32 $0xFFFFE000  }
0x7a: {  	[spmem:s3] =	stream.indirect.scatter.add.f32 [tilespmem:s19], [sflag:$0x8], $0x40, s0, s15, $0xb8;
	[tilespmem:$0x16E00] =	vst v63  }
0x7b: {  	_ =	swait.ge [sflag:s25], $0x2000  }
0x7c: {  	[sflag:s25] =	ssyncset.done $0x0  }
0x7d: {  	[sflag:s25] =	ssyncadd.s32 $0xFFFFE000  }
0x7e: {  	_ =	swait.ge [sflag:s29], $0x2000  }
0x7f: {  	[sflag:s29] =	ssyncset.done $0x0  }
0x80: {  	[sflag:s29] =	ssyncadd.s32 $0xFFFFE000  }
0x81: {  	[spmem:s3] =	stream.indirect.scatter.add.f32 [tilespmem:s21], [sflag:$0x8], $0x40, s1, s15, $0xb8;
	[tilespmem:$0x16E00] =	vst v63  }
0x82: {  	_ =	swait.ge [sflag:s25], $0x2000  }
0x83: {  	s2 =	sadd.s32 $0x1, s2;
	[sflag:s25] =	ssyncset.done $0x0  }
0x84: {  	p0 =	sne.s32 s2, s11;
	[sflag:s25] =	ssyncadd.s32 $0xFFFFE000  }
.Ltmp1:
0x85: {  	s13 =	sor.u32 $0x1C08, s6;
	[bflag:$0x0] =	sbarrier.arrive $0xFFFF;
	(pc) =	sbr.rel @p0 .LBB2_1-.Ltmp1, $4  }
0x86: {  	[hbm:s10], [sflag:s13] =	dma.local [spmem:s12], $0x13C0  }
0x87: {  	_ =	swait.ge [sflag:s25], $0x13C0  }
0x88: {  	[sflag:s25] =	ssyncset.done $0x0  }
0x89: {  	[sflag:s25] =	ssyncadd.s32 $0xFFFFEC40  }
0x8a: {  	_ =	sfence.sel $0x180000  }
0x8b: {  	[bflag:$0x0] =	sbarrier.arrive $0xFFFF  }
0x8c: {  	_ =	strace $0x90000050  }
0x8d: {  	s0 =	stileid.u32;
	[bflag:$0x2] =	sbarrier.arrive $0xFFFF  }
0x8e: {  	p0 =	sne.s32 s0, $0x0;
	s0 =	rddreg [dreg:$0x3]  }
0x8f: {  	s0 =	sadd.s32 @!p0 $0x100000, s0  }
0x90: {  	[sflag:s0] =	ssyncadd.tile.s32 @!p0 $0x1;
	_ =	shalt  }
.Lfunc_end2:
_tile_overlayer_lowered:
.L_overlay_start_2:
0x91: {  	(tag) =	ssettag $0x2  }
0x92: {  	s0 =	rddreg [dreg:$0x0];
	s2 =	stileid.u32  }
0x93: {  	s1 =	rddreg [dreg:$0x1];
	p0 =	sne.s32 s2, $0x0  }
0x94: {  	s3 =	rddreg [dreg:$0x2];
	[bflag:$0x3] =	sbarrier.arrive $0xFFFF;
	s2 =	simm.s32 @!p0 $0x1C08  }
0x95: {  	[timem:s3], [sflag:s2] =	dma.local @!p0 [hbm:s0], s1  }
0x96: {  	s0 =	simm.s32 @!p0 $0x8  }
0x97: {  	_ =	swait.ge @!p0 [sflag:s0], s1  }
0x98: {  	s1 =	ssub.s32 @!p0 $0x0, s1;
	[sflag:s0] =	ssyncset.done @!p0 $0x0  }
0x99: {  	[sflag:s0] =	ssyncadd.s32 @!p0 s1  }
0x9a: {  	[bflag:$0x3] =	sbarrier.arrive $0xFFFF  }
0x9b: {  	_ =	shalt  }

</sc_bundles>
